<compile_context>
chip_gen: v7x
topology: tpu7x:2x2x1
jax: 0.10.2.dev20260603
libtpu: 0.0.44.dev20260713+nightly
codegen_flags: <defaults>
</compile_context>

<pallas_src>
import jax
import jax.numpy as jnp
from jax import lax
from jax.experimental import pallas as pl
from jax.experimental.pallas import tpu as pltpu
from jax.experimental.pallas import tpu_sc as plsc

N = 10000
IN_DIM = 128
H = 16
E = 320000

NTILES = 16
CHUNK = 128
NCHUNKS = E // CHUNK
CMIN = NCHUNKS // NTILES
CREM = NCHUNKS % NTILES
CMIN2 = NCHUNKS // 32
CREM2 = NCHUNKS % 32
NSLICE = 640
NB = 4
TSPLIT = 52

_SC_PARAMS = pltpu.CompilerParams(
    needs_layout_passes=False, use_tc_tiling_on_sc=False)



def _mm_body(x_ref, w_ref, o_ref):
    o_ref[...] = jnp.dot(x_ref[...], w_ref[...],
                         preferred_element_type=jnp.float32)


def _matmul(x, W1):
    return pl.pallas_call(
        _mm_body,
        out_shape=jax.ShapeDtypeStruct((N, H), jnp.float32),
        grid=(5,),
        in_specs=[
            pl.BlockSpec((2000, IN_DIM), lambda i: (i, 0)),
            pl.BlockSpec((IN_DIM, H), lambda i: (0, 0)),
        ],
        out_specs=pl.BlockSpec((2000, H), lambda i: (i, 0)),
    )(x, W1)



def _rsqrt16(d):
    ih = plsc.bitcast(d, jnp.int32)
    y = plsc.bitcast(jnp.int32(0x5F3759DF) - (ih >> 1), jnp.float32)
    hd = 0.5 * d
    y = y * (1.5 - hd * y * y)
    y = y * (1.5 - hd * y * y)
    y = y * (1.5 - hd * y * y)
    return y


def _chunk_range(sid):
    cnt = CMIN + jnp.where(sid < CREM, 1, 0)
    cbase = CMIN * sid + lax.min(sid, CREM)
    return cbase, cnt


def _stage_edges(ei_hbm, ei_v, sid):
    cbase, cnt = _chunk_range(sid)
    pltpu.sync_copy(ei_hbm.at[pl.ds(cbase, CMIN)], ei_v.at[pl.ds(0, CMIN)])

    @pl.when(sid < CREM)
    def _tail():
        pltpu.sync_copy(ei_hbm.at[pl.ds(cbase + CMIN, 1)],
                        ei_v.at[pl.ds(CMIN, 1)])
    return cnt


def _edge_pass(ei_v, cnt, table_sh, acc_sh, bufs, gsems, ssems,
               table_hbm=None, tsplit=0):
    def fire_gather(j, b):
        if table_hbm is None:
            pltpu.async_copy(table_sh.at[ei_v.at[j, 0]], bufs.at[b],
                             gsems.at[b])
        else:
            @pl.when(j < tsplit)
            def _hbm():
                pltpu.async_copy(table_hbm.at[ei_v.at[j, 0]], bufs.at[b],
                                 gsems.at[b])

            @pl.when(j >= tsplit)
            def _sp():
                pltpu.async_copy(table_sh.at[ei_v.at[j, 0]], bufs.at[b],
                                 gsems.at[b])

    fire_gather(0, 0)
    fire_gather(1, 1)

    def step(j, c):
        b = lax.rem(j, NB)
        bn = lax.rem(j + 2, NB)

        @pl.when(j + 2 < cnt)
        def _prefetch():
            @pl.when(j >= 2)
            def _drain():
                pltpu.make_async_copy(
                    bufs.at[bn], acc_sh.at[ei_v.at[j - 2, 1]],
                    ssems.at[bn]).wait()
            fire_gather(j + 2, bn)

        pltpu.make_async_copy(
            table_sh.at[ei_v.at[j, 0]], bufs.at[b], gsems.at[b]).wait()
        pltpu.async_copy(bufs.at[b], acc_sh.at[ei_v.at[j, 1]], ssems.at[b],
                         add=True)
        return c

    lax.fori_loop(0, cnt, step, 0)

    def drain(j, c):
        b = lax.rem(j, NB)
        pltpu.make_async_copy(
            bufs.at[b], acc_sh.at[ei_v.at[j, 1]], ssems.at[b]).wait()
        return c
    lax.fori_loop(cnt - NB, cnt, drain, 0)



def _deg_body(ei_hbm, degp_hbm,
              deg_sh, ei_v, ones_v, sc_v, dsems):
    cid = lax.axis_index("c")
    sid = lax.axis_index("s")
    wid = cid * NTILES + sid
    nbase = lax.min(sid * NSLICE, N - NSLICE)
    cbase = CMIN2 * wid + lax.min(wid, CREM2)
    cnt = CMIN2 + jnp.where(wid < CREM2, 1, 0)
    pltpu.sync_copy(ei_hbm.at[pl.ds(cbase, CMIN2)], ei_v.at[pl.ds(0, CMIN2)])

    @pl.when(wid < CREM2)
    def _tail_stage():
        pltpu.sync_copy(ei_hbm.at[pl.ds(cbase + CMIN2, 1)],
                        ei_v.at[pl.ds(CMIN2, 1)])
    for i in range(CHUNK // 16):
        ones_v[pl.ds(i * 16, 16)] = jnp.ones((16,), jnp.float32)

    def _zero(i, c):
        sc_v[pl.ds(i * 16, 16)] = jnp.zeros((16,), jnp.float32)
        return c
    lax.fori_loop(0, NSLICE // 16, _zero, 0)
    pltpu.sync_copy(sc_v, deg_sh.at[pl.ds(nbase, NSLICE)])
    plsc.subcore_barrier()

    def _deg(j, c):
        b = lax.rem(j, NB)

        @pl.when(j >= NB)
        def _drain():
            pltpu.make_async_copy(
                ones_v, deg_sh.at[ei_v.at[j - NB, 1]], dsems.at[b]).wait()
        pltpu.async_copy(ones_v, deg_sh.at[ei_v.at[j, 1]], dsems.at[b],
                         add=True)
        return c
    lax.fori_loop(0, cnt, _deg, 0)

    def _ddrain(j, c):
        pltpu.make_async_copy(
            ones_v, deg_sh.at[ei_v.at[j, 1]], dsems.at[lax.rem(j, NB)]).wait()
        return c
    lax.fori_loop(cnt - NB, cnt, _ddrain, 0)
    plsc.subcore_barrier()

    pltpu.sync_copy(deg_sh.at[pl.ds(nbase, NSLICE)], sc_v)
    pltpu.sync_copy(sc_v, degp_hbm.at[cid, pl.ds(nbase, NSLICE)])


_deg_sc = pl.kernel(
    _deg_body,
    out_type=jax.ShapeDtypeStruct((2, N), jnp.float32),
    mesh=plsc.VectorSubcoreMesh(
        core_axis_name="c", subcore_axis_name="s", num_cores=2),
    scratch_types=[
        pltpu.VMEM_SHARED((N,), jnp.float32),
        pltpu.VMEM((CMIN2 + 1, 2, CHUNK), jnp.int32),
        pltpu.VMEM((CHUNK,), jnp.float32),
        pltpu.VMEM((NSLICE,), jnp.float32),
        pltpu.SemaphoreType.DMA((NB,)),
    ],
    compiler_params=_SC_PARAMS,
)



def _gcn_body(h0_hbm, ei_hbm, degp_hbm, b1_hbm, w2_hbm, b2_hbm,
              out_hbm,
              g_sh, g_hbm, acc1_sh, gs_sh, acc2_sh,
              ei_v, rows4_v, svals4_v, nodes_v, dinv_v,
              sc_v, out_v, b1_v, w2_v, b2_v, gsems, ssems, esem):
    sid = lax.axis_index("s")
    nbase = lax.min(sid * NSLICE, N - NSLICE)
    cbase, cnt = _chunk_range(sid)

    pltpu.async_copy(ei_hbm.at[pl.ds(cbase, CMIN)],
                     ei_v.at[pl.ds(0, CMIN)], esem)

    @pl.when(sid < CREM)
    def _tail_fire():
        pltpu.async_copy(ei_hbm.at[pl.ds(cbase + CMIN, 1)],
                         ei_v.at[pl.ds(CMIN, 1)], esem)
    pltpu.sync_copy(b1_hbm, b1_v)
    pltpu.sync_copy(w2_hbm, w2_v)
    pltpu.sync_copy(b2_hbm, b2_v)

    pltpu.sync_copy(degp_hbm.at[0, pl.ds(nbase, NSLICE)], sc_v)
    pltpu.sync_copy(degp_hbm.at[1, pl.ds(nbase, NSLICE)], dinv_v)
    def _dinvm(i, c):
        d = sc_v[pl.ds(i * 16, 16)] + dinv_v[pl.ds(i * 16, 16)] + 1.0
        dinv_v[pl.ds(i * 16, 16)] = _rsqrt16(d)
        return c
    lax.fori_loop(0, NSLICE // 16, _dinvm, 0)

    pltpu.sync_copy(h0_hbm.at[pl.ds(nbase, NSLICE)], nodes_v)
    iota = lax.iota(jnp.int32, 16)
    def _scale(gi, c):
        dv = dinv_v[pl.ds(gi * 16, 16)]
        rows = gi * 16 + iota
        for k in range(H):
            cols = jnp.full((16,), k, jnp.int32)
            col = plsc.load_gather(nodes_v, [rows, cols])
            plsc.store_scatter(nodes_v, [rows, cols], col * dv)
        return c
    lax.fori_loop(0, NSLICE // 16, _scale, 0)
    pltpu.sync_copy(nodes_v, g_sh.at[pl.ds(nbase, NSLICE)])
    pltpu.sync_copy(nodes_v, g_hbm.at[pl.ds(nbase, NSLICE)])
    pltpu.sync_copy(nodes_v, acc1_sh.at[pl.ds(nbase, NSLICE)])
    plsc.subcore_barrier()

    pltpu.make_async_copy(ei_hbm.at[pl.ds(cbase, CMIN)],
                          ei_v.at[pl.ds(0, CMIN)], esem).wait()

    @pl.when(sid < CREM)
    def _tail_wait():
        pltpu.make_async_copy(ei_hbm.at[pl.ds(cbase + CMIN, 1)],
                              ei_v.at[pl.ds(CMIN, 1)], esem).wait()
    _edge_pass(ei_v, cnt, g_sh, acc1_sh, rows4_v, gsems, ssems,
               table_hbm=g_hbm, tsplit=TSPLIT)
    plsc.subcore_barrier()

    pltpu.sync_copy(acc1_sh.at[pl.ds(nbase, NSLICE)], nodes_v)
    b1vec = b1_v[...]
    w2vec = w2_v[...]
    def _proj(gi, c):
        dv = dinv_v[pl.ds(gi * 16, 16)]
        acc = jnp.zeros((16,), jnp.float32)
        rows = gi * 16 + iota
        for k in range(H):
            col = plsc.load_gather(
                nodes_v, [rows, jnp.full((16,), k, jnp.int32)])
            hk = jnp.maximum(col * dv + b1vec[k], 0.0)
            acc = acc + hk * w2vec[k]
        sc_v[pl.ds(gi * 16, 16)] = acc * dv
        return c
    lax.fori_loop(0, NSLICE // 16, _proj, 0)
    pltpu.sync_copy(sc_v, gs_sh.at[pl.ds(nbase, NSLICE)])
    pltpu.sync_copy(sc_v, acc2_sh.at[pl.ds(nbase, NSLICE)])
    plsc.subcore_barrier()

    _edge_pass(ei_v, cnt, gs_sh, acc2_sh, svals4_v, gsems, ssems)
    plsc.subcore_barrier()

    pltpu.sync_copy(acc2_sh.at[pl.ds(nbase, NSLICE)], sc_v)
    b2vec = b2_v[...]
    def _out(i, c):
        v = sc_v[pl.ds(i * 16, 16)] * dinv_v[pl.ds(i * 16, 16)] + b2vec
        out_v[pl.ds(i * 16, 16)] = v
        return c
    lax.fori_loop(0, NSLICE // 16, _out, 0)
    pltpu.sync_copy(out_v, out_hbm.at[pl.ds(nbase, NSLICE)])


_gcn_sc = pl.kernel(
    _gcn_body,
    out_type=jax.ShapeDtypeStruct((N,), jnp.float32),
    mesh=plsc.VectorSubcoreMesh(
        core_axis_name="c", subcore_axis_name="s", num_cores=1),
    scratch_types=[
        pltpu.VMEM_SHARED((N, H), jnp.float32),
        pltpu.HBM((N, H), jnp.float32),
        pltpu.VMEM_SHARED((N, H), jnp.float32),
        pltpu.VMEM_SHARED((N,), jnp.float32),
        pltpu.VMEM_SHARED((N,), jnp.float32),
        pltpu.VMEM((CMIN + 1, 2, CHUNK), jnp.int32),
        pltpu.VMEM((NB, CHUNK, H), jnp.float32),
        pltpu.VMEM((NB, CHUNK), jnp.float32),
        pltpu.VMEM((NSLICE, H), jnp.float32),
        pltpu.VMEM((NSLICE,), jnp.float32),
        pltpu.VMEM((NSLICE,), jnp.float32),
        pltpu.VMEM((NSLICE,), jnp.float32),
        pltpu.VMEM((16,), jnp.float32),
        pltpu.VMEM((16,), jnp.float32),
        pltpu.VMEM((16,), jnp.float32),
        pltpu.SemaphoreType.DMA((NB,)),
        pltpu.SemaphoreType.DMA((NB,)),
        pltpu.SemaphoreType.DMA,
    ],
    compiler_params=_SC_PARAMS,
)


@jax.jit
def kernel(x, edge_index, W1, b1, W2, b2):
    ei3 = edge_index.reshape(2, NCHUNKS, CHUNK).transpose(1, 0, 2)
    degp = _deg_sc(ei3)
    h0 = _matmul(x, W1)
    b1h = b1.astype(jnp.float32)
    w2h = W2.reshape(H).astype(jnp.float32)
    b2h = jnp.full((16,), b2[0], jnp.float32)
    return _gcn_sc(h0, ei3, degp, b1h, w2h, b2h)

# --- scband reference (transcript-rebuilt; emitter-appended) ---
"""Pipeline reference for scband-lesson-gcn-44702019616965 (READ-ONLY COPY).

The authoritative reference and input builder live on the scoring server;
editing this copy changes nothing except your own understanding.
"""

import jax, jax.numpy as jnp
import numpy as np

N = 10000
E = 320000
IN_DIM = 128
HIDDEN = 16
OUT = 1


def setup_inputs(seed: int = 0) -> dict:
    key = jax.random.key(seed)
    k1, k2, k3, k4, k5, k6 = jax.random.split(key, 6)
    x = jax.random.normal(k1, (N, IN_DIM), dtype=jnp.float32)
    edge_index = jax.random.randint(k2, (2, E), 0, N, dtype=jnp.int32)
    # GCNConv learned params (glorot-style init)
    W1 = jax.random.normal(k3, (IN_DIM, HIDDEN), dtype=jnp.float32) * (1.0 / np.sqrt(IN_DIM))
    b1 = jnp.zeros((HIDDEN,), dtype=jnp.float32)
    W2 = jax.random.normal(k4, (HIDDEN, OUT), dtype=jnp.float32) * (1.0 / np.sqrt(HIDDEN))
    b2 = jnp.zeros((OUT,), dtype=jnp.float32)
    return {"x": x, "edge_index": edge_index, "W1": W1, "b1": b1, "W2": W2, "b2": b2}


def _gcn_conv(x, edge_index, W, b, num_nodes):
    # PyG GCNConv: x' = D^{-1/2} (A + I) D^{-1/2} (X W) + b
    src = edge_index[0]
    dst = edge_index[1]
    loop = jnp.arange(num_nodes, dtype=src.dtype)
    src = jnp.concatenate([src, loop])
    dst = jnp.concatenate([dst, loop])
    h = x @ W
    deg = jax.ops.segment_sum(jnp.ones(dst.shape, dtype=h.dtype), dst, num_segments=num_nodes)
    dinv = jnp.where(deg > 0, jax.lax.rsqrt(deg), 0.0)
    norm = dinv[src] * dinv[dst]
    msgs = h[src] * norm[:, None]
    out = jax.ops.segment_sum(msgs, dst, num_segments=num_nodes)
    return out + b


def reference(x, edge_index, W1, b1, W2, b2):
    h = _gcn_conv(x, edge_index, W1, b1, N)
    h = jax.nn.relu(h)
    # dropout is identity in eval mode
    out = _gcn_conv(h, edge_index, W2, b2, N)
    return out.reshape(-1)

if __name__ == "__main__":
    import jax
    _d = setup_inputs()
    print(jax.jit(kernel)(*tuple(_d.values())))

</pallas_src>

<mosaic_0001>
#map = affine_map<(d0, d1) -> (0, 0, 0)>
#map1 = affine_map<(d0, d1) -> (0, 0)>
module attributes {stable_mosaic.version = 14 : i64} {
  func.func @_deg_body(%arg0: i32, %arg1: i32, %arg2: memref<2500x2x128xi32, #tpu.memory_space<hbm>>, %arg3: memref<2x10000xf32, #tpu.memory_space<hbm>>, %arg4: memref<10000xf32, #tpu.memory_space<vmem_shared>>, %arg5: memref<79x2x128xi32, #tpu.memory_space<vmem>>, %arg6: memref<128xf32, #tpu.memory_space<vmem>>, %arg7: memref<640xf32, #tpu.memory_space<vmem>>, %arg8: memref<4x!tpu.dma_semaphore, #tpu.memory_space<semaphore_mem>>) attributes {dimension_semantics = [#tpu.dimension_semantics<core_parallel>, #tpu.dimension_semantics<subcore_parallel>], iteration_bounds = array<i64: 2, 16>, scalar_prefetch = 0 : i64, scratch_operands = 5 : i64, tpu.core_type = #tpu.core_type<sc_vector_subcore>, window_params = [{transform_indices = #map}, {transform_indices = #map1}]} {
    %mul3A = arith.constant 16 : i32
    %mul3A_0 = arith.muli %arg0, %mul3A : i32
    %add3A = arith.addi %mul3A_0, %arg1 : i32
    %mul3A_1 = arith.constant 640 : i32
    %mul3A_2 = arith.muli %arg1, %mul3A_1 : i32
    %min3A = arith.constant 9360 : i32
    %min3A_3 = arith.minsi %mul3A_2, %min3A : i32
    %mul3A_4 = arith.constant 78 : i32
    %mul3A_5 = arith.muli %mul3A_4, %add3A : i32
    %min3A_6 = arith.constant 4 : i32
    %min3A_7 = arith.minsi %add3A, %min3A_6 : i32
    %add3A_8 = arith.addi %mul3A_5, %min3A_7 : i32
    %lt3A = arith.constant 4 : i32
    %lt3A_9 = arith.cmpi slt, %add3A, %lt3A : i32
    %jit3A = arith.constant 1 : i32
    %jit3A_10 = arith.constant 0 : i32
    %select_n3A = arith.select %lt3A_9, %jit3A, %jit3A_10 : i32
    %add3A_11 = arith.constant 78 : i32
    %add3A_12 = arith.addi %add3A_11, %select_n3A : i32
    "tpu.region"() ({
      %run_scoped3A = tpu.sem_alloc : memref<!tpu.dma_semaphore, #tpu.memory_space<semaphore_mem>>
      %dma_start3A = arith.constant 0 : i32
      %dma_start3A_71 = arith.constant 0 : i32
      %dma_start3A_72 = arith.constant 0 : i32
      %dma_start3A_73 = tpu.memref_slice %arg5[%dma_start3A, %dma_start3A_71, %dma_start3A_72] : memref<79x2x128xi32, #tpu.memory_space<vmem>> -> memref<78x2x128xi32, #tpu.memory_space<vmem>>
      %dma_start3A_74 = arith.constant 0 : i32
      %dma_start3A_75 = arith.constant 0 : i32
      %dma_start3A_76 = tpu.memref_slice %arg2[%add3A_8, %dma_start3A_74, %dma_start3A_75] : memref<2500x2x128xi32, #tpu.memory_space<hbm>> -> memref<78x2x128xi32, #tpu.memory_space<hbm>>
      %dma_start3A_77 = arith.constant 0 : i32
      %dma_start3A_78 = arith.constant 0 : i32
      %dma_start3A_79 = arith.constant 0 : i32
      %dma_start3A_80 = tpu.memref_slice %arg5[%dma_start3A_77, %dma_start3A_78, %dma_start3A_79] : memref<79x2x128xi32, #tpu.memory_space<vmem>> -> memref<78x2x128xi32, #tpu.memory_space<vmem>>
      %dma_start3A_81 = arith.constant 0 : i32
      %dma_start3A_82 = arith.constant 0 : i32
      %dma_start3A_83 = tpu.memref_slice %arg2[%add3A_8, %dma_start3A_81, %dma_start3A_82] : memref<2500x2x128xi32, #tpu.memory_space<hbm>> -> memref<78x2x128xi32, #tpu.memory_space<hbm>>
      tpu.enqueue_dma source(%dma_start3A_83 : memref<78x2x128xi32, #tpu.memory_space<hbm>>) target(%dma_start3A_80 : memref<78x2x128xi32, #tpu.memory_space<vmem>>) target_semaphore(%run_scoped3A : memref<!tpu.dma_semaphore, #tpu.memory_space<semaphore_mem>>)
      %dma_wait3A = arith.constant 0 : i32
      %dma_wait3A_84 = arith.constant 0 : i32
      %dma_wait3A_85 = arith.constant 0 : i32
      %dma_wait3A_86 = tpu.memref_slice %arg5[%dma_wait3A, %dma_wait3A_84, %dma_wait3A_85] : memref<79x2x128xi32, #tpu.memory_space<vmem>> -> memref<78x2x128xi32, #tpu.memory_space<vmem>>
      %dma_wait3A_87 = arith.constant 0 : i32
      %dma_wait3A_88 = arith.constant 0 : i32
      %dma_wait3A_89 = tpu.memref_slice %arg2[%add3A_8, %dma_wait3A_87, %dma_wait3A_88] : memref<2500x2x128xi32, #tpu.memory_space<hbm>> -> memref<78x2x128xi32, #tpu.memory_space<hbm>>
      %dma_wait3A_90 = arith.constant 0 : i32
      %dma_wait3A_91 = arith.constant 0 : i32
      %dma_wait3A_92 = arith.constant 0 : i32
      %dma_wait3A_93 = tpu.memref_slice %arg5[%dma_wait3A_90, %dma_wait3A_91, %dma_wait3A_92] : memref<79x2x128xi32, #tpu.memory_space<vmem>> -> memref<78x2x128xi32, #tpu.memory_space<vmem>>
      %dma_wait3A_94 = arith.constant 0 : i32
      %dma_wait3A_95 = arith.constant 0 : i32
      %dma_wait3A_96 = tpu.memref_slice %arg2[%add3A_8, %dma_wait3A_94, %dma_wait3A_95] : memref<2500x2x128xi32, #tpu.memory_space<hbm>> -> memref<78x2x128xi32, #tpu.memory_space<hbm>>
      tpu.wait_dma2 semaphore(%run_scoped3A : memref<!tpu.dma_semaphore, #tpu.memory_space<semaphore_mem>>) src(%dma_wait3A_96 : memref<78x2x128xi32, #tpu.memory_space<hbm>>) dst(%dma_wait3A_93 : memref<78x2x128xi32, #tpu.memory_space<vmem>>)
      tpu.yield
    }) : () -> ()
    %lt3A_13 = arith.constant 4 : i32
    %lt3A_14 = arith.cmpi slt, %add3A, %lt3A_13 : i32
    %convert_element_type3A = arith.extui %lt3A_14 : i1 to i32
    %cond3A = arith.constant 0 : i32
    %cond3A_15 = arith.cmpi ne, %convert_element_type3A, %cond3A : i32
    scf.if %cond3A_15 {
      %add3A_71 = arith.constant 78 : i32
      %add3A_72 = arith.addi %add3A_8, %add3A_71 : i32
      "tpu.region"() ({
        %run_scoped3A = tpu.sem_alloc : memref<!tpu.dma_semaphore, #tpu.memory_space<semaphore_mem>>
        %dma_start3A = arith.constant 78 : i32
        %dma_start3A_73 = arith.constant 0 : i32
        %dma_start3A_74 = arith.constant 0 : i32
        %dma_start3A_75 = tpu.memref_slice %arg5[%dma_start3A, %dma_start3A_73, %dma_start3A_74] : memref<79x2x128xi32, #tpu.memory_space<vmem>> -> memref<1x2x128xi32, #tpu.memory_space<vmem>>
        %dma_start3A_76 = arith.constant 0 : i32
        %dma_start3A_77 = arith.constant 0 : i32
        %dma_start3A_78 = tpu.memref_slice %arg2[%add3A_72, %dma_start3A_76, %dma_start3A_77] : memref<2500x2x128xi32, #tpu.memory_space<hbm>> -> memref<1x2x128xi32, #tpu.memory_space<hbm>>
        %dma_start3A_79 = arith.constant 78 : i32
        %dma_start3A_80 = arith.constant 0 : i32
        %dma_start3A_81 = arith.constant 0 : i32
        %dma_start3A_82 = tpu.memref_slice %arg5[%dma_start3A_79, %dma_start3A_80, %dma_start3A_81] : memref<79x2x128xi32, #tpu.memory_space<vmem>> -> memref<1x2x128xi32, #tpu.memory_space<vmem>>
        %dma_start3A_83 = arith.constant 0 : i32
        %dma_start3A_84 = arith.constant 0 : i32
        %dma_start3A_85 = tpu.memref_slice %arg2[%add3A_72, %dma_start3A_83, %dma_start3A_84] : memref<2500x2x128xi32, #tpu.memory_space<hbm>> -> memref<1x2x128xi32, #tpu.memory_space<hbm>>
        tpu.enqueue_dma source(%dma_start3A_85 : memref<1x2x128xi32, #tpu.memory_space<hbm>>) target(%dma_start3A_82 : memref<1x2x128xi32, #tpu.memory_space<vmem>>) target_semaphore(%run_scoped3A : memref<!tpu.dma_semaphore, #tpu.memory_space<semaphore_mem>>)
        %dma_wait3A = arith.constant 78 : i32
        %dma_wait3A_86 = arith.constant 0 : i32
        %dma_wait3A_87 = arith.constant 0 : i32
        %dma_wait3A_88 = tpu.memref_slice %arg5[%dma_wait3A, %dma_wait3A_86, %dma_wait3A_87] : memref<79x2x128xi32, #tpu.memory_space<vmem>> -> memref<1x2x128xi32, #tpu.memory_space<vmem>>
        %dma_wait3A_89 = arith.constant 0 : i32
        %dma_wait3A_90 = arith.constant 0 : i32
        %dma_wait3A_91 = tpu.memref_slice %arg2[%add3A_72, %dma_wait3A_89, %dma_wait3A_90] : memref<2500x2x128xi32, #tpu.memory_space<hbm>> -> memref<1x2x128xi32, #tpu.memory_space<hbm>>
        %dma_wait3A_92 = arith.constant 78 : i32
        %dma_wait3A_93 = arith.constant 0 : i32
        %dma_wait3A_94 = arith.constant 0 : i32
        %dma_wait3A_95 = tpu.memref_slice %arg5[%dma_wait3A_92, %dma_wait3A_93, %dma_wait3A_94] : memref<79x2x128xi32, #tpu.memory_space<vmem>> -> memref<1x2x128xi32, #tpu.memory_space<vmem>>
        %dma_wait3A_96 = arith.constant 0 : i32
        %dma_wait3A_97 = arith.constant 0 : i32
        %dma_wait3A_98 = tpu.memref_slice %arg2[%add3A_72, %dma_wait3A_96, %dma_wait3A_97] : memref<2500x2x128xi32, #tpu.memory_space<hbm>> -> memref<1x2x128xi32, #tpu.memory_space<hbm>>
        tpu.wait_dma2 semaphore(%run_scoped3A : memref<!tpu.dma_semaphore, #tpu.memory_space<semaphore_mem>>) src(%dma_wait3A_98 : memref<1x2x128xi32, #tpu.memory_space<hbm>>) dst(%dma_wait3A_95 : memref<1x2x128xi32, #tpu.memory_space<vmem>>)
        tpu.yield
      }) : () -> ()
    } else {
    }
    %broadcast_in_dim3A = arith.constant 1.000000e+00 : f32
    %broadcast_in_dim3A_16 = vector.broadcast %broadcast_in_dim3A : f32 to vector<16xf32>
    %swap3A = arith.constant 0 : index
    %swap3A_17 = tpu.vector_load %arg6[%swap3A] {strides = array<i32>} : memref<128xf32, #tpu.memory_space<vmem>>, vector<16xf32>,
    tpu.vector_store %arg6[%swap3A], %broadcast_in_dim3A_16 {strides = array<i32>} : memref<128xf32, #tpu.memory_space<vmem>>, vector<16xf32>,
    %broadcast_in_dim3A_18 = arith.constant 1.000000e+00 : f32
    %broadcast_in_dim3A_19 = vector.broadcast %broadcast_in_dim3A_18 : f32 to vector<16xf32>
    %swap3A_20 = arith.constant 16 : index
    %swap3A_21 = tpu.vector_load %arg6[%swap3A_20] {strides = array<i32>} : memref<128xf32, #tpu.memory_space<vmem>>, vector<16xf32>,
    tpu.vector_store %arg6[%swap3A_20], %broadcast_in_dim3A_19 {strides = array<i32>} : memref<128xf32, #tpu.memory_space<vmem>>, vector<16xf32>,
    %broadcast_in_dim3A_22 = arith.constant 1.000000e+00 : f32
    %broadcast_in_dim3A_23 = vector.broadcast %broadcast_in_dim3A_22 : f32 to vector<16xf32>
    %swap3A_24 = arith.constant 32 : index
    %swap3A_25 = tpu.vector_load %arg6[%swap3A_24] {strides = array<i32>} : memref<128xf32, #tpu.memory_space<vmem>>, vector<16xf32>,
    tpu.vector_store %arg6[%swap3A_24], %broadcast_in_dim3A_23 {strides = array<i32>} : memref<128xf32, #tpu.memory_space<vmem>>, vector<16xf32>,
    %broadcast_in_dim3A_26 = arith.constant 1.000000e+00 : f32
    %broadcast_in_dim3A_27 = vector.broadcast %broadcast_in_dim3A_26 : f32 to vector<16xf32>
    %swap3A_28 = arith.constant 48 : index
    %swap3A_29 = tpu.vector_load %arg6[%swap3A_28] {strides = array<i32>} : memref<128xf32, #tpu.memory_space<vmem>>, vector<16xf32>,
    tpu.vector_store %arg6[%swap3A_28], %broadcast_in_dim3A_27 {strides = array<i32>} : memref<128xf32, #tpu.memory_space<vmem>>, vector<16xf32>,
    %broadcast_in_dim3A_30 = arith.constant 1.000000e+00 : f32
    %broadcast_in_dim3A_31 = vector.broadcast %broadcast_in_dim3A_30 : f32 to vector<16xf32>
    %swap3A_32 = arith.constant 64 : index
    %swap3A_33 = tpu.vector_load %arg6[%swap3A_32] {strides = array<i32>} : memref<128xf32, #tpu.memory_space<vmem>>, vector<16xf32>,
    tpu.vector_store %arg6[%swap3A_32], %broadcast_in_dim3A_31 {strides = array<i32>} : memref<128xf32, #tpu.memory_space<vmem>>, vector<16xf32>,
    %broadcast_in_dim3A_34 = arith.constant 1.000000e+00 : f32
    %broadcast_in_dim3A_35 = vector.broadcast %broadcast_in_dim3A_34 : f32 to vector<16xf32>
    %swap3A_36 = arith.constant 80 : index
    %swap3A_37 = tpu.vector_load %arg6[%swap3A_36] {strides = array<i32>} : memref<128xf32, #tpu.memory_space<vmem>>, vector<16xf32>,
    tpu.vector_store %arg6[%swap3A_36], %broadcast_in_dim3A_35 {strides = array<i32>} : memref<128xf32, #tpu.memory_space<vmem>>, vector<16xf32>,
    %broadcast_in_dim3A_38 = arith.constant 1.000000e+00 : f32
    %broadcast_in_dim3A_39 = vector.broadcast %broadcast_in_dim3A_38 : f32 to vector<16xf32>
    %swap3A_40 = arith.constant 96 : index
    %swap3A_41 = tpu.vector_load %arg6[%swap3A_40] {strides = array<i32>} : memref<128xf32, #tpu.memory_space<vmem>>, vector<16xf32>,
    tpu.vector_store %arg6[%swap3A_40], %broadcast_in_dim3A_39 {strides = array<i32>} : memref<128xf32, #tpu.memory_space<vmem>>, vector<16xf32>,
    %broadcast_in_dim3A_42 = arith.constant 1.000000e+00 : f32
    %broadcast_in_dim3A_43 = vector.broadcast %broadcast_in_dim3A_42 : f32 to vector<16xf32>
    %swap3A_44 = arith.constant 112 : index
    %swap3A_45 = tpu.vector_load %arg6[%swap3A_44] {strides = array<i32>} : memref<128xf32, #tpu.memory_space<vmem>>, vector<16xf32>,
    tpu.vector_store %arg6[%swap3A_44], %broadcast_in_dim3A_43 {strides = array<i32>} : memref<128xf32, #tpu.memory_space<vmem>>, vector<16xf32>,
    %scan3A = arith.constant 0 : i32
    %scan3A_46 = arith.constant 0 : i32
    %scan3A_47 = arith.constant 40 : i32
    %scan3A_48 = arith.addi %scan3A_46, %scan3A_47 : i32
    %scan3A_49 = arith.constant 1 : i32
    scf.for %scan3A_71 = %scan3A_46 to %scan3A_48 step %scan3A_49  : i32 {
      %broadcast_in_dim3A_72 = arith.constant 0.000000e+00 : f32
      %broadcast_in_dim3A_73 = vector.broadcast %broadcast_in_dim3A_72 : f32 to vector<16xf32>
      %mul3A_74 = arith.constant 16 : i32
      %mul3A_75 = arith.muli %scan3A_71, %mul3A_74 : i32
      %swap3A_76 = arith.index_cast %mul3A_75 : i32 to index
      %swap3A_77 = tpu.vector_load %arg7[%swap3A_76] {strides = array<i32>} : memref<640xf32, #tpu.memory_space<vmem>>, vector<16xf32>,
      tpu.vector_store %arg7[%swap3A_76], %broadcast_in_dim3A_73 {strides = array<i32>} : memref<640xf32, #tpu.memory_space<vmem>>, vector<16xf32>,
    }
    %scan3A_50 = arith.constant 40 : i32
    "tpu.region"() ({
      %run_scoped3A = tpu.sem_alloc : memref<!tpu.dma_semaphore, #tpu.memory_space<semaphore_mem>>
      %dma_start3A = tpu.memref_slice %arg4[%min3A_3] : memref<10000xf32, #tpu.memory_space<vmem_shared>> -> memref<640xf32, #tpu.memory_space<vmem_shared>>
      %dma_start3A_71 = tpu.memref_slice %arg4[%min3A_3] : memref<10000xf32, #tpu.memory_space<vmem_shared>> -> memref<640xf32, #tpu.memory_space<vmem_shared>>
      tpu.enqueue_dma source(%arg7 : memref<640xf32, #tpu.memory_space<vmem>>) target(%dma_start3A_71 : memref<640xf32, #tpu.memory_space<vmem_shared>>) target_semaphore(%run_scoped3A : memref<!tpu.dma_semaphore, #tpu.memory_space<semaphore_mem>>)
      %dma_wait3A = tpu.memref_slice %arg4[%min3A_3] : memref<10000xf32, #tpu.memory_space<vmem_shared>> -> memref<640xf32, #tpu.memory_space<vmem_shared>>
      %dma_wait3A_72 = tpu.memref_slice %arg4[%min3A_3] : memref<10000xf32, #tpu.memory_space<vmem_shared>> -> memref<640xf32, #tpu.memory_space<vmem_shared>>
      tpu.wait_dma2 semaphore(%run_scoped3A : memref<!tpu.dma_semaphore, #tpu.memory_space<semaphore_mem>>) src(%arg7 : memref<640xf32, #tpu.memory_space<vmem>>) dst(%dma_wait3A_72 : memref<640xf32, #tpu.memory_space<vmem_shared>>)
      tpu.yield
    }) : () -> ()
    %barrier3A = arith.constant 0 : index
    tpu.barrier barrier_id(%barrier3A)
    %while3A = arith.constant 0 : i32
    %while3A_51 = arith.constant 0 : i32
    %while3A_52 = arith.subi %add3A_12, %while3A_51 : i32
    %while3A_53 = arith.addi %while3A_51, %while3A_52 : i32
    %while3A_54 = arith.constant 1 : i32
    %while3A_55 = arith.divsi %while3A_52, %while3A_54 : i32
    %while3A_56 = arith.muli %while3A_55, %while3A_54 : i32
    %while3A_57 = arith.addi %while3A_51, %while3A_56 : i32
    %while3A_58 = arith.constant 1 : i32
    scf.for %while3A_71 = %while3A_51 to %while3A_57 step %while3A_58  : i32 {
      %rem3A = arith.constant 4 : i32
      %rem3A_72 = arith.remsi %while3A_71, %rem3A : i32
      %ge3A = arith.constant 4 : i32
      %ge3A_73 = arith.cmpi sge, %while3A_71, %ge3A : i32
      %convert_element_type3A_74 = arith.extui %ge3A_73 : i1 to i32
      %cond3A_75 = arith.constant 0 : i32
      %cond3A_76 = arith.cmpi ne, %convert_element_type3A_74, %cond3A_75 : i32
      scf.if %cond3A_76 {
        %sub3A_84 = arith.constant 4 : i32
        %sub3A_85 = arith.subi %while3A_71, %sub3A_84 : i32
        %dma_wait3A = arith.constant 1 : i32
        %dma_wait3A_86 = arith.constant 0 : i32
        %dma_wait3A_87 = tpu.memref_slice %arg5[%sub3A_85, %dma_wait3A, %dma_wait3A_86] : memref<79x2x128xi32, #tpu.memory_space<vmem>> -> memref<1x1x128xi32, #tpu.memory_space<vmem>>
        %dma_wait3A_88 = tpu.memref_squeeze %dma_wait3A_87 : memref<1x1x128xi32, #tpu.memory_space<vmem>> -> memref<128xi32, #tpu.memory_space<vmem>>
        %dma_wait3A_89 = arith.constant 0 : i32
        %dma_wait3A_90 = tpu.memref_slice %arg4[%dma_wait3A_89] : memref<10000xf32, #tpu.memory_space<vmem_shared>> -> memref<10000xf32, #tpu.memory_space<vmem_shared>>
        %dma_wait3A_91 = tpu.memref_slice %arg8[%rem3A_72] : memref<4x!tpu.dma_semaphore, #tpu.memory_space<semaphore_mem>> -> memref<1x!tpu.dma_semaphore, #tpu.memory_space<semaphore_mem>>
        %dma_wait3A_92 = tpu.memref_squeeze %dma_wait3A_91 : memref<1x!tpu.dma_semaphore, #tpu.memory_space<semaphore_mem>> -> memref<!tpu.dma_semaphore, #tpu.memory_space<semaphore_mem>>
        tpu.wait_indirect_dma semaphore(%dma_wait3A_92 : memref<!tpu.dma_semaphore, #tpu.memory_space<semaphore_mem>>) src(%arg6 : memref<128xf32, #tpu.memory_space<vmem>>) dst(%dma_wait3A_90 : memref<10000xf32, #tpu.memory_space<vmem_shared>>)
      } else {
      }
      %dma_start3A = arith.constant 1 : i32
      %dma_start3A_77 = arith.constant 0 : i32
      %dma_start3A_78 = tpu.memref_slice %arg5[%while3A_71, %dma_start3A, %dma_start3A_77] : memref<79x2x128xi32, #tpu.memory_space<vmem>> -> memref<1x1x128xi32, #tpu.memory_space<vmem>>
      %dma_start3A_79 = tpu.memref_squeeze %dma_start3A_78 : memref<1x1x128xi32, #tpu.memory_space<vmem>> -> memref<128xi32, #tpu.memory_space<vmem>>
      %dma_start3A_80 = arith.constant 0 : i32
      %dma_start3A_81 = tpu.memref_slice %arg4[%dma_start3A_80] : memref<10000xf32, #tpu.memory_space<vmem_shared>> -> memref<10000xf32, #tpu.memory_space<vmem_shared>>
      %dma_start3A_82 = tpu.memref_slice %arg8[%rem3A_72] : memref<4x!tpu.dma_semaphore, #tpu.memory_space<semaphore_mem>> -> memref<1x!tpu.dma_semaphore, #tpu.memory_space<semaphore_mem>>
      %dma_start3A_83 = tpu.memref_squeeze %dma_start3A_82 : memref<1x!tpu.dma_semaphore, #tpu.memory_space<semaphore_mem>> -> memref<!tpu.dma_semaphore, #tpu.memory_space<semaphore_mem>>
      tpu.enqueue_indirect_dma source(%arg6 : memref<128xf32, #tpu.memory_space<vmem>>) target(%dma_start3A_81 : memref<10000xf32, #tpu.memory_space<vmem_shared>>) offsets(%dma_start3A_79 : memref<128xi32, #tpu.memory_space<vmem>>) semaphore(%dma_start3A_83 : memref<!tpu.dma_semaphore, #tpu.memory_space<semaphore_mem>>) {add = true}
    }
    %while3A_59 = arith.constant 1 : i32
    scf.for %while3A_71 = %while3A_57 to %while3A_53 step %while3A_59  : i32 {
      %rem3A = arith.constant 4 : i32
      %rem3A_72 = arith.remsi %while3A_71, %rem3A : i32
      %ge3A = arith.constant 4 : i32
      %ge3A_73 = arith.cmpi sge, %while3A_71, %ge3A : i32
      %convert_element_type3A_74 = arith.extui %ge3A_73 : i1 to i32
      %cond3A_75 = arith.constant 0 : i32
      %cond3A_76 = arith.cmpi ne, %convert_element_type3A_74, %cond3A_75 : i32
      scf.if %cond3A_76 {
        %sub3A_84 = arith.constant 4 : i32
        %sub3A_85 = arith.subi %while3A_71, %sub3A_84 : i32
        %dma_wait3A = arith.constant 1 : i32
        %dma_wait3A_86 = arith.constant 0 : i32
        %dma_wait3A_87 = tpu.memref_slice %arg5[%sub3A_85, %dma_wait3A, %dma_wait3A_86] : memref<79x2x128xi32, #tpu.memory_space<vmem>> -> memref<1x1x128xi32, #tpu.memory_space<vmem>>
        %dma_wait3A_88 = tpu.memref_squeeze %dma_wait3A_87 : memref<1x1x128xi32, #tpu.memory_space<vmem>> -> memref<128xi32, #tpu.memory_space<vmem>>
        %dma_wait3A_89 = arith.constant 0 : i32
        %dma_wait3A_90 = tpu.memref_slice %arg4[%dma_wait3A_89] : memref<10000xf32, #tpu.memory_space<vmem_shared>> -> memref<10000xf32, #tpu.memory_space<vmem_shared>>
        %dma_wait3A_91 = tpu.memref_slice %arg8[%rem3A_72] : memref<4x!tpu.dma_semaphore, #tpu.memory_space<semaphore_mem>> -> memref<1x!tpu.dma_semaphore, #tpu.memory_space<semaphore_mem>>
        %dma_wait3A_92 = tpu.memref_squeeze %dma_wait3A_91 : memref<1x!tpu.dma_semaphore, #tpu.memory_space<semaphore_mem>> -> memref<!tpu.dma_semaphore, #tpu.memory_space<semaphore_mem>>
        tpu.wait_indirect_dma semaphore(%dma_wait3A_92 : memref<!tpu.dma_semaphore, #tpu.memory_space<semaphore_mem>>) src(%arg6 : memref<128xf32, #tpu.memory_space<vmem>>) dst(%dma_wait3A_90 : memref<10000xf32, #tpu.memory_space<vmem_shared>>)
      } else {
      }
      %dma_start3A = arith.constant 1 : i32
      %dma_start3A_77 = arith.constant 0 : i32
      %dma_start3A_78 = tpu.memref_slice %arg5[%while3A_71, %dma_start3A, %dma_start3A_77] : memref<79x2x128xi32, #tpu.memory_space<vmem>> -> memref<1x1x128xi32, #tpu.memory_space<vmem>>
      %dma_start3A_79 = tpu.memref_squeeze %dma_start3A_78 : memref<1x1x128xi32, #tpu.memory_space<vmem>> -> memref<128xi32, #tpu.memory_space<vmem>>
      %dma_start3A_80 = arith.constant 0 : i32
      %dma_start3A_81 = tpu.memref_slice %arg4[%dma_start3A_80] : memref<10000xf32, #tpu.memory_space<vmem_shared>> -> memref<10000xf32, #tpu.memory_space<vmem_shared>>
      %dma_start3A_82 = tpu.memref_slice %arg8[%rem3A_72] : memref<4x!tpu.dma_semaphore, #tpu.memory_space<semaphore_mem>> -> memref<1x!tpu.dma_semaphore, #tpu.memory_space<semaphore_mem>>
      %dma_start3A_83 = tpu.memref_squeeze %dma_start3A_82 : memref<1x!tpu.dma_semaphore, #tpu.memory_space<semaphore_mem>> -> memref<!tpu.dma_semaphore, #tpu.memory_space<semaphore_mem>>
      tpu.enqueue_indirect_dma source(%arg6 : memref<128xf32, #tpu.memory_space<vmem>>) target(%dma_start3A_81 : memref<10000xf32, #tpu.memory_space<vmem_shared>>) offsets(%dma_start3A_79 : memref<128xi32, #tpu.memory_space<vmem>>) semaphore(%dma_start3A_83 : memref<!tpu.dma_semaphore, #tpu.memory_space<semaphore_mem>>) {add = true}
    }
    %sub3A = arith.constant 4 : i32
    %sub3A_60 = arith.subi %add3A_12, %sub3A : i32
    %while3A_61 = arith.constant 0 : i32
    %while3A_62 = arith.subi %add3A_12, %sub3A_60 : i32
    %while3A_63 = arith.addi %sub3A_60, %while3A_62 : i32
    %while3A_64 = arith.constant 1 : i32
    %while3A_65 = arith.divsi %while3A_62, %while3A_64 : i32
    %while3A_66 = arith.muli %while3A_65, %while3A_64 : i32
    %while3A_67 = arith.addi %sub3A_60, %while3A_66 : i32
    %while3A_68 = arith.constant 1 : i32
    scf.for %while3A_71 = %sub3A_60 to %while3A_67 step %while3A_68  : i32 {
      %rem3A = arith.constant 4 : i32
      %rem3A_72 = arith.remsi %while3A_71, %rem3A : i32
      %dma_wait3A = arith.constant 1 : i32
      %dma_wait3A_73 = arith.constant 0 : i32
      %dma_wait3A_74 = tpu.memref_slice %arg5[%while3A_71, %dma_wait3A, %dma_wait3A_73] : memref<79x2x128xi32, #tpu.memory_space<vmem>> -> memref<1x1x128xi32, #tpu.memory_space<vmem>>
      %dma_wait3A_75 = tpu.memref_squeeze %dma_wait3A_74 : memref<1x1x128xi32, #tpu.memory_space<vmem>> -> memref<128xi32, #tpu.memory_space<vmem>>
      %dma_wait3A_76 = arith.constant 0 : i32
      %dma_wait3A_77 = tpu.memref_slice %arg4[%dma_wait3A_76] : memref<10000xf32, #tpu.memory_space<vmem_shared>> -> memref<10000xf32, #tpu.memory_space<vmem_shared>>
      %dma_wait3A_78 = tpu.memref_slice %arg8[%rem3A_72] : memref<4x!tpu.dma_semaphore, #tpu.memory_space<semaphore_mem>> -> memref<1x!tpu.dma_semaphore, #tpu.memory_space<semaphore_mem>>
      %dma_wait3A_79 = tpu.memref_squeeze %dma_wait3A_78 : memref<1x!tpu.dma_semaphore, #tpu.memory_space<semaphore_mem>> -> memref<!tpu.dma_semaphore, #tpu.memory_space<semaphore_mem>>
      tpu.wait_indirect_dma semaphore(%dma_wait3A_79 : memref<!tpu.dma_semaphore, #tpu.memory_space<semaphore_mem>>) src(%arg6 : memref<128xf32, #tpu.memory_space<vmem>>) dst(%dma_wait3A_77 : memref<10000xf32, #tpu.memory_space<vmem_shared>>)
    }
    %while3A_69 = arith.constant 1 : i32
    scf.for %while3A_71 = %while3A_67 to %while3A_63 step %while3A_69  : i32 {
      %rem3A = arith.constant 4 : i32
      %rem3A_72 = arith.remsi %while3A_71, %rem3A : i32
      %dma_wait3A = arith.constant 1 : i32
      %dma_wait3A_73 = arith.constant 0 : i32
      %dma_wait3A_74 = tpu.memref_slice %arg5[%while3A_71, %dma_wait3A, %dma_wait3A_73] : memref<79x2x128xi32, #tpu.memory_space<vmem>> -> memref<1x1x128xi32, #tpu.memory_space<vmem>>
      %dma_wait3A_75 = tpu.memref_squeeze %dma_wait3A_74 : memref<1x1x128xi32, #tpu.memory_space<vmem>> -> memref<128xi32, #tpu.memory_space<vmem>>
      %dma_wait3A_76 = arith.constant 0 : i32
      %dma_wait3A_77 = tpu.memref_slice %arg4[%dma_wait3A_76] : memref<10000xf32, #tpu.memory_space<vmem_shared>> -> memref<10000xf32, #tpu.memory_space<vmem_shared>>
      %dma_wait3A_78 = tpu.memref_slice %arg8[%rem3A_72] : memref<4x!tpu.dma_semaphore, #tpu.memory_space<semaphore_mem>> -> memref<1x!tpu.dma_semaphore, #tpu.memory_space<semaphore_mem>>
      %dma_wait3A_79 = tpu.memref_squeeze %dma_wait3A_78 : memref<1x!tpu.dma_semaphore, #tpu.memory_space<semaphore_mem>> -> memref<!tpu.dma_semaphore, #tpu.memory_space<semaphore_mem>>
      tpu.wait_indirect_dma semaphore(%dma_wait3A_79 : memref<!tpu.dma_semaphore, #tpu.memory_space<semaphore_mem>>) src(%arg6 : memref<128xf32, #tpu.memory_space<vmem>>) dst(%dma_wait3A_77 : memref<10000xf32, #tpu.memory_space<vmem_shared>>)
    }
    %barrier3A_70 = arith.constant 0 : index
    tpu.barrier barrier_id(%barrier3A_70)
    "tpu.region"() ({
      %run_scoped3A = tpu.sem_alloc : memref<!tpu.dma_semaphore, #tpu.memory_space<semaphore_mem>>
      %dma_start3A = tpu.memref_slice %arg4[%min3A_3] : memref<10000xf32, #tpu.memory_space<vmem_shared>> -> memref<640xf32, #tpu.memory_space<vmem_shared>>
      %dma_start3A_71 = tpu.memref_slice %arg4[%min3A_3] : memref<10000xf32, #tpu.memory_space<vmem_shared>> -> memref<640xf32, #tpu.memory_space<vmem_shared>>
      tpu.enqueue_dma source(%dma_start3A_71 : memref<640xf32, #tpu.memory_space<vmem_shared>>) target(%arg7 : memref<640xf32, #tpu.memory_space<vmem>>) target_semaphore(%run_scoped3A : memref<!tpu.dma_semaphore, #tpu.memory_space<semaphore_mem>>)
      %dma_wait3A = tpu.memref_slice %arg4[%min3A_3] : memref<10000xf32, #tpu.memory_space<vmem_shared>> -> memref<640xf32, #tpu.memory_space<vmem_shared>>
      %dma_wait3A_72 = tpu.memref_slice %arg4[%min3A_3] : memref<10000xf32, #tpu.memory_space<vmem_shared>> -> memref<640xf32, #tpu.memory_space<vmem_shared>>
      tpu.wait_dma2 semaphore(%run_scoped3A : memref<!tpu.dma_semaphore, #tpu.memory_space<semaphore_mem>>) src(%dma_wait3A_72 : memref<640xf32, #tpu.memory_space<vmem_shared>>) dst(%arg7 : memref<640xf32, #tpu.memory_space<vmem>>)
      tpu.yield
    }) : () -> ()
    "tpu.region"() ({
      %run_scoped3A = tpu.sem_alloc : memref<!tpu.dma_semaphore, #tpu.memory_space<semaphore_mem>>
      %dma_start3A = tpu.memref_slice %arg3[%arg0, %min3A_3] : memref<2x10000xf32, #tpu.memory_space<hbm>> -> memref<1x640xf32, #tpu.memory_space<hbm>>
      %dma_start3A_71 = tpu.memref_squeeze %dma_start3A : memref<1x640xf32, #tpu.memory_space<hbm>> -> memref<640xf32, #tpu.memory_space<hbm>>
      %dma_start3A_72 = tpu.memref_slice %arg3[%arg0, %min3A_3] : memref<2x10000xf32, #tpu.memory_space<hbm>> -> memref<1x640xf32, #tpu.memory_space<hbm>>
      %dma_start3A_73 = tpu.memref_squeeze %dma_start3A_72 : memref<1x640xf32, #tpu.memory_space<hbm>> -> memref<640xf32, #tpu.memory_space<hbm>>
      tpu.enqueue_dma source(%arg7 : memref<640xf32, #tpu.memory_space<vmem>>) target(%dma_start3A_73 : memref<640xf32, #tpu.memory_space<hbm>>) target_semaphore(%run_scoped3A : memref<!tpu.dma_semaphore, #tpu.memory_space<semaphore_mem>>)
      %dma_wait3A = tpu.memref_slice %arg3[%arg0, %min3A_3] : memref<2x10000xf32, #tpu.memory_space<hbm>> -> memref<1x640xf32, #tpu.memory_space<hbm>>
      %dma_wait3A_74 = tpu.memref_squeeze %dma_wait3A : memref<1x640xf32, #tpu.memory_space<hbm>> -> memref<640xf32, #tpu.memory_space<hbm>>
      %dma_wait3A_75 = tpu.memref_slice %arg3[%arg0, %min3A_3] : memref<2x10000xf32, #tpu.memory_space<hbm>> -> memref<1x640xf32, #tpu.memory_space<hbm>>
      %dma_wait3A_76 = tpu.memref_squeeze %dma_wait3A_75 : memref<1x640xf32, #tpu.memory_space<hbm>> -> memref<640xf32, #tpu.memory_space<hbm>>
      tpu.wait_dma2 semaphore(%run_scoped3A : memref<!tpu.dma_semaphore, #tpu.memory_space<semaphore_mem>>) src(%arg7 : memref<640xf32, #tpu.memory_space<vmem>>) dst(%dma_wait3A_76 : memref<640xf32, #tpu.memory_space<hbm>>)
      tpu.yield
    }) : () -> ()
    return
  }
}

#map = affine_map<(d0, d1) -> (0, 0)>
#map1 = affine_map<(d0, d1) -> (0, 0, 0)>
#map2 = affine_map<(d0, d1) -> (0)>
module attributes {stable_mosaic.version = 14 : i64} {
  func.func @_gcn_body(%arg0: i32, %arg1: i32, %arg2: memref<10000x16xf32, #tpu.memory_space<hbm>>, %arg3: memref<2500x2x128xi32, #tpu.memory_space<hbm>>, %arg4: memref<2x10000xf32, #tpu.memory_space<hbm>>, %arg5: memref<16xf32, #tpu.memory_space<hbm>>, %arg6: memref<16xf32, #tpu.memory_space<hbm>>, %arg7: memref<16xf32, #tpu.memory_space<hbm>>, %arg8: memref<10000xf32, #tpu.memory_space<hbm>>, %arg9: memref<10000x16xf32, #tpu.memory_space<vmem_shared>>, %arg10: memref<10000x16xf32, #tpu.memory_space<hbm>>, %arg11: memref<10000x16xf32, #tpu.memory_space<vmem_shared>>, %arg12: memref<10000xf32, #tpu.memory_space<vmem_shared>>, %arg13: memref<10000xf32, #tpu.memory_space<vmem_shared>>, %arg14: memref<157x2x128xi32, #tpu.memory_space<vmem>>, %arg15: memref<4x128x16xf32, #tpu.memory_space<vmem>>, %arg16: memref<4x128xf32, #tpu.memory_space<vmem>>, %arg17: memref<640x16xf32, #tpu.memory_space<vmem>>, %arg18: memref<640xf32, #tpu.memory_space<vmem>>, %arg19: memref<640xf32, #tpu.memory_space<vmem>>, %arg20: memref<640xf32, #tpu.memory_space<vmem>>, %arg21: memref<16xf32, #tpu.memory_space<vmem>>, %arg22: memref<16xf32, #tpu.memory_space<vmem>>, %arg23: memref<16xf32, #tpu.memory_space<vmem>>, %arg24: memref<4x!tpu.dma_semaphore, #tpu.memory_space<semaphore_mem>>, %arg25: memref<4x!tpu.dma_semaphore, #tpu.memory_space<semaphore_mem>>, %arg26: memref<!tpu.dma_semaphore, #tpu.memory_space<semaphore_mem>>) attributes {dimension_semantics = [#tpu.dimension_semantics<core_parallel>, #tpu.dimension_semantics<subcore_parallel>], iteration_bounds = array<i64: 1, 16>, scalar_prefetch = 0 : i64, scratch_operands = 18 : i64, tpu.core_type = #tpu.core_type<sc_vector_subcore>, window_params = [{transform_indices = #map}, {transform_indices = #map1}, {transform_indices = #map}, {transform_indices = #map2}, {transform_indices = #map2}, {transform_indices = #map2}, {transform_indices = #map2}]} {
    %mul3A = arith.constant 640 : i32
    %mul3A_0 = arith.muli %arg1, %mul3A : i32
    %min3A = arith.constant 9360 : i32
    %min3A_1 = arith.minsi %mul3A_0, %min3A : i32
    %lt3A = arith.constant 4 : i32
    %lt3A_2 = arith.cmpi slt, %arg1, %lt3A : i32
    %jit3A = arith.constant 1 : i32
    %jit3A_3 = arith.constant 0 : i32
    %select_n3A = arith.select %lt3A_2, %jit3A, %jit3A_3 : i32
    %add3A = arith.constant 156 : i32
    %add3A_4 = arith.addi %add3A, %select_n3A : i32
    %mul3A_5 = arith.constant 156 : i32
    %mul3A_6 = arith.muli %mul3A_5, %arg1 : i32
    %min3A_7 = arith.constant 4 : i32
    %min3A_8 = arith.minsi %arg1, %min3A_7 : i32
    %add3A_9 = arith.addi %mul3A_6, %min3A_8 : i32
    %dma_start3A = arith.constant 0 : i32
    %dma_start3A_10 = arith.constant 0 : i32
    %dma_start3A_11 = arith.constant 0 : i32
    %dma_start3A_12 = tpu.memref_slice %arg14[%dma_start3A, %dma_start3A_10, %dma_start3A_11] : memref<157x2x128xi32, #tpu.memory_space<vmem>> -> memref<156x2x128xi32, #tpu.memory_space<vmem>>
    %dma_start3A_13 = arith.constant 0 : i32
    %dma_start3A_14 = arith.constant 0 : i32
    %dma_start3A_15 = tpu.memref_slice %arg3[%add3A_9, %dma_start3A_13, %dma_start3A_14] : memref<2500x2x128xi32, #tpu.memory_space<hbm>> -> memref<156x2x128xi32, #tpu.memory_space<hbm>>
    %dma_start3A_16 = arith.constant 0 : i32
    %dma_start3A_17 = arith.constant 0 : i32
    %dma_start3A_18 = arith.constant 0 : i32
    %dma_start3A_19 = tpu.memref_slice %arg14[%dma_start3A_16, %dma_start3A_17, %dma_start3A_18] : memref<157x2x128xi32, #tpu.memory_space<vmem>> -> memref<156x2x128xi32, #tpu.memory_space<vmem>>
    %dma_start3A_20 = arith.constant 0 : i32
    %dma_start3A_21 = arith.constant 0 : i32
    %dma_start3A_22 = tpu.memref_slice %arg3[%add3A_9, %dma_start3A_20, %dma_start3A_21] : memref<2500x2x128xi32, #tpu.memory_space<hbm>> -> memref<156x2x128xi32, #tpu.memory_space<hbm>>
    tpu.enqueue_dma source(%dma_start3A_22 : memref<156x2x128xi32, #tpu.memory_space<hbm>>) target(%dma_start3A_19 : memref<156x2x128xi32, #tpu.memory_space<vmem>>) target_semaphore(%arg26 : memref<!tpu.dma_semaphore, #tpu.memory_space<semaphore_mem>>)
    %lt3A_23 = arith.constant 4 : i32
    %lt3A_24 = arith.cmpi slt, %arg1, %lt3A_23 : i32
    %convert_element_type3A = arith.extui %lt3A_24 : i1 to i32
    %cond3A = arith.constant 0 : i32
    %cond3A_25 = arith.cmpi ne, %convert_element_type3A, %cond3A : i32
    scf.if %cond3A_25 {
      %add3A_176 = arith.constant 156 : i32
      %add3A_177 = arith.addi %add3A_9, %add3A_176 : i32
      %dma_start3A_178 = arith.constant 156 : i32
      %dma_start3A_179 = arith.constant 0 : i32
      %dma_start3A_180 = arith.constant 0 : i32
      %dma_start3A_181 = tpu.memref_slice %arg14[%dma_start3A_178, %dma_start3A_179, %dma_start3A_180] : memref<157x2x128xi32, #tpu.memory_space<vmem>> -> memref<1x2x128xi32, #tpu.memory_space<vmem>>
      %dma_start3A_182 = arith.constant 0 : i32
      %dma_start3A_183 = arith.constant 0 : i32
      %dma_start3A_184 = tpu.memref_slice %arg3[%add3A_177, %dma_start3A_182, %dma_start3A_183] : memref<2500x2x128xi32, #tpu.memory_space<hbm>> -> memref<1x2x128xi32, #tpu.memory_space<hbm>>
      %dma_start3A_185 = arith.constant 156 : i32
      %dma_start3A_186 = arith.constant 0 : i32
      %dma_start3A_187 = arith.constant 0 : i32
      %dma_start3A_188 = tpu.memref_slice %arg14[%dma_start3A_185, %dma_start3A_186, %dma_start3A_187] : memref<157x2x128xi32, #tpu.memory_space<vmem>> -> memref<1x2x128xi32, #tpu.memory_space<vmem>>
      %dma_start3A_189 = arith.constant 0 : i32
      %dma_start3A_190 = arith.constant 0 : i32
      %dma_start3A_191 = tpu.memref_slice %arg3[%add3A_177, %dma_start3A_189, %dma_start3A_190] : memref<2500x2x128xi32, #tpu.memory_space<hbm>> -> memref<1x2x128xi32, #tpu.memory_space<hbm>>
      tpu.enqueue_dma source(%dma_start3A_191 : memref<1x2x128xi32, #tpu.memory_space<hbm>>) target(%dma_start3A_188 : memref<1x2x128xi32, #tpu.memory_space<vmem>>) target_semaphore(%arg26 : memref<!tpu.dma_semaphore, #tpu.memory_space<semaphore_mem>>)
    } else {
    }
    "tpu.region"() ({
      %run_scoped3A_176 = tpu.sem_alloc : memref<!tpu.dma_semaphore, #tpu.memory_space<semaphore_mem>>
      tpu.enqueue_dma source(%arg5 : memref<16xf32, #tpu.memory_space<hbm>>) target(%arg21 : memref<16xf32, #tpu.memory_space<vmem>>) target_semaphore(%run_scoped3A_176 : memref<!tpu.dma_semaphore, #tpu.memory_space<semaphore_mem>>)
      tpu.wait_dma2 semaphore(%run_scoped3A_176 : memref<!tpu.dma_semaphore, #tpu.memory_space<semaphore_mem>>) src(%arg5 : memref<16xf32, #tpu.memory_space<hbm>>) dst(%arg21 : memref<16xf32, #tpu.memory_space<vmem>>)
      tpu.yield
    }) : () -> ()
    "tpu.region"() ({
      %run_scoped3A_176 = tpu.sem_alloc : memref<!tpu.dma_semaphore, #tpu.memory_space<semaphore_mem>>
      tpu.enqueue_dma source(%arg6 : memref<16xf32, #tpu.memory_space<hbm>>) target(%arg22 : memref<16xf32, #tpu.memory_space<vmem>>) target_semaphore(%run_scoped3A_176 : memref<!tpu.dma_semaphore, #tpu.memory_space<semaphore_mem>>)
      tpu.wait_dma2 semaphore(%run_scoped3A_176 : memref<!tpu.dma_semaphore, #tpu.memory_space<semaphore_mem>>) src(%arg6 : memref<16xf32, #tpu.memory_space<hbm>>) dst(%arg22 : memref<16xf32, #tpu.memory_space<vmem>>)
      tpu.yield
    }) : () -> ()
    "tpu.region"() ({
      %run_scoped3A_176 = tpu.sem_alloc : memref<!tpu.dma_semaphore, #tpu.memory_space<semaphore_mem>>
      tpu.enqueue_dma source(%arg7 : memref<16xf32, #tpu.memory_space<hbm>>) target(%arg23 : memref<16xf32, #tpu.memory_space<vmem>>) target_semaphore(%run_scoped3A_176 : memref<!tpu.dma_semaphore, #tpu.memory_space<semaphore_mem>>)
      tpu.wait_dma2 semaphore(%run_scoped3A_176 : memref<!tpu.dma_semaphore, #tpu.memory_space<semaphore_mem>>) src(%arg7 : memref<16xf32, #tpu.memory_space<hbm>>) dst(%arg23 : memref<16xf32, #tpu.memory_space<vmem>>)
      tpu.yield
    }) : () -> ()
    %run_scoped3A = arith.constant 0 : i32
    "tpu.region"() ({
      %run_scoped3A_176 = tpu.sem_alloc : memref<!tpu.dma_semaphore, #tpu.memory_space<semaphore_mem>>
      %dma_start3A_177 = tpu.memref_slice %arg4[%run_scoped3A, %min3A_1] : memref<2x10000xf32, #tpu.memory_space<hbm>> -> memref<1x640xf32, #tpu.memory_space<hbm>>
      %dma_start3A_178 = tpu.memref_squeeze %dma_start3A_177 : memref<1x640xf32, #tpu.memory_space<hbm>> -> memref<640xf32, #tpu.memory_space<hbm>>
      %dma_start3A_179 = tpu.memref_slice %arg4[%run_scoped3A, %min3A_1] : memref<2x10000xf32, #tpu.memory_space<hbm>> -> memref<1x640xf32, #tpu.memory_space<hbm>>
      %dma_start3A_180 = tpu.memref_squeeze %dma_start3A_179 : memref<1x640xf32, #tpu.memory_space<hbm>> -> memref<640xf32, #tpu.memory_space<hbm>>
      tpu.enqueue_dma source(%dma_start3A_180 : memref<640xf32, #tpu.memory_space<hbm>>) target(%arg19 : memref<640xf32, #tpu.memory_space<vmem>>) target_semaphore(%run_scoped3A_176 : memref<!tpu.dma_semaphore, #tpu.memory_space<semaphore_mem>>)
      %dma_wait3A_181 = tpu.memref_slice %arg4[%run_scoped3A, %min3A_1] : memref<2x10000xf32, #tpu.memory_space<hbm>> -> memref<1x640xf32, #tpu.memory_space<hbm>>
      %dma_wait3A_182 = tpu.memref_squeeze %dma_wait3A_181 : memref<1x640xf32, #tpu.memory_space<hbm>> -> memref<640xf32, #tpu.memory_space<hbm>>
      %dma_wait3A_183 = tpu.memref_slice %arg4[%run_scoped3A, %min3A_1] : memref<2x10000xf32, #tpu.memory_space<hbm>> -> memref<1x640xf32, #tpu.memory_space<hbm>>
      %dma_wait3A_184 = tpu.memref_squeeze %dma_wait3A_183 : memref<1x640xf32, #tpu.memory_space<hbm>> -> memref<640xf32, #tpu.memory_space<hbm>>
      tpu.wait_dma2 semaphore(%run_scoped3A_176 : memref<!tpu.dma_semaphore, #tpu.memory_space<semaphore_mem>>) src(%dma_wait3A_184 : memref<640xf32, #tpu.memory_space<hbm>>) dst(%arg19 : memref<640xf32, #tpu.memory_space<vmem>>)
      tpu.yield
    }) : () -> ()
    %run_scoped3A_26 = arith.constant 1 : i32
    "tpu.region"() ({
      %run_scoped3A_176 = tpu.sem_alloc : memref<!tpu.dma_semaphore, #tpu.memory_space<semaphore_mem>>
      %dma_start3A_177 = tpu.memref_slice %arg4[%run_scoped3A_26, %min3A_1] : memref<2x10000xf32, #tpu.memory_space<hbm>> -> memref<1x640xf32, #tpu.memory_space<hbm>>
      %dma_start3A_178 = tpu.memref_squeeze %dma_start3A_177 : memref<1x640xf32, #tpu.memory_space<hbm>> -> memref<640xf32, #tpu.memory_space<hbm>>
      %dma_start3A_179 = tpu.memref_slice %arg4[%run_scoped3A_26, %min3A_1] : memref<2x10000xf32, #tpu.memory_space<hbm>> -> memref<1x640xf32, #tpu.memory_space<hbm>>
      %dma_start3A_180 = tpu.memref_squeeze %dma_start3A_179 : memref<1x640xf32, #tpu.memory_space<hbm>> -> memref<640xf32, #tpu.memory_space<hbm>>
      tpu.enqueue_dma source(%dma_start3A_180 : memref<640xf32, #tpu.memory_space<hbm>>) target(%arg18 : memref<640xf32, #tpu.memory_space<vmem>>) target_semaphore(%run_scoped3A_176 : memref<!tpu.dma_semaphore, #tpu.memory_space<semaphore_mem>>)
      %dma_wait3A_181 = tpu.memref_slice %arg4[%run_scoped3A_26, %min3A_1] : memref<2x10000xf32, #tpu.memory_space<hbm>> -> memref<1x640xf32, #tpu.memory_space<hbm>>
      %dma_wait3A_182 = tpu.memref_squeeze %dma_wait3A_181 : memref<1x640xf32, #tpu.memory_space<hbm>> -> memref<640xf32, #tpu.memory_space<hbm>>
      %dma_wait3A_183 = tpu.memref_slice %arg4[%run_scoped3A_26, %min3A_1] : memref<2x10000xf32, #tpu.memory_space<hbm>> -> memref<1x640xf32, #tpu.memory_space<hbm>>
      %dma_wait3A_184 = tpu.memref_squeeze %dma_wait3A_183 : memref<1x640xf32, #tpu.memory_space<hbm>> -> memref<640xf32, #tpu.memory_space<hbm>>
      tpu.wait_dma2 semaphore(%run_scoped3A_176 : memref<!tpu.dma_semaphore, #tpu.memory_space<semaphore_mem>>) src(%dma_wait3A_184 : memref<640xf32, #tpu.memory_space<hbm>>) dst(%arg18 : memref<640xf32, #tpu.memory_space<vmem>>)
      tpu.yield
    }) : () -> ()
    %scan3A = arith.constant 0 : i32
    %scan3A_27 = arith.constant 0 : i32
    %scan3A_28 = arith.constant 40 : i32
    %scan3A_29 = arith.addi %scan3A_27, %scan3A_28 : i32
    %scan3A_30 = arith.constant 1 : i32
    scf.for %scan3A_176 = %scan3A_27 to %scan3A_29 step %scan3A_30  : i32 {
      %mul3A_177 = arith.constant 16 : i32
      %mul3A_178 = arith.muli %scan3A_176, %mul3A_177 : i32
      %get3A_179 = arith.index_cast %mul3A_178 : i32 to index
      %get3A_180 = tpu.vector_load %arg19[%get3A_179] {strides = array<i32>} : memref<640xf32, #tpu.memory_space<vmem>>, vector<16xf32>,
      %mul3A_181 = arith.constant 16 : i32
      %mul3A_182 = arith.muli %scan3A_176, %mul3A_181 : i32
      %get3A_183 = arith.index_cast %mul3A_182 : i32 to index
      %get3A_184 = tpu.vector_load %arg18[%get3A_183] {strides = array<i32>} : memref<640xf32, #tpu.memory_space<vmem>>, vector<16xf32>,
      %add3A_185 = arith.addf %get3A_180, %get3A_184 : vector<16xf32>
      %add3A_186 = arith.constant 1.000000e+00 : f32
      %add3A_187 = vector.broadcast %add3A_186 : f32 to vector<16xf32>
      %add3A_188 = arith.addf %add3A_185, %add3A_187 : vector<16xf32>
      %bitcast3A = vector.bitcast %add3A_188 : vector<16xf32> to vector<16xi32>
      %shift_right_arithmetic3A = arith.constant 1 : i32
      %shift_right_arithmetic3A_189 = vector.broadcast %shift_right_arithmetic3A : i32 to vector<16xi32>
      %shift_right_arithmetic3A_190 = arith.shrsi %bitcast3A, %shift_right_arithmetic3A_189 : vector<16xi32>
      %sub3A_191 = arith.constant 1597463007 : i32
      %sub3A_192 = vector.broadcast %sub3A_191 : i32 to vector<16xi32>
      %sub3A_193 = arith.subi %sub3A_192, %shift_right_arithmetic3A_190 : vector<16xi32>
      %bitcast3A_194 = vector.bitcast %sub3A_193 : vector<16xi32> to vector<16xf32>
      %mul3A_195 = arith.constant 5.000000e-01 : f32
      %mul3A_196 = vector.broadcast %mul3A_195 : f32 to vector<16xf32>
      %mul3A_197 = arith.mulf %mul3A_196, %add3A_188 : vector<16xf32>
      %mul3A_198 = arith.mulf %mul3A_197, %bitcast3A_194 : vector<16xf32>
      %mul3A_199 = arith.mulf %mul3A_198, %bitcast3A_194 : vector<16xf32>
      %sub3A_200 = arith.constant 1.500000e+00 : f32
      %sub3A_201 = vector.broadcast %sub3A_200 : f32 to vector<16xf32>
      %sub3A_202 = arith.subf %sub3A_201, %mul3A_199 : vector<16xf32>
      %mul3A_203 = arith.mulf %bitcast3A_194, %sub3A_202 : vector<16xf32>
      %mul3A_204 = arith.mulf %mul3A_197, %mul3A_203 : vector<16xf32>
      %mul3A_205 = arith.mulf %mul3A_204, %mul3A_203 : vector<16xf32>
      %sub3A_206 = arith.constant 1.500000e+00 : f32
      %sub3A_207 = vector.broadcast %sub3A_206 : f32 to vector<16xf32>
      %sub3A_208 = arith.subf %sub3A_207, %mul3A_205 : vector<16xf32>
      %mul3A_209 = arith.mulf %mul3A_203, %sub3A_208 : vector<16xf32>
      %mul3A_210 = arith.mulf %mul3A_197, %mul3A_209 : vector<16xf32>
      %mul3A_211 = arith.mulf %mul3A_210, %mul3A_209 : vector<16xf32>
      %sub3A_212 = arith.constant 1.500000e+00 : f32
      %sub3A_213 = vector.broadcast %sub3A_212 : f32 to vector<16xf32>
      %sub3A_214 = arith.subf %sub3A_213, %mul3A_211 : vector<16xf32>
      %mul3A_215 = arith.mulf %mul3A_209, %sub3A_214 : vector<16xf32>
      %mul3A_216 = arith.constant 16 : i32
      %mul3A_217 = arith.muli %scan3A_176, %mul3A_216 : i32
      %swap3A = arith.index_cast %mul3A_217 : i32 to index
      %swap3A_218 = tpu.vector_load %arg18[%swap3A] {strides = array<i32>} : memref<640xf32, #tpu.memory_space<vmem>>, vector<16xf32>,
      tpu.vector_store %arg18[%swap3A], %mul3A_215 {strides = array<i32>} : memref<640xf32, #tpu.memory_space<vmem>>, vector<16xf32>,
    }
    %scan3A_31 = arith.constant 40 : i32
    "tpu.region"() ({
      %run_scoped3A_176 = tpu.sem_alloc : memref<!tpu.dma_semaphore, #tpu.memory_space<semaphore_mem>>
      %dma_start3A_177 = arith.constant 0 : i32
      %dma_start3A_178 = tpu.memref_slice %arg2[%min3A_1, %dma_start3A_177] : memref<10000x16xf32, #tpu.memory_space<hbm>> -> memref<640x16xf32, #tpu.memory_space<hbm>>
      %dma_start3A_179 = arith.constant 0 : i32
      %dma_start3A_180 = tpu.memref_slice %arg2[%min3A_1, %dma_start3A_179] : memref<10000x16xf32, #tpu.memory_space<hbm>> -> memref<640x16xf32, #tpu.memory_space<hbm>>
      tpu.enqueue_dma source(%dma_start3A_180 : memref<640x16xf32, #tpu.memory_space<hbm>>) target(%arg17 : memref<640x16xf32, #tpu.memory_space<vmem>>) target_semaphore(%run_scoped3A_176 : memref<!tpu.dma_semaphore, #tpu.memory_space<semaphore_mem>>)
      %dma_wait3A_181 = arith.constant 0 : i32
      %dma_wait3A_182 = tpu.memref_slice %arg2[%min3A_1, %dma_wait3A_181] : memref<10000x16xf32, #tpu.memory_space<hbm>> -> memref<640x16xf32, #tpu.memory_space<hbm>>
      %dma_wait3A_183 = arith.constant 0 : i32
      %dma_wait3A_184 = tpu.memref_slice %arg2[%min3A_1, %dma_wait3A_183] : memref<10000x16xf32, #tpu.memory_space<hbm>> -> memref<640x16xf32, #tpu.memory_space<hbm>>
      tpu.wait_dma2 semaphore(%run_scoped3A_176 : memref<!tpu.dma_semaphore, #tpu.memory_space<semaphore_mem>>) src(%dma_wait3A_184 : memref<640x16xf32, #tpu.memory_space<hbm>>) dst(%arg17 : memref<640x16xf32, #tpu.memory_space<vmem>>)
      tpu.yield
    }) : () -> ()
    %iota3A = tpu.iota {dimensions = array<i32: 0>} : vector<16xi32>
    %scan3A_32 = arith.constant 0 : i32
    %scan3A_33 = arith.constant 0 : i32
    %scan3A_34 = arith.constant 40 : i32
    %scan3A_35 = arith.addi %scan3A_33, %scan3A_34 : i32
    %scan3A_36 = arith.constant 1 : i32
    scf.for %scan3A_176 = %scan3A_33 to %scan3A_35 step %scan3A_36  : i32 {
      %mul3A_177 = arith.constant 16 : i32
      %mul3A_178 = arith.muli %scan3A_176, %mul3A_177 : i32
      %get3A_179 = arith.index_cast %mul3A_178 : i32 to index
      %get3A_180 = tpu.vector_load %arg18[%get3A_179] {strides = array<i32>} : memref<640xf32, #tpu.memory_space<vmem>>, vector<16xf32>,
      %mul3A_181 = arith.constant 16 : i32
      %mul3A_182 = arith.muli %scan3A_176, %mul3A_181 : i32
      %add3A_183 = vector.broadcast %mul3A_182 : i32 to vector<16xi32>
      %add3A_184 = arith.addi %add3A_183, %iota3A : vector<16xi32>
      %broadcast_in_dim3A = arith.constant 0 : i32
      %broadcast_in_dim3A_185 = vector.broadcast %broadcast_in_dim3A : i32 to vector<16xi32>
      %gather3A = tpu.vector_load_idx %arg17[%add3A_184, %broadcast_in_dim3A_185] : memref<640x16xf32, #tpu.memory_space<vmem>>[vector<16xi32>, vector<16xi32>], vector<16xf32>,
      %mul3A_186 = arith.mulf %gather3A, %get3A_180 : vector<16xf32>
      tpu.vector_store_idx %arg17[%add3A_184, %broadcast_in_dim3A_185], %mul3A_186 : memref<640x16xf32, #tpu.memory_space<vmem>>[vector<16xi32>, vector<16xi32>], vector<16xf32>,
      %broadcast_in_dim3A_187 = arith.constant 1 : i32
      %broadcast_in_dim3A_188 = vector.broadcast %broadcast_in_dim3A_187 : i32 to vector<16xi32>
      %gather3A_189 = tpu.vector_load_idx %arg17[%add3A_184, %broadcast_in_dim3A_188] : memref<640x16xf32, #tpu.memory_space<vmem>>[vector<16xi32>, vector<16xi32>], vector<16xf32>,
      %mul3A_190 = arith.mulf %gather3A_189, %get3A_180 : vector<16xf32>
      tpu.vector_store_idx %arg17[%add3A_184, %broadcast_in_dim3A_188], %mul3A_190 : memref<640x16xf32, #tpu.memory_space<vmem>>[vector<16xi32>, vector<16xi32>], vector<16xf32>,
      %broadcast_in_dim3A_191 = arith.constant 2 : i32
      %broadcast_in_dim3A_192 = vector.broadcast %broadcast_in_dim3A_191 : i32 to vector<16xi32>
      %gather3A_193 = tpu.vector_load_idx %arg17[%add3A_184, %broadcast_in_dim3A_192] : memref<640x16xf32, #tpu.memory_space<vmem>>[vector<16xi32>, vector<16xi32>], vector<16xf32>,
      %mul3A_194 = arith.mulf %gather3A_193, %get3A_180 : vector<16xf32>
      tpu.vector_store_idx %arg17[%add3A_184, %broadcast_in_dim3A_192], %mul3A_194 : memref<640x16xf32, #tpu.memory_space<vmem>>[vector<16xi32>, vector<16xi32>], vector<16xf32>,
      %broadcast_in_dim3A_195 = arith.constant 3 : i32
      %broadcast_in_dim3A_196 = vector.broadcast %broadcast_in_dim3A_195 : i32 to vector<16xi32>
      %gather3A_197 = tpu.vector_load_idx %arg17[%add3A_184, %broadcast_in_dim3A_196] : memref<640x16xf32, #tpu.memory_space<vmem>>[vector<16xi32>, vector<16xi32>], vector<16xf32>,
      %mul3A_198 = arith.mulf %gather3A_197, %get3A_180 : vector<16xf32>
      tpu.vector_store_idx %arg17[%add3A_184, %broadcast_in_dim3A_196], %mul3A_198 : memref<640x16xf32, #tpu.memory_space<vmem>>[vector<16xi32>, vector<16xi32>], vector<16xf32>,
      %broadcast_in_dim3A_199 = arith.constant 4 : i32
      %broadcast_in_dim3A_200 = vector.broadcast %broadcast_in_dim3A_199 : i32 to vector<16xi32>
      %gather3A_201 = tpu.vector_load_idx %arg17[%add3A_184, %broadcast_in_dim3A_200] : memref<640x16xf32, #tpu.memory_space<vmem>>[vector<16xi32>, vector<16xi32>], vector<16xf32>,
      %mul3A_202 = arith.mulf %gather3A_201, %get3A_180 : vector<16xf32>
      tpu.vector_store_idx %arg17[%add3A_184, %broadcast_in_dim3A_200], %mul3A_202 : memref<640x16xf32, #tpu.memory_space<vmem>>[vector<16xi32>, vector<16xi32>], vector<16xf32>,
      %broadcast_in_dim3A_203 = arith.constant 5 : i32
      %broadcast_in_dim3A_204 = vector.broadcast %broadcast_in_dim3A_203 : i32 to vector<16xi32>
      %gather3A_205 = tpu.vector_load_idx %arg17[%add3A_184, %broadcast_in_dim3A_204] : memref<640x16xf32, #tpu.memory_space<vmem>>[vector<16xi32>, vector<16xi32>], vector<16xf32>,
      %mul3A_206 = arith.mulf %gather3A_205, %get3A_180 : vector<16xf32>
      tpu.vector_store_idx %arg17[%add3A_184, %broadcast_in_dim3A_204], %mul3A_206 : memref<640x16xf32, #tpu.memory_space<vmem>>[vector<16xi32>, vector<16xi32>], vector<16xf32>,
      %broadcast_in_dim3A_207 = arith.constant 6 : i32
      %broadcast_in_dim3A_208 = vector.broadcast %broadcast_in_dim3A_207 : i32 to vector<16xi32>
      %gather3A_209 = tpu.vector_load_idx %arg17[%add3A_184, %broadcast_in_dim3A_208] : memref<640x16xf32, #tpu.memory_space<vmem>>[vector<16xi32>, vector<16xi32>], vector<16xf32>,
      %mul3A_210 = arith.mulf %gather3A_209, %get3A_180 : vector<16xf32>
      tpu.vector_store_idx %arg17[%add3A_184, %broadcast_in_dim3A_208], %mul3A_210 : memref<640x16xf32, #tpu.memory_space<vmem>>[vector<16xi32>, vector<16xi32>], vector<16xf32>,
      %broadcast_in_dim3A_211 = arith.constant 7 : i32
      %broadcast_in_dim3A_212 = vector.broadcast %broadcast_in_dim3A_211 : i32 to vector<16xi32>
      %gather3A_213 = tpu.vector_load_idx %arg17[%add3A_184, %broadcast_in_dim3A_212] : memref<640x16xf32, #tpu.memory_space<vmem>>[vector<16xi32>, vector<16xi32>], vector<16xf32>,
      %mul3A_214 = arith.mulf %gather3A_213, %get3A_180 : vector<16xf32>
      tpu.vector_store_idx %arg17[%add3A_184, %broadcast_in_dim3A_212], %mul3A_214 : memref<640x16xf32, #tpu.memory_space<vmem>>[vector<16xi32>, vector<16xi32>], vector<16xf32>,
      %broadcast_in_dim3A_215 = arith.constant 8 : i32
      %broadcast_in_dim3A_216 = vector.broadcast %broadcast_in_dim3A_215 : i32 to vector<16xi32>
      %gather3A_217 = tpu.vector_load_idx %arg17[%add3A_184, %broadcast_in_dim3A_216] : memref<640x16xf32, #tpu.memory_space<vmem>>[vector<16xi32>, vector<16xi32>], vector<16xf32>,
      %mul3A_218 = arith.mulf %gather3A_217, %get3A_180 : vector<16xf32>
      tpu.vector_store_idx %arg17[%add3A_184, %broadcast_in_dim3A_216], %mul3A_218 : memref<640x16xf32, #tpu.memory_space<vmem>>[vector<16xi32>, vector<16xi32>], vector<16xf32>,
      %broadcast_in_dim3A_219 = arith.constant 9 : i32
      %broadcast_in_dim3A_220 = vector.broadcast %broadcast_in_dim3A_219 : i32 to vector<16xi32>
      %gather3A_221 = tpu.vector_load_idx %arg17[%add3A_184, %broadcast_in_dim3A_220] : memref<640x16xf32, #tpu.memory_space<vmem>>[vector<16xi32>, vector<16xi32>], vector<16xf32>,
      %mul3A_222 = arith.mulf %gather3A_221, %get3A_180 : vector<16xf32>
      tpu.vector_store_idx %arg17[%add3A_184, %broadcast_in_dim3A_220], %mul3A_222 : memref<640x16xf32, #tpu.memory_space<vmem>>[vector<16xi32>, vector<16xi32>], vector<16xf32>,
      %broadcast_in_dim3A_223 = arith.constant 10 : i32
      %broadcast_in_dim3A_224 = vector.broadcast %broadcast_in_dim3A_223 : i32 to vector<16xi32>
      %gather3A_225 = tpu.vector_load_idx %arg17[%add3A_184, %broadcast_in_dim3A_224] : memref<640x16xf32, #tpu.memory_space<vmem>>[vector<16xi32>, vector<16xi32>], vector<16xf32>,
      %mul3A_226 = arith.mulf %gather3A_225, %get3A_180 : vector<16xf32>
      tpu.vector_store_idx %arg17[%add3A_184, %broadcast_in_dim3A_224], %mul3A_226 : memref<640x16xf32, #tpu.memory_space<vmem>>[vector<16xi32>, vector<16xi32>], vector<16xf32>,
      %broadcast_in_dim3A_227 = arith.constant 11 : i32
      %broadcast_in_dim3A_228 = vector.broadcast %broadcast_in_dim3A_227 : i32 to vector<16xi32>
      %gather3A_229 = tpu.vector_load_idx %arg17[%add3A_184, %broadcast_in_dim3A_228] : memref<640x16xf32, #tpu.memory_space<vmem>>[vector<16xi32>, vector<16xi32>], vector<16xf32>,
      %mul3A_230 = arith.mulf %gather3A_229, %get3A_180 : vector<16xf32>
      tpu.vector_store_idx %arg17[%add3A_184, %broadcast_in_dim3A_228], %mul3A_230 : memref<640x16xf32, #tpu.memory_space<vmem>>[vector<16xi32>, vector<16xi32>], vector<16xf32>,
      %broadcast_in_dim3A_231 = arith.constant 12 : i32
      %broadcast_in_dim3A_232 = vector.broadcast %broadcast_in_dim3A_231 : i32 to vector<16xi32>
      %gather3A_233 = tpu.vector_load_idx %arg17[%add3A_184, %broadcast_in_dim3A_232] : memref<640x16xf32, #tpu.memory_space<vmem>>[vector<16xi32>, vector<16xi32>], vector<16xf32>,
      %mul3A_234 = arith.mulf %gather3A_233, %get3A_180 : vector<16xf32>
      tpu.vector_store_idx %arg17[%add3A_184, %broadcast_in_dim3A_232], %mul3A_234 : memref<640x16xf32, #tpu.memory_space<vmem>>[vector<16xi32>, vector<16xi32>], vector<16xf32>,
      %broadcast_in_dim3A_235 = arith.constant 13 : i32
      %broadcast_in_dim3A_236 = vector.broadcast %broadcast_in_dim3A_235 : i32 to vector<16xi32>
      %gather3A_237 = tpu.vector_load_idx %arg17[%add3A_184, %broadcast_in_dim3A_236] : memref<640x16xf32, #tpu.memory_space<vmem>>[vector<16xi32>, vector<16xi32>], vector<16xf32>,
      %mul3A_238 = arith.mulf %gather3A_237, %get3A_180 : vector<16xf32>
      tpu.vector_store_idx %arg17[%add3A_184, %broadcast_in_dim3A_236], %mul3A_238 : memref<640x16xf32, #tpu.memory_space<vmem>>[vector<16xi32>, vector<16xi32>], vector<16xf32>,
      %broadcast_in_dim3A_239 = arith.constant 14 : i32
      %broadcast_in_dim3A_240 = vector.broadcast %broadcast_in_dim3A_239 : i32 to vector<16xi32>
      %gather3A_241 = tpu.vector_load_idx %arg17[%add3A_184, %broadcast_in_dim3A_240] : memref<640x16xf32, #tpu.memory_space<vmem>>[vector<16xi32>, vector<16xi32>], vector<16xf32>,
      %mul3A_242 = arith.mulf %gather3A_241, %get3A_180 : vector<16xf32>
      tpu.vector_store_idx %arg17[%add3A_184, %broadcast_in_dim3A_240], %mul3A_242 : memref<640x16xf32, #tpu.memory_space<vmem>>[vector<16xi32>, vector<16xi32>], vector<16xf32>,
      %broadcast_in_dim3A_243 = arith.constant 15 : i32
      %broadcast_in_dim3A_244 = vector.broadcast %broadcast_in_dim3A_243 : i32 to vector<16xi32>
      %gather3A_245 = tpu.vector_load_idx %arg17[%add3A_184, %broadcast_in_dim3A_244] : memref<640x16xf32, #tpu.memory_space<vmem>>[vector<16xi32>, vector<16xi32>], vector<16xf32>,
      %mul3A_246 = arith.mulf %gather3A_245, %get3A_180 : vector<16xf32>
      tpu.vector_store_idx %arg17[%add3A_184, %broadcast_in_dim3A_244], %mul3A_246 : memref<640x16xf32, #tpu.memory_space<vmem>>[vector<16xi32>, vector<16xi32>], vector<16xf32>,
    }
    %scan3A_37 = arith.constant 40 : i32
    "tpu.region"() ({
      %run_scoped3A_176 = tpu.sem_alloc : memref<!tpu.dma_semaphore, #tpu.memory_space<semaphore_mem>>
      %dma_start3A_177 = arith.constant 0 : i32
      %dma_start3A_178 = tpu.memref_slice %arg9[%min3A_1, %dma_start3A_177] : memref<10000x16xf32, #tpu.memory_space<vmem_shared>> -> memref<640x16xf32, #tpu.memory_space<vmem_shared>>
      %dma_start3A_179 = arith.constant 0 : i32
      %dma_start3A_180 = tpu.memref_slice %arg9[%min3A_1, %dma_start3A_179] : memref<10000x16xf32, #tpu.memory_space<vmem_shared>> -> memref<640x16xf32, #tpu.memory_space<vmem_shared>>
      tpu.enqueue_dma source(%arg17 : memref<640x16xf32, #tpu.memory_space<vmem>>) target(%dma_start3A_180 : memref<640x16xf32, #tpu.memory_space<vmem_shared>>) target_semaphore(%run_scoped3A_176 : memref<!tpu.dma_semaphore, #tpu.memory_space<semaphore_mem>>)
      %dma_wait3A_181 = arith.constant 0 : i32
      %dma_wait3A_182 = tpu.memref_slice %arg9[%min3A_1, %dma_wait3A_181] : memref<10000x16xf32, #tpu.memory_space<vmem_shared>> -> memref<640x16xf32, #tpu.memory_space<vmem_shared>>
      %dma_wait3A_183 = arith.constant 0 : i32
      %dma_wait3A_184 = tpu.memref_slice %arg9[%min3A_1, %dma_wait3A_183] : memref<10000x16xf32, #tpu.memory_space<vmem_shared>> -> memref<640x16xf32, #tpu.memory_space<vmem_shared>>
      tpu.wait_dma2 semaphore(%run_scoped3A_176 : memref<!tpu.dma_semaphore, #tpu.memory_space<semaphore_mem>>) src(%arg17 : memref<640x16xf32, #tpu.memory_space<vmem>>) dst(%dma_wait3A_184 : memref<640x16xf32, #tpu.memory_space<vmem_shared>>)
      tpu.yield
    }) : () -> ()
    "tpu.region"() ({
      %run_scoped3A_176 = tpu.sem_alloc : memref<!tpu.dma_semaphore, #tpu.memory_space<semaphore_mem>>
      %dma_start3A_177 = arith.constant 0 : i32
      %dma_start3A_178 = tpu.memref_slice %arg10[%min3A_1, %dma_start3A_177] : memref<10000x16xf32, #tpu.memory_space<hbm>> -> memref<640x16xf32, #tpu.memory_space<hbm>>
      %dma_start3A_179 = arith.constant 0 : i32
      %dma_start3A_180 = tpu.memref_slice %arg10[%min3A_1, %dma_start3A_179] : memref<10000x16xf32, #tpu.memory_space<hbm>> -> memref<640x16xf32, #tpu.memory_space<hbm>>
      tpu.enqueue_dma source(%arg17 : memref<640x16xf32, #tpu.memory_space<vmem>>) target(%dma_start3A_180 : memref<640x16xf32, #tpu.memory_space<hbm>>) target_semaphore(%run_scoped3A_176 : memref<!tpu.dma_semaphore, #tpu.memory_space<semaphore_mem>>)
      %dma_wait3A_181 = arith.constant 0 : i32
      %dma_wait3A_182 = tpu.memref_slice %arg10[%min3A_1, %dma_wait3A_181] : memref<10000x16xf32, #tpu.memory_space<hbm>> -> memref<640x16xf32, #tpu.memory_space<hbm>>
      %dma_wait3A_183 = arith.constant 0 : i32
      %dma_wait3A_184 = tpu.memref_slice %arg10[%min3A_1, %dma_wait3A_183] : memref<10000x16xf32, #tpu.memory_space<hbm>> -> memref<640x16xf32, #tpu.memory_space<hbm>>
      tpu.wait_dma2 semaphore(%run_scoped3A_176 : memref<!tpu.dma_semaphore, #tpu.memory_space<semaphore_mem>>) src(%arg17 : memref<640x16xf32, #tpu.memory_space<vmem>>) dst(%dma_wait3A_184 : memref<640x16xf32, #tpu.memory_space<hbm>>)
      tpu.yield
    }) : () -> ()
    "tpu.region"() ({
      %run_scoped3A_176 = tpu.sem_alloc : memref<!tpu.dma_semaphore, #tpu.memory_space<semaphore_mem>>
      %dma_start3A_177 = arith.constant 0 : i32
      %dma_start3A_178 = tpu.memref_slice %arg11[%min3A_1, %dma_start3A_177] : memref<10000x16xf32, #tpu.memory_space<vmem_shared>> -> memref<640x16xf32, #tpu.memory_space<vmem_shared>>
      %dma_start3A_179 = arith.constant 0 : i32
      %dma_start3A_180 = tpu.memref_slice %arg11[%min3A_1, %dma_start3A_179] : memref<10000x16xf32, #tpu.memory_space<vmem_shared>> -> memref<640x16xf32, #tpu.memory_space<vmem_shared>>
      tpu.enqueue_dma source(%arg17 : memref<640x16xf32, #tpu.memory_space<vmem>>) target(%dma_start3A_180 : memref<640x16xf32, #tpu.memory_space<vmem_shared>>) target_semaphore(%run_scoped3A_176 : memref<!tpu.dma_semaphore, #tpu.memory_space<semaphore_mem>>)
      %dma_wait3A_181 = arith.constant 0 : i32
      %dma_wait3A_182 = tpu.memref_slice %arg11[%min3A_1, %dma_wait3A_181] : memref<10000x16xf32, #tpu.memory_space<vmem_shared>> -> memref<640x16xf32, #tpu.memory_space<vmem_shared>>
      %dma_wait3A_183 = arith.constant 0 : i32
      %dma_wait3A_184 = tpu.memref_slice %arg11[%min3A_1, %dma_wait3A_183] : memref<10000x16xf32, #tpu.memory_space<vmem_shared>> -> memref<640x16xf32, #tpu.memory_space<vmem_shared>>
      tpu.wait_dma2 semaphore(%run_scoped3A_176 : memref<!tpu.dma_semaphore, #tpu.memory_space<semaphore_mem>>) src(%arg17 : memref<640x16xf32, #tpu.memory_space<vmem>>) dst(%dma_wait3A_184 : memref<640x16xf32, #tpu.memory_space<vmem_shared>>)
      tpu.yield
    }) : () -> ()
    %barrier3A = arith.constant 0 : index
    tpu.barrier barrier_id(%barrier3A)
    %dma_wait3A = arith.constant 0 : i32
    %dma_wait3A_38 = arith.constant 0 : i32
    %dma_wait3A_39 = arith.constant 0 : i32
    %dma_wait3A_40 = tpu.memref_slice %arg14[%dma_wait3A, %dma_wait3A_38, %dma_wait3A_39] : memref<157x2x128xi32, #tpu.memory_space<vmem>> -> memref<156x2x128xi32, #tpu.memory_space<vmem>>
    %dma_wait3A_41 = arith.constant 0 : i32
    %dma_wait3A_42 = arith.constant 0 : i32
    %dma_wait3A_43 = tpu.memref_slice %arg3[%add3A_9, %dma_wait3A_41, %dma_wait3A_42] : memref<2500x2x128xi32, #tpu.memory_space<hbm>> -> memref<156x2x128xi32, #tpu.memory_space<hbm>>
    %dma_wait3A_44 = arith.constant 0 : i32
    %dma_wait3A_45 = arith.constant 0 : i32
    %dma_wait3A_46 = arith.constant 0 : i32
    %dma_wait3A_47 = tpu.memref_slice %arg14[%dma_wait3A_44, %dma_wait3A_45, %dma_wait3A_46] : memref<157x2x128xi32, #tpu.memory_space<vmem>> -> memref<156x2x128xi32, #tpu.memory_space<vmem>>
    %dma_wait3A_48 = arith.constant 0 : i32
    %dma_wait3A_49 = arith.constant 0 : i32
    %dma_wait3A_50 = tpu.memref_slice %arg3[%add3A_9, %dma_wait3A_48, %dma_wait3A_49] : memref<2500x2x128xi32, #tpu.memory_space<hbm>> -> memref<156x2x128xi32, #tpu.memory_space<hbm>>
    tpu.wait_dma2 semaphore(%arg26 : memref<!tpu.dma_semaphore, #tpu.memory_space<semaphore_mem>>) src(%dma_wait3A_50 : memref<156x2x128xi32, #tpu.memory_space<hbm>>) dst(%dma_wait3A_47 : memref<156x2x128xi32, #tpu.memory_space<vmem>>)
    %lt3A_51 = arith.constant 4 : i32
    %lt3A_52 = arith.cmpi slt, %arg1, %lt3A_51 : i32
    %convert_element_type3A_53 = arith.extui %lt3A_52 : i1 to i32
    %cond3A_54 = arith.constant 0 : i32
    %cond3A_55 = arith.cmpi ne, %convert_element_type3A_53, %cond3A_54 : i32
    scf.if %cond3A_55 {
      %add3A_176 = arith.constant 156 : i32
      %add3A_177 = arith.addi %add3A_9, %add3A_176 : i32
      %dma_wait3A_178 = arith.constant 156 : i32
      %dma_wait3A_179 = arith.constant 0 : i32
      %dma_wait3A_180 = arith.constant 0 : i32
      %dma_wait3A_181 = tpu.memref_slice %arg14[%dma_wait3A_178, %dma_wait3A_179, %dma_wait3A_180] : memref<157x2x128xi32, #tpu.memory_space<vmem>> -> memref<1x2x128xi32, #tpu.memory_space<vmem>>
      %dma_wait3A_182 = arith.constant 0 : i32
      %dma_wait3A_183 = arith.constant 0 : i32
      %dma_wait3A_184 = tpu.memref_slice %arg3[%add3A_177, %dma_wait3A_182, %dma_wait3A_183] : memref<2500x2x128xi32, #tpu.memory_space<hbm>> -> memref<1x2x128xi32, #tpu.memory_space<hbm>>
      %dma_wait3A_185 = arith.constant 156 : i32
      %dma_wait3A_186 = arith.constant 0 : i32
      %dma_wait3A_187 = arith.constant 0 : i32
      %dma_wait3A_188 = tpu.memref_slice %arg14[%dma_wait3A_185, %dma_wait3A_186, %dma_wait3A_187] : memref<157x2x128xi32, #tpu.memory_space<vmem>> -> memref<1x2x128xi32, #tpu.memory_space<vmem>>
      %dma_wait3A_189 = arith.constant 0 : i32
      %dma_wait3A_190 = arith.constant 0 : i32
      %dma_wait3A_191 = tpu.memref_slice %arg3[%add3A_177, %dma_wait3A_189, %dma_wait3A_190] : memref<2500x2x128xi32, #tpu.memory_space<hbm>> -> memref<1x2x128xi32, #tpu.memory_space<hbm>>
      tpu.wait_dma2 semaphore(%arg26 : memref<!tpu.dma_semaphore, #tpu.memory_space<semaphore_mem>>) src(%dma_wait3A_191 : memref<1x2x128xi32, #tpu.memory_space<hbm>>) dst(%dma_wait3A_188 : memref<1x2x128xi32, #tpu.memory_space<vmem>>)
    } else {
    }
    %dma_start3A_56 = arith.constant 0 : i32
    %dma_start3A_57 = arith.constant 0 : i32
    %dma_start3A_58 = arith.constant 0 : i32
    %dma_start3A_59 = arith.constant 0 : i32
    %dma_start3A_60 = arith.constant 0 : i32
    %dma_start3A_61 = arith.constant 0 : i32
    %dma_start3A_62 = tpu.memref_slice %arg15[%dma_start3A_58, %dma_start3A_60, %dma_start3A_61] : memref<4x128x16xf32, #tpu.memory_space<vmem>> -> memref<1x128x16xf32, #tpu.memory_space<vmem>>
    %dma_start3A_63 = tpu.memref_squeeze %dma_start3A_62 : memref<1x128x16xf32, #tpu.memory_space<vmem>> -> memref<128x16xf32, #tpu.memory_space<vmem>>
    %dma_start3A_64 = arith.constant 0 : i32
    %dma_start3A_65 = tpu.memref_slice %arg14[%dma_start3A_56, %dma_start3A_57, %dma_start3A_64] : memref<157x2x128xi32, #tpu.memory_space<vmem>> -> memref<1x1x128xi32, #tpu.memory_space<vmem>>
    %dma_start3A_66 = tpu.memref_squeeze %dma_start3A_65 : memref<1x1x128xi32, #tpu.memory_space<vmem>> -> memref<128xi32, #tpu.memory_space<vmem>>
    %dma_start3A_67 = arith.constant 0 : i32
    %dma_start3A_68 = arith.constant 0 : i32
    %dma_start3A_69 = tpu.memref_slice %arg10[%dma_start3A_67, %dma_start3A_68] : memref<10000x16xf32, #tpu.memory_space<hbm>> -> memref<10000x16xf32, #tpu.memory_space<hbm>>
    %dma_start3A_70 = tpu.memref_slice %arg24[%dma_start3A_59] : memref<4x!tpu.dma_semaphore, #tpu.memory_space<semaphore_mem>> -> memref<1x!tpu.dma_semaphore, #tpu.memory_space<semaphore_mem>>
    %dma_start3A_71 = tpu.memref_squeeze %dma_start3A_70 : memref<1x!tpu.dma_semaphore, #tpu.memory_space<semaphore_mem>> -> memref<!tpu.dma_semaphore, #tpu.memory_space<semaphore_mem>>
    tpu.enqueue_indirect_dma source(%dma_start3A_69 : memref<10000x16xf32, #tpu.memory_space<hbm>>) target(%dma_start3A_63 : memref<128x16xf32, #tpu.memory_space<vmem>>) offsets(%dma_start3A_66 : memref<128xi32, #tpu.memory_space<vmem>>) semaphore(%dma_start3A_71 : memref<!tpu.dma_semaphore, #tpu.memory_space<semaphore_mem>>)
    %dma_start3A_72 = arith.constant 1 : i32
    %dma_start3A_73 = arith.constant 0 : i32
    %dma_start3A_74 = arith.constant 1 : i32
    %dma_start3A_75 = arith.constant 1 : i32
    %dma_start3A_76 = arith.constant 0 : i32
    %dma_start3A_77 = arith.constant 0 : i32
    %dma_start3A_78 = tpu.memref_slice %arg15[%dma_start3A_74, %dma_start3A_76, %dma_start3A_77] : memref<4x128x16xf32, #tpu.memory_space<vmem>> -> memref<1x128x16xf32, #tpu.memory_space<vmem>>
    %dma_start3A_79 = tpu.memref_squeeze %dma_start3A_78 : memref<1x128x16xf32, #tpu.memory_space<vmem>> -> memref<128x16xf32, #tpu.memory_space<vmem>>
    %dma_start3A_80 = arith.constant 0 : i32
    %dma_start3A_81 = tpu.memref_slice %arg14[%dma_start3A_72, %dma_start3A_73, %dma_start3A_80] : memref<157x2x128xi32, #tpu.memory_space<vmem>> -> memref<1x1x128xi32, #tpu.memory_space<vmem>>
    %dma_start3A_82 = tpu.memref_squeeze %dma_start3A_81 : memref<1x1x128xi32, #tpu.memory_space<vmem>> -> memref<128xi32, #tpu.memory_space<vmem>>
    %dma_start3A_83 = arith.constant 0 : i32
    %dma_start3A_84 = arith.constant 0 : i32
    %dma_start3A_85 = tpu.memref_slice %arg10[%dma_start3A_83, %dma_start3A_84] : memref<10000x16xf32, #tpu.memory_space<hbm>> -> memref<10000x16xf32, #tpu.memory_space<hbm>>
    %dma_start3A_86 = tpu.memref_slice %arg24[%dma_start3A_75] : memref<4x!tpu.dma_semaphore, #tpu.memory_space<semaphore_mem>> -> memref<1x!tpu.dma_semaphore, #tpu.memory_space<semaphore_mem>>
    %dma_start3A_87 = tpu.memref_squeeze %dma_start3A_86 : memref<1x!tpu.dma_semaphore, #tpu.memory_space<semaphore_mem>> -> memref<!tpu.dma_semaphore, #tpu.memory_space<semaphore_mem>>
    tpu.enqueue_indirect_dma source(%dma_start3A_85 : memref<10000x16xf32, #tpu.memory_space<hbm>>) target(%dma_start3A_79 : memref<128x16xf32, #tpu.memory_space<vmem>>) offsets(%dma_start3A_82 : memref<128xi32, #tpu.memory_space<vmem>>) semaphore(%dma_start3A_87 : memref<!tpu.dma_semaphore, #tpu.memory_space<semaphore_mem>>)
    %while3A = arith.constant 0 : i32
    %while3A_88 = arith.constant 0 : i32
    %while3A_89 = arith.subi %add3A_4, %while3A_88 : i32
    %while3A_90 = arith.addi %while3A_88, %while3A_89 : i32
    %while3A_91 = arith.constant 1 : i32
    %while3A_92 = arith.divsi %while3A_89, %while3A_91 : i32
    %while3A_93 = arith.muli %while3A_92, %while3A_91 : i32
    %while3A_94 = arith.addi %while3A_88, %while3A_93 : i32
    %while3A_95 = arith.constant 1 : i32
    scf.for %while3A_176 = %while3A_88 to %while3A_94 step %while3A_95  : i32 {
      %rem3A = arith.constant 4 : i32
      %rem3A_177 = arith.remsi %while3A_176, %rem3A : i32
      %add3A_178 = arith.constant 2 : i32
      %add3A_179 = arith.addi %while3A_176, %add3A_178 : i32
      %rem3A_180 = arith.constant 4 : i32
      %rem3A_181 = arith.remsi %add3A_179, %rem3A_180 : i32
      %add3A_182 = arith.constant 2 : i32
      %add3A_183 = arith.addi %while3A_176, %add3A_182 : i32
      %lt3A_184 = arith.cmpi slt, %add3A_183, %add3A_4 : i32
      %convert_element_type3A_185 = arith.extui %lt3A_184 : i1 to i32
      %cond3A_186 = arith.constant 0 : i32
      %cond3A_187 = arith.cmpi ne, %convert_element_type3A_185, %cond3A_186 : i32
      scf.if %cond3A_187 {
        %ge3A = arith.constant 2 : i32
        %ge3A_214 = arith.cmpi sge, %while3A_176, %ge3A : i32
        %convert_element_type3A_215 = arith.extui %ge3A_214 : i1 to i32
        %cond3A_216 = arith.constant 0 : i32
        %cond3A_217 = arith.cmpi ne, %convert_element_type3A_215, %cond3A_216 : i32
        scf.if %cond3A_217 {
          %sub3A_230 = arith.constant 2 : i32
          %sub3A_231 = arith.subi %while3A_176, %sub3A_230 : i32
          %dma_wait3A_232 = arith.constant 1 : i32
          %dma_wait3A_233 = arith.constant 0 : i32
          %dma_wait3A_234 = arith.constant 0 : i32
          %dma_wait3A_235 = tpu.memref_slice %arg15[%rem3A_181, %dma_wait3A_233, %dma_wait3A_234] : memref<4x128x16xf32, #tpu.memory_space<vmem>> -> memref<1x128x16xf32, #tpu.memory_space<vmem>>
          %dma_wait3A_236 = tpu.memref_squeeze %dma_wait3A_235 : memref<1x128x16xf32, #tpu.memory_space<vmem>> -> memref<128x16xf32, #tpu.memory_space<vmem>>
          %dma_wait3A_237 = arith.constant 0 : i32
          %dma_wait3A_238 = tpu.memref_slice %arg14[%sub3A_231, %dma_wait3A_232, %dma_wait3A_237] : memref<157x2x128xi32, #tpu.memory_space<vmem>> -> memref<1x1x128xi32, #tpu.memory_space<vmem>>
          %dma_wait3A_239 = tpu.memref_squeeze %dma_wait3A_238 : memref<1x1x128xi32, #tpu.memory_space<vmem>> -> memref<128xi32, #tpu.memory_space<vmem>>
          %dma_wait3A_240 = arith.constant 0 : i32
          %dma_wait3A_241 = arith.constant 0 : i32
          %dma_wait3A_242 = tpu.memref_slice %arg11[%dma_wait3A_240, %dma_wait3A_241] : memref<10000x16xf32, #tpu.memory_space<vmem_shared>> -> memref<10000x16xf32, #tpu.memory_space<vmem_shared>>
          %dma_wait3A_243 = tpu.memref_slice %arg25[%rem3A_181] : memref<4x!tpu.dma_semaphore, #tpu.memory_space<semaphore_mem>> -> memref<1x!tpu.dma_semaphore, #tpu.memory_space<semaphore_mem>>
          %dma_wait3A_244 = tpu.memref_squeeze %dma_wait3A_243 : memref<1x!tpu.dma_semaphore, #tpu.memory_space<semaphore_mem>> -> memref<!tpu.dma_semaphore, #tpu.memory_space<semaphore_mem>>
          tpu.wait_indirect_dma semaphore(%dma_wait3A_244 : memref<!tpu.dma_semaphore, #tpu.memory_space<semaphore_mem>>) src(%dma_wait3A_236 : memref<128x16xf32, #tpu.memory_space<vmem>>) dst(%dma_wait3A_242 : memref<10000x16xf32, #tpu.memory_space<vmem_shared>>)
        } else {
        }
        %add3A_218 = arith.constant 2 : i32
        %add3A_219 = arith.addi %while3A_176, %add3A_218 : i32
        %lt3A_220 = arith.constant 52 : i32
        %lt3A_221 = arith.cmpi slt, %add3A_219, %lt3A_220 : i32
        %convert_element_type3A_222 = arith.extui %lt3A_221 : i1 to i32
        %cond3A_223 = arith.constant 0 : i32
        %cond3A_224 = arith.cmpi ne, %convert_element_type3A_222, %cond3A_223 : i32
        scf.if %cond3A_224 {
          %dma_start3A_230 = arith.constant 0 : i32
          %dma_start3A_231 = arith.constant 0 : i32
          %dma_start3A_232 = arith.constant 0 : i32
          %dma_start3A_233 = tpu.memref_slice %arg15[%rem3A_181, %dma_start3A_231, %dma_start3A_232] : memref<4x128x16xf32, #tpu.memory_space<vmem>> -> memref<1x128x16xf32, #tpu.memory_space<vmem>>
          %dma_start3A_234 = tpu.memref_squeeze %dma_start3A_233 : memref<1x128x16xf32, #tpu.memory_space<vmem>> -> memref<128x16xf32, #tpu.memory_space<vmem>>
          %dma_start3A_235 = arith.constant 0 : i32
          %dma_start3A_236 = tpu.memref_slice %arg14[%add3A_219, %dma_start3A_230, %dma_start3A_235] : memref<157x2x128xi32, #tpu.memory_space<vmem>> -> memref<1x1x128xi32, #tpu.memory_space<vmem>>
          %dma_start3A_237 = tpu.memref_squeeze %dma_start3A_236 : memref<1x1x128xi32, #tpu.memory_space<vmem>> -> memref<128xi32, #tpu.memory_space<vmem>>
          %dma_start3A_238 = arith.constant 0 : i32
          %dma_start3A_239 = arith.constant 0 : i32
          %dma_start3A_240 = tpu.memref_slice %arg10[%dma_start3A_238, %dma_start3A_239] : memref<10000x16xf32, #tpu.memory_space<hbm>> -> memref<10000x16xf32, #tpu.memory_space<hbm>>
          %dma_start3A_241 = tpu.memref_slice %arg24[%rem3A_181] : memref<4x!tpu.dma_semaphore, #tpu.memory_space<semaphore_mem>> -> memref<1x!tpu.dma_semaphore, #tpu.memory_space<semaphore_mem>>
          %dma_start3A_242 = tpu.memref_squeeze %dma_start3A_241 : memref<1x!tpu.dma_semaphore, #tpu.memory_space<semaphore_mem>> -> memref<!tpu.dma_semaphore, #tpu.memory_space<semaphore_mem>>
          tpu.enqueue_indirect_dma source(%dma_start3A_240 : memref<10000x16xf32, #tpu.memory_space<hbm>>) target(%dma_start3A_234 : memref<128x16xf32, #tpu.memory_space<vmem>>) offsets(%dma_start3A_237 : memref<128xi32, #tpu.memory_space<vmem>>) semaphore(%dma_start3A_242 : memref<!tpu.dma_semaphore, #tpu.memory_space<semaphore_mem>>)
        } else {
        }
        %ge3A_225 = arith.constant 52 : i32
        %ge3A_226 = arith.cmpi sge, %add3A_219, %ge3A_225 : i32
        %convert_element_type3A_227 = arith.extui %ge3A_226 : i1 to i32
        %cond3A_228 = arith.constant 0 : i32
        %cond3A_229 = arith.cmpi ne, %convert_element_type3A_227, %cond3A_228 : i32
        scf.if %cond3A_229 {
          %dma_start3A_230 = arith.constant 0 : i32
          %dma_start3A_231 = arith.constant 0 : i32
          %dma_start3A_232 = arith.constant 0 : i32
          %dma_start3A_233 = tpu.memref_slice %arg15[%rem3A_181, %dma_start3A_231, %dma_start3A_232] : memref<4x128x16xf32, #tpu.memory_space<vmem>> -> memref<1x128x16xf32, #tpu.memory_space<vmem>>
          %dma_start3A_234 = tpu.memref_squeeze %dma_start3A_233 : memref<1x128x16xf32, #tpu.memory_space<vmem>> -> memref<128x16xf32, #tpu.memory_space<vmem>>
          %dma_start3A_235 = arith.constant 0 : i32
          %dma_start3A_236 = tpu.memref_slice %arg14[%add3A_219, %dma_start3A_230, %dma_start3A_235] : memref<157x2x128xi32, #tpu.memory_space<vmem>> -> memref<1x1x128xi32, #tpu.memory_space<vmem>>
          %dma_start3A_237 = tpu.memref_squeeze %dma_start3A_236 : memref<1x1x128xi32, #tpu.memory_space<vmem>> -> memref<128xi32, #tpu.memory_space<vmem>>
          %dma_start3A_238 = arith.constant 0 : i32
          %dma_start3A_239 = arith.constant 0 : i32
          %dma_start3A_240 = tpu.memref_slice %arg9[%dma_start3A_238, %dma_start3A_239] : memref<10000x16xf32, #tpu.memory_space<vmem_shared>> -> memref<10000x16xf32, #tpu.memory_space<vmem_shared>>
          %dma_start3A_241 = tpu.memref_slice %arg24[%rem3A_181] : memref<4x!tpu.dma_semaphore, #tpu.memory_space<semaphore_mem>> -> memref<1x!tpu.dma_semaphore, #tpu.memory_space<semaphore_mem>>
          %dma_start3A_242 = tpu.memref_squeeze %dma_start3A_241 : memref<1x!tpu.dma_semaphore, #tpu.memory_space<semaphore_mem>> -> memref<!tpu.dma_semaphore, #tpu.memory_space<semaphore_mem>>
          tpu.enqueue_indirect_dma source(%dma_start3A_240 : memref<10000x16xf32, #tpu.memory_space<vmem_shared>>) target(%dma_start3A_234 : memref<128x16xf32, #tpu.memory_space<vmem>>) offsets(%dma_start3A_237 : memref<128xi32, #tpu.memory_space<vmem>>) semaphore(%dma_start3A_242 : memref<!tpu.dma_semaphore, #tpu.memory_space<semaphore_mem>>)
        } else {
        }
      } else {
      }
      %dma_wait3A_188 = arith.constant 0 : i32
      %dma_wait3A_189 = arith.constant 0 : i32
      %dma_wait3A_190 = arith.constant 0 : i32
      %dma_wait3A_191 = tpu.memref_slice %arg15[%rem3A_177, %dma_wait3A_189, %dma_wait3A_190] : memref<4x128x16xf32, #tpu.memory_space<vmem>> -> memref<1x128x16xf32, #tpu.memory_space<vmem>>
      %dma_wait3A_192 = tpu.memref_squeeze %dma_wait3A_191 : memref<1x128x16xf32, #tpu.memory_space<vmem>> -> memref<128x16xf32, #tpu.memory_space<vmem>>
      %dma_wait3A_193 = arith.constant 0 : i32
      %dma_wait3A_194 = tpu.memref_slice %arg14[%while3A_176, %dma_wait3A_188, %dma_wait3A_193] : memref<157x2x128xi32, #tpu.memory_space<vmem>> -> memref<1x1x128xi32, #tpu.memory_space<vmem>>
      %dma_wait3A_195 = tpu.memref_squeeze %dma_wait3A_194 : memref<1x1x128xi32, #tpu.memory_space<vmem>> -> memref<128xi32, #tpu.memory_space<vmem>>
      %dma_wait3A_196 = arith.constant 0 : i32
      %dma_wait3A_197 = arith.constant 0 : i32
      %dma_wait3A_198 = tpu.memref_slice %arg9[%dma_wait3A_196, %dma_wait3A_197] : memref<10000x16xf32, #tpu.memory_space<vmem_shared>> -> memref<10000x16xf32, #tpu.memory_space<vmem_shared>>
      %dma_wait3A_199 = tpu.memref_slice %arg24[%rem3A_177] : memref<4x!tpu.dma_semaphore, #tpu.memory_space<semaphore_mem>> -> memref<1x!tpu.dma_semaphore, #tpu.memory_space<semaphore_mem>>
      %dma_wait3A_200 = tpu.memref_squeeze %dma_wait3A_199 : memref<1x!tpu.dma_semaphore, #tpu.memory_space<semaphore_mem>> -> memref<!tpu.dma_semaphore, #tpu.memory_space<semaphore_mem>>
      tpu.wait_indirect_dma semaphore(%dma_wait3A_200 : memref<!tpu.dma_semaphore, #tpu.memory_space<semaphore_mem>>) src(%dma_wait3A_198 : memref<10000x16xf32, #tpu.memory_space<vmem_shared>>) dst(%dma_wait3A_192 : memref<128x16xf32, #tpu.memory_space<vmem>>)
      %dma_start3A_201 = arith.constant 1 : i32
      %dma_start3A_202 = arith.constant 0 : i32
      %dma_start3A_203 = arith.constant 0 : i32
      %dma_start3A_204 = tpu.memref_slice %arg15[%rem3A_177, %dma_start3A_202, %dma_start3A_203] : memref<4x128x16xf32, #tpu.memory_space<vmem>> -> memref<1x128x16xf32, #tpu.memory_space<vmem>>
      %dma_start3A_205 = tpu.memref_squeeze %dma_start3A_204 : memref<1x128x16xf32, #tpu.memory_space<vmem>> -> memref<128x16xf32, #tpu.memory_space<vmem>>
      %dma_start3A_206 = arith.constant 0 : i32
      %dma_start3A_207 = tpu.memref_slice %arg14[%while3A_176, %dma_start3A_201, %dma_start3A_206] : memref<157x2x128xi32, #tpu.memory_space<vmem>> -> memref<1x1x128xi32, #tpu.memory_space<vmem>>
      %dma_start3A_208 = tpu.memref_squeeze %dma_start3A_207 : memref<1x1x128xi32, #tpu.memory_space<vmem>> -> memref<128xi32, #tpu.memory_space<vmem>>
      %dma_start3A_209 = arith.constant 0 : i32
      %dma_start3A_210 = arith.constant 0 : i32
      %dma_start3A_211 = tpu.memref_slice %arg11[%dma_start3A_209, %dma_start3A_210] : memref<10000x16xf32, #tpu.memory_space<vmem_shared>> -> memref<10000x16xf32, #tpu.memory_space<vmem_shared>>
      %dma_start3A_212 = tpu.memref_slice %arg25[%rem3A_177] : memref<4x!tpu.dma_semaphore, #tpu.memory_space<semaphore_mem>> -> memref<1x!tpu.dma_semaphore, #tpu.memory_space<semaphore_mem>>
      %dma_start3A_213 = tpu.memref_squeeze %dma_start3A_212 : memref<1x!tpu.dma_semaphore, #tpu.memory_space<semaphore_mem>> -> memref<!tpu.dma_semaphore, #tpu.memory_space<semaphore_mem>>
      tpu.enqueue_indirect_dma source(%dma_start3A_205 : memref<128x16xf32, #tpu.memory_space<vmem>>) target(%dma_start3A_211 : memref<10000x16xf32, #tpu.memory_space<vmem_shared>>) offsets(%dma_start3A_208 : memref<128xi32, #tpu.memory_space<vmem>>) semaphore(%dma_start3A_213 : memref<!tpu.dma_semaphore, #tpu.memory_space<semaphore_mem>>) {add = true}
    }
    %while3A_96 = arith.constant 1 : i32
    scf.for %while3A_176 = %while3A_94 to %while3A_90 step %while3A_96  : i32 {
      %rem3A = arith.constant 4 : i32
      %rem3A_177 = arith.remsi %while3A_176, %rem3A : i32
      %add3A_178 = arith.constant 2 : i32
      %add3A_179 = arith.addi %while3A_176, %add3A_178 : i32
      %rem3A_180 = arith.constant 4 : i32
      %rem3A_181 = arith.remsi %add3A_179, %rem3A_180 : i32
      %add3A_182 = arith.constant 2 : i32
      %add3A_183 = arith.addi %while3A_176, %add3A_182 : i32
      %lt3A_184 = arith.cmpi slt, %add3A_183, %add3A_4 : i32
      %convert_element_type3A_185 = arith.extui %lt3A_184 : i1 to i32
      %cond3A_186 = arith.constant 0 : i32
      %cond3A_187 = arith.cmpi ne, %convert_element_type3A_185, %cond3A_186 : i32
      scf.if %cond3A_187 {
        %ge3A = arith.constant 2 : i32
        %ge3A_214 = arith.cmpi sge, %while3A_176, %ge3A : i32
        %convert_element_type3A_215 = arith.extui %ge3A_214 : i1 to i32
        %cond3A_216 = arith.constant 0 : i32
        %cond3A_217 = arith.cmpi ne, %convert_element_type3A_215, %cond3A_216 : i32
        scf.if %cond3A_217 {
          %sub3A_230 = arith.constant 2 : i32
          %sub3A_231 = arith.subi %while3A_176, %sub3A_230 : i32
          %dma_wait3A_232 = arith.constant 1 : i32
          %dma_wait3A_233 = arith.constant 0 : i32
          %dma_wait3A_234 = arith.constant 0 : i32
          %dma_wait3A_235 = tpu.memref_slice %arg15[%rem3A_181, %dma_wait3A_233, %dma_wait3A_234] : memref<4x128x16xf32, #tpu.memory_space<vmem>> -> memref<1x128x16xf32, #tpu.memory_space<vmem>>
          %dma_wait3A_236 = tpu.memref_squeeze %dma_wait3A_235 : memref<1x128x16xf32, #tpu.memory_space<vmem>> -> memref<128x16xf32, #tpu.memory_space<vmem>>
          %dma_wait3A_237 = arith.constant 0 : i32
          %dma_wait3A_238 = tpu.memref_slice %arg14[%sub3A_231, %dma_wait3A_232, %dma_wait3A_237] : memref<157x2x128xi32, #tpu.memory_space<vmem>> -> memref<1x1x128xi32, #tpu.memory_space<vmem>>
          %dma_wait3A_239 = tpu.memref_squeeze %dma_wait3A_238 : memref<1x1x128xi32, #tpu.memory_space<vmem>> -> memref<128xi32, #tpu.memory_space<vmem>>
          %dma_wait3A_240 = arith.constant 0 : i32
          %dma_wait3A_241 = arith.constant 0 : i32
          %dma_wait3A_242 = tpu.memref_slice %arg11[%dma_wait3A_240, %dma_wait3A_241] : memref<10000x16xf32, #tpu.memory_space<vmem_shared>> -> memref<10000x16xf32, #tpu.memory_space<vmem_shared>>
          %dma_wait3A_243 = tpu.memref_slice %arg25[%rem3A_181] : memref<4x!tpu.dma_semaphore, #tpu.memory_space<semaphore_mem>> -> memref<1x!tpu.dma_semaphore, #tpu.memory_space<semaphore_mem>>
          %dma_wait3A_244 = tpu.memref_squeeze %dma_wait3A_243 : memref<1x!tpu.dma_semaphore, #tpu.memory_space<semaphore_mem>> -> memref<!tpu.dma_semaphore, #tpu.memory_space<semaphore_mem>>
          tpu.wait_indirect_dma semaphore(%dma_wait3A_244 : memref<!tpu.dma_semaphore, #tpu.memory_space<semaphore_mem>>) src(%dma_wait3A_236 : memref<128x16xf32, #tpu.memory_space<vmem>>) dst(%dma_wait3A_242 : memref<10000x16xf32, #tpu.memory_space<vmem_shared>>)
        } else {
        }
        %add3A_218 = arith.constant 2 : i32
        %add3A_219 = arith.addi %while3A_176, %add3A_218 : i32
        %lt3A_220 = arith.constant 52 : i32
        %lt3A_221 = arith.cmpi slt, %add3A_219, %lt3A_220 : i32
        %convert_element_type3A_222 = arith.extui %lt3A_221 : i1 to i32
        %cond3A_223 = arith.constant 0 : i32
        %cond3A_224 = arith.cmpi ne, %convert_element_type3A_222, %cond3A_223 : i32
        scf.if %cond3A_224 {
          %dma_start3A_230 = arith.constant 0 : i32
          %dma_start3A_231 = arith.constant 0 : i32
          %dma_start3A_232 = arith.constant 0 : i32
          %dma_start3A_233 = tpu.memref_slice %arg15[%rem3A_181, %dma_start3A_231, %dma_start3A_232] : memref<4x128x16xf32, #tpu.memory_space<vmem>> -> memref<1x128x16xf32, #tpu.memory_space<vmem>>
          %dma_start3A_234 = tpu.memref_squeeze %dma_start3A_233 : memref<1x128x16xf32, #tpu.memory_space<vmem>> -> memref<128x16xf32, #tpu.memory_space<vmem>>
          %dma_start3A_235 = arith.constant 0 : i32
          %dma_start3A_236 = tpu.memref_slice %arg14[%add3A_219, %dma_start3A_230, %dma_start3A_235] : memref<157x2x128xi32, #tpu.memory_space<vmem>> -> memref<1x1x128xi32, #tpu.memory_space<vmem>>
          %dma_start3A_237 = tpu.memref_squeeze %dma_start3A_236 : memref<1x1x128xi32, #tpu.memory_space<vmem>> -> memref<128xi32, #tpu.memory_space<vmem>>
          %dma_start3A_238 = arith.constant 0 : i32
          %dma_start3A_239 = arith.constant 0 : i32
          %dma_start3A_240 = tpu.memref_slice %arg10[%dma_start3A_238, %dma_start3A_239] : memref<10000x16xf32, #tpu.memory_space<hbm>> -> memref<10000x16xf32, #tpu.memory_space<hbm>>
          %dma_start3A_241 = tpu.memref_slice %arg24[%rem3A_181] : memref<4x!tpu.dma_semaphore, #tpu.memory_space<semaphore_mem>> -> memref<1x!tpu.dma_semaphore, #tpu.memory_space<semaphore_mem>>
          %dma_start3A_242 = tpu.memref_squeeze %dma_start3A_241 : memref<1x!tpu.dma_semaphore, #tpu.memory_space<semaphore_mem>> -> memref<!tpu.dma_semaphore, #tpu.memory_space<semaphore_mem>>
          tpu.enqueue_indirect_dma source(%dma_start3A_240 : memref<10000x16xf32, #tpu.memory_space<hbm>>) target(%dma_start3A_234 : memref<128x16xf32, #tpu.memory_space<vmem>>) offsets(%dma_start3A_237 : memref<128xi32, #tpu.memory_space<vmem>>) semaphore(%dma_start3A_242 : memref<!tpu.dma_semaphore, #tpu.memory_space<semaphore_mem>>)
        } else {
        }
        %ge3A_225 = arith.constant 52 : i32
        %ge3A_226 = arith.cmpi sge, %add3A_219, %ge3A_225 : i32
        %convert_element_type3A_227 = arith.extui %ge3A_226 : i1 to i32
        %cond3A_228 = arith.constant 0 : i32
        %cond3A_229 = arith.cmpi ne, %convert_element_type3A_227, %cond3A_228 : i32
        scf.if %cond3A_229 {
          %dma_start3A_230 = arith.constant 0 : i32
          %dma_start3A_231 = arith.constant 0 : i32
          %dma_start3A_232 = arith.constant 0 : i32
          %dma_start3A_233 = tpu.memref_slice %arg15[%rem3A_181, %dma_start3A_231, %dma_start3A_232] : memref<4x128x16xf32, #tpu.memory_space<vmem>> -> memref<1x128x16xf32, #tpu.memory_space<vmem>>
          %dma_start3A_234 = tpu.memref_squeeze %dma_start3A_233 : memref<1x128x16xf32, #tpu.memory_space<vmem>> -> memref<128x16xf32, #tpu.memory_space<vmem>>
          %dma_start3A_235 = arith.constant 0 : i32
          %dma_start3A_236 = tpu.memref_slice %arg14[%add3A_219, %dma_start3A_230, %dma_start3A_235] : memref<157x2x128xi32, #tpu.memory_space<vmem>> -> memref<1x1x128xi32, #tpu.memory_space<vmem>>
          %dma_start3A_237 = tpu.memref_squeeze %dma_start3A_236 : memref<1x1x128xi32, #tpu.memory_space<vmem>> -> memref<128xi32, #tpu.memory_space<vmem>>
          %dma_start3A_238 = arith.constant 0 : i32
          %dma_start3A_239 = arith.constant 0 : i32
          %dma_start3A_240 = tpu.memref_slice %arg9[%dma_start3A_238, %dma_start3A_239] : memref<10000x16xf32, #tpu.memory_space<vmem_shared>> -> memref<10000x16xf32, #tpu.memory_space<vmem_shared>>
          %dma_start3A_241 = tpu.memref_slice %arg24[%rem3A_181] : memref<4x!tpu.dma_semaphore, #tpu.memory_space<semaphore_mem>> -> memref<1x!tpu.dma_semaphore, #tpu.memory_space<semaphore_mem>>
          %dma_start3A_242 = tpu.memref_squeeze %dma_start3A_241 : memref<1x!tpu.dma_semaphore, #tpu.memory_space<semaphore_mem>> -> memref<!tpu.dma_semaphore, #tpu.memory_space<semaphore_mem>>
          tpu.enqueue_indirect_dma source(%dma_start3A_240 : memref<10000x16xf32, #tpu.memory_space<vmem_shared>>) target(%dma_start3A_234 : memref<128x16xf32, #tpu.memory_space<vmem>>) offsets(%dma_start3A_237 : memref<128xi32, #tpu.memory_space<vmem>>) semaphore(%dma_start3A_242 : memref<!tpu.dma_semaphore, #tpu.memory_space<semaphore_mem>>)
        } else {
        }
      } else {
      }
      %dma_wait3A_188 = arith.constant 0 : i32
      %dma_wait3A_189 = arith.constant 0 : i32
      %dma_wait3A_190 = arith.constant 0 : i32
      %dma_wait3A_191 = tpu.memref_slice %arg15[%rem3A_177, %dma_wait3A_189, %dma_wait3A_190] : memref<4x128x16xf32, #tpu.memory_space<vmem>> -> memref<1x128x16xf32, #tpu.memory_space<vmem>>
      %dma_wait3A_192 = tpu.memref_squeeze %dma_wait3A_191 : memref<1x128x16xf32, #tpu.memory_space<vmem>> -> memref<128x16xf32, #tpu.memory_space<vmem>>
      %dma_wait3A_193 = arith.constant 0 : i32
      %dma_wait3A_194 = tpu.memref_slice %arg14[%while3A_176, %dma_wait3A_188, %dma_wait3A_193] : memref<157x2x128xi32, #tpu.memory_space<vmem>> -> memref<1x1x128xi32, #tpu.memory_space<vmem>>
      %dma_wait3A_195 = tpu.memref_squeeze %dma_wait3A_194 : memref<1x1x128xi32, #tpu.memory_space<vmem>> -> memref<128xi32, #tpu.memory_space<vmem>>
      %dma_wait3A_196 = arith.constant 0 : i32
      %dma_wait3A_197 = arith.constant 0 : i32
      %dma_wait3A_198 = tpu.memref_slice %arg9[%dma_wait3A_196, %dma_wait3A_197] : memref<10000x16xf32, #tpu.memory_space<vmem_shared>> -> memref<10000x16xf32, #tpu.memory_space<vmem_shared>>
      %dma_wait3A_199 = tpu.memref_slice %arg24[%rem3A_177] : memref<4x!tpu.dma_semaphore, #tpu.memory_space<semaphore_mem>> -> memref<1x!tpu.dma_semaphore, #tpu.memory_space<semaphore_mem>>
      %dma_wait3A_200 = tpu.memref_squeeze %dma_wait3A_199 : memref<1x!tpu.dma_semaphore, #tpu.memory_space<semaphore_mem>> -> memref<!tpu.dma_semaphore, #tpu.memory_space<semaphore_mem>>
      tpu.wait_indirect_dma semaphore(%dma_wait3A_200 : memref<!tpu.dma_semaphore, #tpu.memory_space<semaphore_mem>>) src(%dma_wait3A_198 : memref<10000x16xf32, #tpu.memory_space<vmem_shared>>) dst(%dma_wait3A_192 : memref<128x16xf32, #tpu.memory_space<vmem>>)
      %dma_start3A_201 = arith.constant 1 : i32
      %dma_start3A_202 = arith.constant 0 : i32
      %dma_start3A_203 = arith.constant 0 : i32
      %dma_start3A_204 = tpu.memref_slice %arg15[%rem3A_177, %dma_start3A_202, %dma_start3A_203] : memref<4x128x16xf32, #tpu.memory_space<vmem>> -> memref<1x128x16xf32, #tpu.memory_space<vmem>>
      %dma_start3A_205 = tpu.memref_squeeze %dma_start3A_204 : memref<1x128x16xf32, #tpu.memory_space<vmem>> -> memref<128x16xf32, #tpu.memory_space<vmem>>
      %dma_start3A_206 = arith.constant 0 : i32
      %dma_start3A_207 = tpu.memref_slice %arg14[%while3A_176, %dma_start3A_201, %dma_start3A_206] : memref<157x2x128xi32, #tpu.memory_space<vmem>> -> memref<1x1x128xi32, #tpu.memory_space<vmem>>
      %dma_start3A_208 = tpu.memref_squeeze %dma_start3A_207 : memref<1x1x128xi32, #tpu.memory_space<vmem>> -> memref<128xi32, #tpu.memory_space<vmem>>
      %dma_start3A_209 = arith.constant 0 : i32
      %dma_start3A_210 = arith.constant 0 : i32
      %dma_start3A_211 = tpu.memref_slice %arg11[%dma_start3A_209, %dma_start3A_210] : memref<10000x16xf32, #tpu.memory_space<vmem_shared>> -> memref<10000x16xf32, #tpu.memory_space<vmem_shared>>
      %dma_start3A_212 = tpu.memref_slice %arg25[%rem3A_177] : memref<4x!tpu.dma_semaphore, #tpu.memory_space<semaphore_mem>> -> memref<1x!tpu.dma_semaphore, #tpu.memory_space<semaphore_mem>>
      %dma_start3A_213 = tpu.memref_squeeze %dma_start3A_212 : memref<1x!tpu.dma_semaphore, #tpu.memory_space<semaphore_mem>> -> memref<!tpu.dma_semaphore, #tpu.memory_space<semaphore_mem>>
      tpu.enqueue_indirect_dma source(%dma_start3A_205 : memref<128x16xf32, #tpu.memory_space<vmem>>) target(%dma_start3A_211 : memref<10000x16xf32, #tpu.memory_space<vmem_shared>>) offsets(%dma_start3A_208 : memref<128xi32, #tpu.memory_space<vmem>>) semaphore(%dma_start3A_213 : memref<!tpu.dma_semaphore, #tpu.memory_space<semaphore_mem>>) {add = true}
    }
    %sub3A = arith.constant 4 : i32
    %sub3A_97 = arith.subi %add3A_4, %sub3A : i32
    %while3A_98 = arith.constant 0 : i32
    %while3A_99 = arith.subi %add3A_4, %sub3A_97 : i32
    %while3A_100 = arith.addi %sub3A_97, %while3A_99 : i32
    %while3A_101 = arith.constant 1 : i32
    %while3A_102 = arith.divsi %while3A_99, %while3A_101 : i32
    %while3A_103 = arith.muli %while3A_102, %while3A_101 : i32
    %while3A_104 = arith.addi %sub3A_97, %while3A_103 : i32
    %while3A_105 = arith.constant 1 : i32
    scf.for %while3A_176 = %sub3A_97 to %while3A_104 step %while3A_105  : i32 {
      %rem3A = arith.constant 4 : i32
      %rem3A_177 = arith.remsi %while3A_176, %rem3A : i32
      %dma_wait3A_178 = arith.constant 1 : i32
      %dma_wait3A_179 = arith.constant 0 : i32
      %dma_wait3A_180 = arith.constant 0 : i32
      %dma_wait3A_181 = tpu.memref_slice %arg15[%rem3A_177, %dma_wait3A_179, %dma_wait3A_180] : memref<4x128x16xf32, #tpu.memory_space<vmem>> -> memref<1x128x16xf32, #tpu.memory_space<vmem>>
      %dma_wait3A_182 = tpu.memref_squeeze %dma_wait3A_181 : memref<1x128x16xf32, #tpu.memory_space<vmem>> -> memref<128x16xf32, #tpu.memory_space<vmem>>
      %dma_wait3A_183 = arith.constant 0 : i32
      %dma_wait3A_184 = tpu.memref_slice %arg14[%while3A_176, %dma_wait3A_178, %dma_wait3A_183] : memref<157x2x128xi32, #tpu.memory_space<vmem>> -> memref<1x1x128xi32, #tpu.memory_space<vmem>>
      %dma_wait3A_185 = tpu.memref_squeeze %dma_wait3A_184 : memref<1x1x128xi32, #tpu.memory_space<vmem>> -> memref<128xi32, #tpu.memory_space<vmem>>
      %dma_wait3A_186 = arith.constant 0 : i32
      %dma_wait3A_187 = arith.constant 0 : i32
      %dma_wait3A_188 = tpu.memref_slice %arg11[%dma_wait3A_186, %dma_wait3A_187] : memref<10000x16xf32, #tpu.memory_space<vmem_shared>> -> memref<10000x16xf32, #tpu.memory_space<vmem_shared>>
      %dma_wait3A_189 = tpu.memref_slice %arg25[%rem3A_177] : memref<4x!tpu.dma_semaphore, #tpu.memory_space<semaphore_mem>> -> memref<1x!tpu.dma_semaphore, #tpu.memory_space<semaphore_mem>>
      %dma_wait3A_190 = tpu.memref_squeeze %dma_wait3A_189 : memref<1x!tpu.dma_semaphore, #tpu.memory_space<semaphore_mem>> -> memref<!tpu.dma_semaphore, #tpu.memory_space<semaphore_mem>>
      tpu.wait_indirect_dma semaphore(%dma_wait3A_190 : memref<!tpu.dma_semaphore, #tpu.memory_space<semaphore_mem>>) src(%dma_wait3A_182 : memref<128x16xf32, #tpu.memory_space<vmem>>) dst(%dma_wait3A_188 : memref<10000x16xf32, #tpu.memory_space<vmem_shared>>)
    }
    %while3A_106 = arith.constant 1 : i32
    scf.for %while3A_176 = %while3A_104 to %while3A_100 step %while3A_106  : i32 {
      %rem3A = arith.constant 4 : i32
      %rem3A_177 = arith.remsi %while3A_176, %rem3A : i32
      %dma_wait3A_178 = arith.constant 1 : i32
      %dma_wait3A_179 = arith.constant 0 : i32
      %dma_wait3A_180 = arith.constant 0 : i32
      %dma_wait3A_181 = tpu.memref_slice %arg15[%rem3A_177, %dma_wait3A_179, %dma_wait3A_180] : memref<4x128x16xf32, #tpu.memory_space<vmem>> -> memref<1x128x16xf32, #tpu.memory_space<vmem>>
      %dma_wait3A_182 = tpu.memref_squeeze %dma_wait3A_181 : memref<1x128x16xf32, #tpu.memory_space<vmem>> -> memref<128x16xf32, #tpu.memory_space<vmem>>
      %dma_wait3A_183 = arith.constant 0 : i32
      %dma_wait3A_184 = tpu.memref_slice %arg14[%while3A_176, %dma_wait3A_178, %dma_wait3A_183] : memref<157x2x128xi32, #tpu.memory_space<vmem>> -> memref<1x1x128xi32, #tpu.memory_space<vmem>>
      %dma_wait3A_185 = tpu.memref_squeeze %dma_wait3A_184 : memref<1x1x128xi32, #tpu.memory_space<vmem>> -> memref<128xi32, #tpu.memory_space<vmem>>
      %dma_wait3A_186 = arith.constant 0 : i32
      %dma_wait3A_187 = arith.constant 0 : i32
      %dma_wait3A_188 = tpu.memref_slice %arg11[%dma_wait3A_186, %dma_wait3A_187] : memref<10000x16xf32, #tpu.memory_space<vmem_shared>> -> memref<10000x16xf32, #tpu.memory_space<vmem_shared>>
      %dma_wait3A_189 = tpu.memref_slice %arg25[%rem3A_177] : memref<4x!tpu.dma_semaphore, #tpu.memory_space<semaphore_mem>> -> memref<1x!tpu.dma_semaphore, #tpu.memory_space<semaphore_mem>>
      %dma_wait3A_190 = tpu.memref_squeeze %dma_wait3A_189 : memref<1x!tpu.dma_semaphore, #tpu.memory_space<semaphore_mem>> -> memref<!tpu.dma_semaphore, #tpu.memory_space<semaphore_mem>>
      tpu.wait_indirect_dma semaphore(%dma_wait3A_190 : memref<!tpu.dma_semaphore, #tpu.memory_space<semaphore_mem>>) src(%dma_wait3A_182 : memref<128x16xf32, #tpu.memory_space<vmem>>) dst(%dma_wait3A_188 : memref<10000x16xf32, #tpu.memory_space<vmem_shared>>)
    }
    %barrier3A_107 = arith.constant 0 : index
    tpu.barrier barrier_id(%barrier3A_107)
    "tpu.region"() ({
      %run_scoped3A_176 = tpu.sem_alloc : memref<!tpu.dma_semaphore, #tpu.memory_space<semaphore_mem>>
      %dma_start3A_177 = arith.constant 0 : i32
      %dma_start3A_178 = tpu.memref_slice %arg11[%min3A_1, %dma_start3A_177] : memref<10000x16xf32, #tpu.memory_space<vmem_shared>> -> memref<640x16xf32, #tpu.memory_space<vmem_shared>>
      %dma_start3A_179 = arith.constant 0 : i32
      %dma_start3A_180 = tpu.memref_slice %arg11[%min3A_1, %dma_start3A_179] : memref<10000x16xf32, #tpu.memory_space<vmem_shared>> -> memref<640x16xf32, #tpu.memory_space<vmem_shared>>
      tpu.enqueue_dma source(%dma_start3A_180 : memref<640x16xf32, #tpu.memory_space<vmem_shared>>) target(%arg17 : memref<640x16xf32, #tpu.memory_space<vmem>>) target_semaphore(%run_scoped3A_176 : memref<!tpu.dma_semaphore, #tpu.memory_space<semaphore_mem>>)
      %dma_wait3A_181 = arith.constant 0 : i32
      %dma_wait3A_182 = tpu.memref_slice %arg11[%min3A_1, %dma_wait3A_181] : memref<10000x16xf32, #tpu.memory_space<vmem_shared>> -> memref<640x16xf32, #tpu.memory_space<vmem_shared>>
      %dma_wait3A_183 = arith.constant 0 : i32
      %dma_wait3A_184 = tpu.memref_slice %arg11[%min3A_1, %dma_wait3A_183] : memref<10000x16xf32, #tpu.memory_space<vmem_shared>> -> memref<640x16xf32, #tpu.memory_space<vmem_shared>>
      tpu.wait_dma2 semaphore(%run_scoped3A_176 : memref<!tpu.dma_semaphore, #tpu.memory_space<semaphore_mem>>) src(%dma_wait3A_184 : memref<640x16xf32, #tpu.memory_space<vmem_shared>>) dst(%arg17 : memref<640x16xf32, #tpu.memory_space<vmem>>)
      tpu.yield
    }) : () -> ()
    %get3A = arith.constant 0 : index
    %get3A_108 = tpu.vector_load %arg21[%get3A] {strides = array<i32>} : memref<16xf32, #tpu.memory_space<vmem>>, vector<16xf32>,
    %get3A_109 = arith.constant 0 : index
    %get3A_110 = tpu.vector_load %arg22[%get3A_109] {strides = array<i32>} : memref<16xf32, #tpu.memory_space<vmem>>, vector<16xf32>,
    %scan3A_111 = arith.constant 0 : i32
    %scan3A_112 = arith.constant 0 : i32
    %scan3A_113 = arith.constant 40 : i32
    %scan3A_114 = arith.addi %scan3A_112, %scan3A_113 : i32
    %scan3A_115 = arith.constant 1 : i32
    scf.for %scan3A_176 = %scan3A_112 to %scan3A_114 step %scan3A_115  : i32 {
      %mul3A_177 = arith.constant 16 : i32
      %mul3A_178 = arith.muli %scan3A_176, %mul3A_177 : i32
      %get3A_179 = arith.index_cast %mul3A_178 : i32 to index
      %get3A_180 = tpu.vector_load %arg18[%get3A_179] {strides = array<i32>} : memref<640xf32, #tpu.memory_space<vmem>>, vector<16xf32>,
      %broadcast_in_dim3A = arith.constant 0.000000e+00 : f32
      %broadcast_in_dim3A_181 = vector.broadcast %broadcast_in_dim3A : f32 to vector<16xf32>
      %mul3A_182 = arith.constant 16 : i32
      %mul3A_183 = arith.muli %scan3A_176, %mul3A_182 : i32
      %add3A_184 = vector.broadcast %mul3A_183 : i32 to vector<16xi32>
      %add3A_185 = arith.addi %add3A_184, %iota3A : vector<16xi32>
      %broadcast_in_dim3A_186 = arith.constant 0 : i32
      %broadcast_in_dim3A_187 = vector.broadcast %broadcast_in_dim3A_186 : i32 to vector<16xi32>
      %gather3A = tpu.vector_load_idx %arg17[%add3A_185, %broadcast_in_dim3A_187] : memref<640x16xf32, #tpu.memory_space<vmem>>[vector<16xi32>, vector<16xi32>], vector<16xf32>,
      %mul3A_188 = arith.mulf %gather3A, %get3A_180 : vector<16xf32>
      %slice3A = vector.extract_strided_slice %get3A_108 {offsets = [0], sizes = [1], strides = [1]} : vector<16xf32> to vector<1xf32>
      %squeeze3A = vector.extract %slice3A[0] : f32 from vector<1xf32>
      %add3A_189 = vector.broadcast %squeeze3A : f32 to vector<16xf32>
      %add3A_190 = arith.addf %mul3A_188, %add3A_189 : vector<16xf32>
      %max3A = arith.constant 0.000000e+00 : f32
      %max3A_191 = vector.broadcast %max3A : f32 to vector<16xf32>
      %max3A_192 = arith.maximumf %add3A_190, %max3A_191 : vector<16xf32>
      %slice3A_193 = vector.extract_strided_slice %get3A_110 {offsets = [0], sizes = [1], strides = [1]} : vector<16xf32> to vector<1xf32>
      %squeeze3A_194 = vector.extract %slice3A_193[0] : f32 from vector<1xf32>
      %mul3A_195 = vector.broadcast %squeeze3A_194 : f32 to vector<16xf32>
      %mul3A_196 = arith.mulf %max3A_192, %mul3A_195 : vector<16xf32>
      %add3A_197 = arith.addf %broadcast_in_dim3A_181, %mul3A_196 : vector<16xf32>
      %broadcast_in_dim3A_198 = arith.constant 1 : i32
      %broadcast_in_dim3A_199 = vector.broadcast %broadcast_in_dim3A_198 : i32 to vector<16xi32>
      %gather3A_200 = tpu.vector_load_idx %arg17[%add3A_185, %broadcast_in_dim3A_199] : memref<640x16xf32, #tpu.memory_space<vmem>>[vector<16xi32>, vector<16xi32>], vector<16xf32>,
      %mul3A_201 = arith.mulf %gather3A_200, %get3A_180 : vector<16xf32>
      %slice3A_202 = vector.extract_strided_slice %get3A_108 {offsets = [1], sizes = [1], strides = [1]} : vector<16xf32> to vector<1xf32>
      %squeeze3A_203 = vector.extract %slice3A_202[0] : f32 from vector<1xf32>
      %add3A_204 = vector.broadcast %squeeze3A_203 : f32 to vector<16xf32>
      %add3A_205 = arith.addf %mul3A_201, %add3A_204 : vector<16xf32>
      %max3A_206 = arith.constant 0.000000e+00 : f32
      %max3A_207 = vector.broadcast %max3A_206 : f32 to vector<16xf32>
      %max3A_208 = arith.maximumf %add3A_205, %max3A_207 : vector<16xf32>
      %slice3A_209 = vector.extract_strided_slice %get3A_110 {offsets = [1], sizes = [1], strides = [1]} : vector<16xf32> to vector<1xf32>
      %squeeze3A_210 = vector.extract %slice3A_209[0] : f32 from vector<1xf32>
      %mul3A_211 = vector.broadcast %squeeze3A_210 : f32 to vector<16xf32>
      %mul3A_212 = arith.mulf %max3A_208, %mul3A_211 : vector<16xf32>
      %add3A_213 = arith.addf %add3A_197, %mul3A_212 : vector<16xf32>
      %broadcast_in_dim3A_214 = arith.constant 2 : i32
      %broadcast_in_dim3A_215 = vector.broadcast %broadcast_in_dim3A_214 : i32 to vector<16xi32>
      %gather3A_216 = tpu.vector_load_idx %arg17[%add3A_185, %broadcast_in_dim3A_215] : memref<640x16xf32, #tpu.memory_space<vmem>>[vector<16xi32>, vector<16xi32>], vector<16xf32>,
      %mul3A_217 = arith.mulf %gather3A_216, %get3A_180 : vector<16xf32>
      %slice3A_218 = vector.extract_strided_slice %get3A_108 {offsets = [2], sizes = [1], strides = [1]} : vector<16xf32> to vector<1xf32>
      %squeeze3A_219 = vector.extract %slice3A_218[0] : f32 from vector<1xf32>
      %add3A_220 = vector.broadcast %squeeze3A_219 : f32 to vector<16xf32>
      %add3A_221 = arith.addf %mul3A_217, %add3A_220 : vector<16xf32>
      %max3A_222 = arith.constant 0.000000e+00 : f32
      %max3A_223 = vector.broadcast %max3A_222 : f32 to vector<16xf32>
      %max3A_224 = arith.maximumf %add3A_221, %max3A_223 : vector<16xf32>
      %slice3A_225 = vector.extract_strided_slice %get3A_110 {offsets = [2], sizes = [1], strides = [1]} : vector<16xf32> to vector<1xf32>
      %squeeze3A_226 = vector.extract %slice3A_225[0] : f32 from vector<1xf32>
      %mul3A_227 = vector.broadcast %squeeze3A_226 : f32 to vector<16xf32>
      %mul3A_228 = arith.mulf %max3A_224, %mul3A_227 : vector<16xf32>
      %add3A_229 = arith.addf %add3A_213, %mul3A_228 : vector<16xf32>
      %broadcast_in_dim3A_230 = arith.constant 3 : i32
      %broadcast_in_dim3A_231 = vector.broadcast %broadcast_in_dim3A_230 : i32 to vector<16xi32>
      %gather3A_232 = tpu.vector_load_idx %arg17[%add3A_185, %broadcast_in_dim3A_231] : memref<640x16xf32, #tpu.memory_space<vmem>>[vector<16xi32>, vector<16xi32>], vector<16xf32>,
      %mul3A_233 = arith.mulf %gather3A_232, %get3A_180 : vector<16xf32>
      %slice3A_234 = vector.extract_strided_slice %get3A_108 {offsets = [3], sizes = [1], strides = [1]} : vector<16xf32> to vector<1xf32>
      %squeeze3A_235 = vector.extract %slice3A_234[0] : f32 from vector<1xf32>
      %add3A_236 = vector.broadcast %squeeze3A_235 : f32 to vector<16xf32>
      %add3A_237 = arith.addf %mul3A_233, %add3A_236 : vector<16xf32>
      %max3A_238 = arith.constant 0.000000e+00 : f32
      %max3A_239 = vector.broadcast %max3A_238 : f32 to vector<16xf32>
      %max3A_240 = arith.maximumf %add3A_237, %max3A_239 : vector<16xf32>
      %slice3A_241 = vector.extract_strided_slice %get3A_110 {offsets = [3], sizes = [1], strides = [1]} : vector<16xf32> to vector<1xf32>
      %squeeze3A_242 = vector.extract %slice3A_241[0] : f32 from vector<1xf32>
      %mul3A_243 = vector.broadcast %squeeze3A_242 : f32 to vector<16xf32>
      %mul3A_244 = arith.mulf %max3A_240, %mul3A_243 : vector<16xf32>
      %add3A_245 = arith.addf %add3A_229, %mul3A_244 : vector<16xf32>
      %broadcast_in_dim3A_246 = arith.constant 4 : i32
      %broadcast_in_dim3A_247 = vector.broadcast %broadcast_in_dim3A_246 : i32 to vector<16xi32>
      %gather3A_248 = tpu.vector_load_idx %arg17[%add3A_185, %broadcast_in_dim3A_247] : memref<640x16xf32, #tpu.memory_space<vmem>>[vector<16xi32>, vector<16xi32>], vector<16xf32>,
      %mul3A_249 = arith.mulf %gather3A_248, %get3A_180 : vector<16xf32>
      %slice3A_250 = vector.extract_strided_slice %get3A_108 {offsets = [4], sizes = [1], strides = [1]} : vector<16xf32> to vector<1xf32>
      %squeeze3A_251 = vector.extract %slice3A_250[0] : f32 from vector<1xf32>
      %add3A_252 = vector.broadcast %squeeze3A_251 : f32 to vector<16xf32>
      %add3A_253 = arith.addf %mul3A_249, %add3A_252 : vector<16xf32>
      %max3A_254 = arith.constant 0.000000e+00 : f32
      %max3A_255 = vector.broadcast %max3A_254 : f32 to vector<16xf32>
      %max3A_256 = arith.maximumf %add3A_253, %max3A_255 : vector<16xf32>
      %slice3A_257 = vector.extract_strided_slice %get3A_110 {offsets = [4], sizes = [1], strides = [1]} : vector<16xf32> to vector<1xf32>
      %squeeze3A_258 = vector.extract %slice3A_257[0] : f32 from vector<1xf32>
      %mul3A_259 = vector.broadcast %squeeze3A_258 : f32 to vector<16xf32>
      %mul3A_260 = arith.mulf %max3A_256, %mul3A_259 : vector<16xf32>
      %add3A_261 = arith.addf %add3A_245, %mul3A_260 : vector<16xf32>
      %broadcast_in_dim3A_262 = arith.constant 5 : i32
      %broadcast_in_dim3A_263 = vector.broadcast %broadcast_in_dim3A_262 : i32 to vector<16xi32>
      %gather3A_264 = tpu.vector_load_idx %arg17[%add3A_185, %broadcast_in_dim3A_263] : memref<640x16xf32, #tpu.memory_space<vmem>>[vector<16xi32>, vector<16xi32>], vector<16xf32>,
      %mul3A_265 = arith.mulf %gather3A_264, %get3A_180 : vector<16xf32>
      %slice3A_266 = vector.extract_strided_slice %get3A_108 {offsets = [5], sizes = [1], strides = [1]} : vector<16xf32> to vector<1xf32>
      %squeeze3A_267 = vector.extract %slice3A_266[0] : f32 from vector<1xf32>
      %add3A_268 = vector.broadcast %squeeze3A_267 : f32 to vector<16xf32>
      %add3A_269 = arith.addf %mul3A_265, %add3A_268 : vector<16xf32>
      %max3A_270 = arith.constant 0.000000e+00 : f32
      %max3A_271 = vector.broadcast %max3A_270 : f32 to vector<16xf32>
      %max3A_272 = arith.maximumf %add3A_269, %max3A_271 : vector<16xf32>
      %slice3A_273 = vector.extract_strided_slice %get3A_110 {offsets = [5], sizes = [1], strides = [1]} : vector<16xf32> to vector<1xf32>
      %squeeze3A_274 = vector.extract %slice3A_273[0] : f32 from vector<1xf32>
      %mul3A_275 = vector.broadcast %squeeze3A_274 : f32 to vector<16xf32>
      %mul3A_276 = arith.mulf %max3A_272, %mul3A_275 : vector<16xf32>
      %add3A_277 = arith.addf %add3A_261, %mul3A_276 : vector<16xf32>
      %broadcast_in_dim3A_278 = arith.constant 6 : i32
      %broadcast_in_dim3A_279 = vector.broadcast %broadcast_in_dim3A_278 : i32 to vector<16xi32>
      %gather3A_280 = tpu.vector_load_idx %arg17[%add3A_185, %broadcast_in_dim3A_279] : memref<640x16xf32, #tpu.memory_space<vmem>>[vector<16xi32>, vector<16xi32>], vector<16xf32>,
      %mul3A_281 = arith.mulf %gather3A_280, %get3A_180 : vector<16xf32>
      %slice3A_282 = vector.extract_strided_slice %get3A_108 {offsets = [6], sizes = [1], strides = [1]} : vector<16xf32> to vector<1xf32>
      %squeeze3A_283 = vector.extract %slice3A_282[0] : f32 from vector<1xf32>
      %add3A_284 = vector.broadcast %squeeze3A_283 : f32 to vector<16xf32>
      %add3A_285 = arith.addf %mul3A_281, %add3A_284 : vector<16xf32>
      %max3A_286 = arith.constant 0.000000e+00 : f32
      %max3A_287 = vector.broadcast %max3A_286 : f32 to vector<16xf32>
      %max3A_288 = arith.maximumf %add3A_285, %max3A_287 : vector<16xf32>
      %slice3A_289 = vector.extract_strided_slice %get3A_110 {offsets = [6], sizes = [1], strides = [1]} : vector<16xf32> to vector<1xf32>
      %squeeze3A_290 = vector.extract %slice3A_289[0] : f32 from vector<1xf32>
      %mul3A_291 = vector.broadcast %squeeze3A_290 : f32 to vector<16xf32>
      %mul3A_292 = arith.mulf %max3A_288, %mul3A_291 : vector<16xf32>
      %add3A_293 = arith.addf %add3A_277, %mul3A_292 : vector<16xf32>
      %broadcast_in_dim3A_294 = arith.constant 7 : i32
      %broadcast_in_dim3A_295 = vector.broadcast %broadcast_in_dim3A_294 : i32 to vector<16xi32>
      %gather3A_296 = tpu.vector_load_idx %arg17[%add3A_185, %broadcast_in_dim3A_295] : memref<640x16xf32, #tpu.memory_space<vmem>>[vector<16xi32>, vector<16xi32>], vector<16xf32>,
      %mul3A_297 = arith.mulf %gather3A_296, %get3A_180 : vector<16xf32>
      %slice3A_298 = vector.extract_strided_slice %get3A_108 {offsets = [7], sizes = [1], strides = [1]} : vector<16xf32> to vector<1xf32>
      %squeeze3A_299 = vector.extract %slice3A_298[0] : f32 from vector<1xf32>
      %add3A_300 = vector.broadcast %squeeze3A_299 : f32 to vector<16xf32>
      %add3A_301 = arith.addf %mul3A_297, %add3A_300 : vector<16xf32>
      %max3A_302 = arith.constant 0.000000e+00 : f32
      %max3A_303 = vector.broadcast %max3A_302 : f32 to vector<16xf32>
      %max3A_304 = arith.maximumf %add3A_301, %max3A_303 : vector<16xf32>
      %slice3A_305 = vector.extract_strided_slice %get3A_110 {offsets = [7], sizes = [1], strides = [1]} : vector<16xf32> to vector<1xf32>
      %squeeze3A_306 = vector.extract %slice3A_305[0] : f32 from vector<1xf32>
      %mul3A_307 = vector.broadcast %squeeze3A_306 : f32 to vector<16xf32>
      %mul3A_308 = arith.mulf %max3A_304, %mul3A_307 : vector<16xf32>
      %add3A_309 = arith.addf %add3A_293, %mul3A_308 : vector<16xf32>
      %broadcast_in_dim3A_310 = arith.constant 8 : i32
      %broadcast_in_dim3A_311 = vector.broadcast %broadcast_in_dim3A_310 : i32 to vector<16xi32>
      %gather3A_312 = tpu.vector_load_idx %arg17[%add3A_185, %broadcast_in_dim3A_311] : memref<640x16xf32, #tpu.memory_space<vmem>>[vector<16xi32>, vector<16xi32>], vector<16xf32>,
      %mul3A_313 = arith.mulf %gather3A_312, %get3A_180 : vector<16xf32>
      %slice3A_314 = vector.extract_strided_slice %get3A_108 {offsets = [8], sizes = [1], strides = [1]} : vector<16xf32> to vector<1xf32>
      %squeeze3A_315 = vector.extract %slice3A_314[0] : f32 from vector<1xf32>
      %add3A_316 = vector.broadcast %squeeze3A_315 : f32 to vector<16xf32>
      %add3A_317 = arith.addf %mul3A_313, %add3A_316 : vector<16xf32>
      %max3A_318 = arith.constant 0.000000e+00 : f32
      %max3A_319 = vector.broadcast %max3A_318 : f32 to vector<16xf32>
      %max3A_320 = arith.maximumf %add3A_317, %max3A_319 : vector<16xf32>
      %slice3A_321 = vector.extract_strided_slice %get3A_110 {offsets = [8], sizes = [1], strides = [1]} : vector<16xf32> to vector<1xf32>
      %squeeze3A_322 = vector.extract %slice3A_321[0] : f32 from vector<1xf32>
      %mul3A_323 = vector.broadcast %squeeze3A_322 : f32 to vector<16xf32>
      %mul3A_324 = arith.mulf %max3A_320, %mul3A_323 : vector<16xf32>
      %add3A_325 = arith.addf %add3A_309, %mul3A_324 : vector<16xf32>
      %broadcast_in_dim3A_326 = arith.constant 9 : i32
      %broadcast_in_dim3A_327 = vector.broadcast %broadcast_in_dim3A_326 : i32 to vector<16xi32>
      %gather3A_328 = tpu.vector_load_idx %arg17[%add3A_185, %broadcast_in_dim3A_327] : memref<640x16xf32, #tpu.memory_space<vmem>>[vector<16xi32>, vector<16xi32>], vector<16xf32>,
      %mul3A_329 = arith.mulf %gather3A_328, %get3A_180 : vector<16xf32>
      %slice3A_330 = vector.extract_strided_slice %get3A_108 {offsets = [9], sizes = [1], strides = [1]} : vector<16xf32> to vector<1xf32>
      %squeeze3A_331 = vector.extract %slice3A_330[0] : f32 from vector<1xf32>
      %add3A_332 = vector.broadcast %squeeze3A_331 : f32 to vector<16xf32>
      %add3A_333 = arith.addf %mul3A_329, %add3A_332 : vector<16xf32>
      %max3A_334 = arith.constant 0.000000e+00 : f32
      %max3A_335 = vector.broadcast %max3A_334 : f32 to vector<16xf32>
      %max3A_336 = arith.maximumf %add3A_333, %max3A_335 : vector<16xf32>
      %slice3A_337 = vector.extract_strided_slice %get3A_110 {offsets = [9], sizes = [1], strides = [1]} : vector<16xf32> to vector<1xf32>
      %squeeze3A_338 = vector.extract %slice3A_337[0] : f32 from vector<1xf32>
      %mul3A_339 = vector.broadcast %squeeze3A_338 : f32 to vector<16xf32>
      %mul3A_340 = arith.mulf %max3A_336, %mul3A_339 : vector<16xf32>
      %add3A_341 = arith.addf %add3A_325, %mul3A_340 : vector<16xf32>
      %broadcast_in_dim3A_342 = arith.constant 10 : i32
      %broadcast_in_dim3A_343 = vector.broadcast %broadcast_in_dim3A_342 : i32 to vector<16xi32>
      %gather3A_344 = tpu.vector_load_idx %arg17[%add3A_185, %broadcast_in_dim3A_343] : memref<640x16xf32, #tpu.memory_space<vmem>>[vector<16xi32>, vector<16xi32>], vector<16xf32>,
      %mul3A_345 = arith.mulf %gather3A_344, %get3A_180 : vector<16xf32>
      %slice3A_346 = vector.extract_strided_slice %get3A_108 {offsets = [10], sizes = [1], strides = [1]} : vector<16xf32> to vector<1xf32>
      %squeeze3A_347 = vector.extract %slice3A_346[0] : f32 from vector<1xf32>
      %add3A_348 = vector.broadcast %squeeze3A_347 : f32 to vector<16xf32>
      %add3A_349 = arith.addf %mul3A_345, %add3A_348 : vector<16xf32>
      %max3A_350 = arith.constant 0.000000e+00 : f32
      %max3A_351 = vector.broadcast %max3A_350 : f32 to vector<16xf32>
      %max3A_352 = arith.maximumf %add3A_349, %max3A_351 : vector<16xf32>
      %slice3A_353 = vector.extract_strided_slice %get3A_110 {offsets = [10], sizes = [1], strides = [1]} : vector<16xf32> to vector<1xf32>
      %squeeze3A_354 = vector.extract %slice3A_353[0] : f32 from vector<1xf32>
      %mul3A_355 = vector.broadcast %squeeze3A_354 : f32 to vector<16xf32>
      %mul3A_356 = arith.mulf %max3A_352, %mul3A_355 : vector<16xf32>
      %add3A_357 = arith.addf %add3A_341, %mul3A_356 : vector<16xf32>
      %broadcast_in_dim3A_358 = arith.constant 11 : i32
      %broadcast_in_dim3A_359 = vector.broadcast %broadcast_in_dim3A_358 : i32 to vector<16xi32>
      %gather3A_360 = tpu.vector_load_idx %arg17[%add3A_185, %broadcast_in_dim3A_359] : memref<640x16xf32, #tpu.memory_space<vmem>>[vector<16xi32>, vector<16xi32>], vector<16xf32>,
      %mul3A_361 = arith.mulf %gather3A_360, %get3A_180 : vector<16xf32>
      %slice3A_362 = vector.extract_strided_slice %get3A_108 {offsets = [11], sizes = [1], strides = [1]} : vector<16xf32> to vector<1xf32>
      %squeeze3A_363 = vector.extract %slice3A_362[0] : f32 from vector<1xf32>
      %add3A_364 = vector.broadcast %squeeze3A_363 : f32 to vector<16xf32>
      %add3A_365 = arith.addf %mul3A_361, %add3A_364 : vector<16xf32>
      %max3A_366 = arith.constant 0.000000e+00 : f32
      %max3A_367 = vector.broadcast %max3A_366 : f32 to vector<16xf32>
      %max3A_368 = arith.maximumf %add3A_365, %max3A_367 : vector<16xf32>
      %slice3A_369 = vector.extract_strided_slice %get3A_110 {offsets = [11], sizes = [1], strides = [1]} : vector<16xf32> to vector<1xf32>
      %squeeze3A_370 = vector.extract %slice3A_369[0] : f32 from vector<1xf32>
      %mul3A_371 = vector.broadcast %squeeze3A_370 : f32 to vector<16xf32>
      %mul3A_372 = arith.mulf %max3A_368, %mul3A_371 : vector<16xf32>
      %add3A_373 = arith.addf %add3A_357, %mul3A_372 : vector<16xf32>
      %broadcast_in_dim3A_374 = arith.constant 12 : i32
      %broadcast_in_dim3A_375 = vector.broadcast %broadcast_in_dim3A_374 : i32 to vector<16xi32>
      %gather3A_376 = tpu.vector_load_idx %arg17[%add3A_185, %broadcast_in_dim3A_375] : memref<640x16xf32, #tpu.memory_space<vmem>>[vector<16xi32>, vector<16xi32>], vector<16xf32>,
      %mul3A_377 = arith.mulf %gather3A_376, %get3A_180 : vector<16xf32>
      %slice3A_378 = vector.extract_strided_slice %get3A_108 {offsets = [12], sizes = [1], strides = [1]} : vector<16xf32> to vector<1xf32>
      %squeeze3A_379 = vector.extract %slice3A_378[0] : f32 from vector<1xf32>
      %add3A_380 = vector.broadcast %squeeze3A_379 : f32 to vector<16xf32>
      %add3A_381 = arith.addf %mul3A_377, %add3A_380 : vector<16xf32>
      %max3A_382 = arith.constant 0.000000e+00 : f32
      %max3A_383 = vector.broadcast %max3A_382 : f32 to vector<16xf32>
      %max3A_384 = arith.maximumf %add3A_381, %max3A_383 : vector<16xf32>
      %slice3A_385 = vector.extract_strided_slice %get3A_110 {offsets = [12], sizes = [1], strides = [1]} : vector<16xf32> to vector<1xf32>
      %squeeze3A_386 = vector.extract %slice3A_385[0] : f32 from vector<1xf32>
      %mul3A_387 = vector.broadcast %squeeze3A_386 : f32 to vector<16xf32>
      %mul3A_388 = arith.mulf %max3A_384, %mul3A_387 : vector<16xf32>
      %add3A_389 = arith.addf %add3A_373, %mul3A_388 : vector<16xf32>
      %broadcast_in_dim3A_390 = arith.constant 13 : i32
      %broadcast_in_dim3A_391 = vector.broadcast %broadcast_in_dim3A_390 : i32 to vector<16xi32>
      %gather3A_392 = tpu.vector_load_idx %arg17[%add3A_185, %broadcast_in_dim3A_391] : memref<640x16xf32, #tpu.memory_space<vmem>>[vector<16xi32>, vector<16xi32>], vector<16xf32>,
      %mul3A_393 = arith.mulf %gather3A_392, %get3A_180 : vector<16xf32>
      %slice3A_394 = vector.extract_strided_slice %get3A_108 {offsets = [13], sizes = [1], strides = [1]} : vector<16xf32> to vector<1xf32>
      %squeeze3A_395 = vector.extract %slice3A_394[0] : f32 from vector<1xf32>
      %add3A_396 = vector.broadcast %squeeze3A_395 : f32 to vector<16xf32>
      %add3A_397 = arith.addf %mul3A_393, %add3A_396 : vector<16xf32>
      %max3A_398 = arith.constant 0.000000e+00 : f32
      %max3A_399 = vector.broadcast %max3A_398 : f32 to vector<16xf32>
      %max3A_400 = arith.maximumf %add3A_397, %max3A_399 : vector<16xf32>
      %slice3A_401 = vector.extract_strided_slice %get3A_110 {offsets = [13], sizes = [1], strides = [1]} : vector<16xf32> to vector<1xf32>
      %squeeze3A_402 = vector.extract %slice3A_401[0] : f32 from vector<1xf32>
      %mul3A_403 = vector.broadcast %squeeze3A_402 : f32 to vector<16xf32>
      %mul3A_404 = arith.mulf %max3A_400, %mul3A_403 : vector<16xf32>
      %add3A_405 = arith.addf %add3A_389, %mul3A_404 : vector<16xf32>
      %broadcast_in_dim3A_406 = arith.constant 14 : i32
      %broadcast_in_dim3A_407 = vector.broadcast %broadcast_in_dim3A_406 : i32 to vector<16xi32>
      %gather3A_408 = tpu.vector_load_idx %arg17[%add3A_185, %broadcast_in_dim3A_407] : memref<640x16xf32, #tpu.memory_space<vmem>>[vector<16xi32>, vector<16xi32>], vector<16xf32>,
      %mul3A_409 = arith.mulf %gather3A_408, %get3A_180 : vector<16xf32>
      %slice3A_410 = vector.extract_strided_slice %get3A_108 {offsets = [14], sizes = [1], strides = [1]} : vector<16xf32> to vector<1xf32>
      %squeeze3A_411 = vector.extract %slice3A_410[0] : f32 from vector<1xf32>
      %add3A_412 = vector.broadcast %squeeze3A_411 : f32 to vector<16xf32>
      %add3A_413 = arith.addf %mul3A_409, %add3A_412 : vector<16xf32>
      %max3A_414 = arith.constant 0.000000e+00 : f32
      %max3A_415 = vector.broadcast %max3A_414 : f32 to vector<16xf32>
      %max3A_416 = arith.maximumf %add3A_413, %max3A_415 : vector<16xf32>
      %slice3A_417 = vector.extract_strided_slice %get3A_110 {offsets = [14], sizes = [1], strides = [1]} : vector<16xf32> to vector<1xf32>
      %squeeze3A_418 = vector.extract %slice3A_417[0] : f32 from vector<1xf32>
      %mul3A_419 = vector.broadcast %squeeze3A_418 : f32 to vector<16xf32>
      %mul3A_420 = arith.mulf %max3A_416, %mul3A_419 : vector<16xf32>
      %add3A_421 = arith.addf %add3A_405, %mul3A_420 : vector<16xf32>
      %broadcast_in_dim3A_422 = arith.constant 15 : i32
      %broadcast_in_dim3A_423 = vector.broadcast %broadcast_in_dim3A_422 : i32 to vector<16xi32>
      %gather3A_424 = tpu.vector_load_idx %arg17[%add3A_185, %broadcast_in_dim3A_423] : memref<640x16xf32, #tpu.memory_space<vmem>>[vector<16xi32>, vector<16xi32>], vector<16xf32>,
      %mul3A_425 = arith.mulf %gather3A_424, %get3A_180 : vector<16xf32>
      %slice3A_426 = vector.extract_strided_slice %get3A_108 {offsets = [15], sizes = [1], strides = [1]} : vector<16xf32> to vector<1xf32>
      %squeeze3A_427 = vector.extract %slice3A_426[0] : f32 from vector<1xf32>
      %add3A_428 = vector.broadcast %squeeze3A_427 : f32 to vector<16xf32>
      %add3A_429 = arith.addf %mul3A_425, %add3A_428 : vector<16xf32>
      %max3A_430 = arith.constant 0.000000e+00 : f32
      %max3A_431 = vector.broadcast %max3A_430 : f32 to vector<16xf32>
      %max3A_432 = arith.maximumf %add3A_429, %max3A_431 : vector<16xf32>
      %slice3A_433 = vector.extract_strided_slice %get3A_110 {offsets = [15], sizes = [1], strides = [1]} : vector<16xf32> to vector<1xf32>
      %squeeze3A_434 = vector.extract %slice3A_433[0] : f32 from vector<1xf32>
      %mul3A_435 = vector.broadcast %squeeze3A_434 : f32 to vector<16xf32>
      %mul3A_436 = arith.mulf %max3A_432, %mul3A_435 : vector<16xf32>
      %add3A_437 = arith.addf %add3A_421, %mul3A_436 : vector<16xf32>
      %mul3A_438 = arith.mulf %add3A_437, %get3A_180 : vector<16xf32>
      %mul3A_439 = arith.constant 16 : i32
      %mul3A_440 = arith.muli %scan3A_176, %mul3A_439 : i32
      %swap3A = arith.index_cast %mul3A_440 : i32 to index
      %swap3A_441 = tpu.vector_load %arg19[%swap3A] {strides = array<i32>} : memref<640xf32, #tpu.memory_space<vmem>>, vector<16xf32>,
      tpu.vector_store %arg19[%swap3A], %mul3A_438 {strides = array<i32>} : memref<640xf32, #tpu.memory_space<vmem>>, vector<16xf32>,
    }
    %scan3A_116 = arith.constant 40 : i32
    "tpu.region"() ({
      %run_scoped3A_176 = tpu.sem_alloc : memref<!tpu.dma_semaphore, #tpu.memory_space<semaphore_mem>>
      %dma_start3A_177 = tpu.memref_slice %arg12[%min3A_1] : memref<10000xf32, #tpu.memory_space<vmem_shared>> -> memref<640xf32, #tpu.memory_space<vmem_shared>>
      %dma_start3A_178 = tpu.memref_slice %arg12[%min3A_1] : memref<10000xf32, #tpu.memory_space<vmem_shared>> -> memref<640xf32, #tpu.memory_space<vmem_shared>>
      tpu.enqueue_dma source(%arg19 : memref<640xf32, #tpu.memory_space<vmem>>) target(%dma_start3A_178 : memref<640xf32, #tpu.memory_space<vmem_shared>>) target_semaphore(%run_scoped3A_176 : memref<!tpu.dma_semaphore, #tpu.memory_space<semaphore_mem>>)
      %dma_wait3A_179 = tpu.memref_slice %arg12[%min3A_1] : memref<10000xf32, #tpu.memory_space<vmem_shared>> -> memref<640xf32, #tpu.memory_space<vmem_shared>>
      %dma_wait3A_180 = tpu.memref_slice %arg12[%min3A_1] : memref<10000xf32, #tpu.memory_space<vmem_shared>> -> memref<640xf32, #tpu.memory_space<vmem_shared>>
      tpu.wait_dma2 semaphore(%run_scoped3A_176 : memref<!tpu.dma_semaphore, #tpu.memory_space<semaphore_mem>>) src(%arg19 : memref<640xf32, #tpu.memory_space<vmem>>) dst(%dma_wait3A_180 : memref<640xf32, #tpu.memory_space<vmem_shared>>)
      tpu.yield
    }) : () -> ()
    "tpu.region"() ({
      %run_scoped3A_176 = tpu.sem_alloc : memref<!tpu.dma_semaphore, #tpu.memory_space<semaphore_mem>>
      %dma_start3A_177 = tpu.memref_slice %arg13[%min3A_1] : memref<10000xf32, #tpu.memory_space<vmem_shared>> -> memref<640xf32, #tpu.memory_space<vmem_shared>>
      %dma_start3A_178 = tpu.memref_slice %arg13[%min3A_1] : memref<10000xf32, #tpu.memory_space<vmem_shared>> -> memref<640xf32, #tpu.memory_space<vmem_shared>>
      tpu.enqueue_dma source(%arg19 : memref<640xf32, #tpu.memory_space<vmem>>) target(%dma_start3A_178 : memref<640xf32, #tpu.memory_space<vmem_shared>>) target_semaphore(%run_scoped3A_176 : memref<!tpu.dma_semaphore, #tpu.memory_space<semaphore_mem>>)
      %dma_wait3A_179 = tpu.memref_slice %arg13[%min3A_1] : memref<10000xf32, #tpu.memory_space<vmem_shared>> -> memref<640xf32, #tpu.memory_space<vmem_shared>>
      %dma_wait3A_180 = tpu.memref_slice %arg13[%min3A_1] : memref<10000xf32, #tpu.memory_space<vmem_shared>> -> memref<640xf32, #tpu.memory_space<vmem_shared>>
      tpu.wait_dma2 semaphore(%run_scoped3A_176 : memref<!tpu.dma_semaphore, #tpu.memory_space<semaphore_mem>>) src(%arg19 : memref<640xf32, #tpu.memory_space<vmem>>) dst(%dma_wait3A_180 : memref<640xf32, #tpu.memory_space<vmem_shared>>)
      tpu.yield
    }) : () -> ()
    %barrier3A_117 = arith.constant 0 : index
    tpu.barrier barrier_id(%barrier3A_117)
    %dma_start3A_118 = arith.constant 0 : i32
    %dma_start3A_119 = arith.constant 0 : i32
    %dma_start3A_120 = arith.constant 0 : i32
    %dma_start3A_121 = arith.constant 0 : i32
    %dma_start3A_122 = arith.constant 0 : i32
    %dma_start3A_123 = tpu.memref_slice %arg16[%dma_start3A_120, %dma_start3A_122] : memref<4x128xf32, #tpu.memory_space<vmem>> -> memref<1x128xf32, #tpu.memory_space<vmem>>
    %dma_start3A_124 = tpu.memref_squeeze %dma_start3A_123 : memref<1x128xf32, #tpu.memory_space<vmem>> -> memref<128xf32, #tpu.memory_space<vmem>>
    %dma_start3A_125 = arith.constant 0 : i32
    %dma_start3A_126 = tpu.memref_slice %arg14[%dma_start3A_118, %dma_start3A_119, %dma_start3A_125] : memref<157x2x128xi32, #tpu.memory_space<vmem>> -> memref<1x1x128xi32, #tpu.memory_space<vmem>>
    %dma_start3A_127 = tpu.memref_squeeze %dma_start3A_126 : memref<1x1x128xi32, #tpu.memory_space<vmem>> -> memref<128xi32, #tpu.memory_space<vmem>>
    %dma_start3A_128 = arith.constant 0 : i32
    %dma_start3A_129 = tpu.memref_slice %arg12[%dma_start3A_128] : memref<10000xf32, #tpu.memory_space<vmem_shared>> -> memref<10000xf32, #tpu.memory_space<vmem_shared>>
    %dma_start3A_130 = tpu.memref_slice %arg24[%dma_start3A_121] : memref<4x!tpu.dma_semaphore, #tpu.memory_space<semaphore_mem>> -> memref<1x!tpu.dma_semaphore, #tpu.memory_space<semaphore_mem>>
    %dma_start3A_131 = tpu.memref_squeeze %dma_start3A_130 : memref<1x!tpu.dma_semaphore, #tpu.memory_space<semaphore_mem>> -> memref<!tpu.dma_semaphore, #tpu.memory_space<semaphore_mem>>
    tpu.enqueue_indirect_dma source(%dma_start3A_129 : memref<10000xf32, #tpu.memory_space<vmem_shared>>) target(%dma_start3A_124 : memref<128xf32, #tpu.memory_space<vmem>>) offsets(%dma_start3A_127 : memref<128xi32, #tpu.memory_space<vmem>>) semaphore(%dma_start3A_131 : memref<!tpu.dma_semaphore, #tpu.memory_space<semaphore_mem>>)
    %dma_start3A_132 = arith.constant 1 : i32
    %dma_start3A_133 = arith.constant 0 : i32
    %dma_start3A_134 = arith.constant 1 : i32
    %dma_start3A_135 = arith.constant 1 : i32
    %dma_start3A_136 = arith.constant 0 : i32
    %dma_start3A_137 = tpu.memref_slice %arg16[%dma_start3A_134, %dma_start3A_136] : memref<4x128xf32, #tpu.memory_space<vmem>> -> memref<1x128xf32, #tpu.memory_space<vmem>>
    %dma_start3A_138 = tpu.memref_squeeze %dma_start3A_137 : memref<1x128xf32, #tpu.memory_space<vmem>> -> memref<128xf32, #tpu.memory_space<vmem>>
    %dma_start3A_139 = arith.constant 0 : i32
    %dma_start3A_140 = tpu.memref_slice %arg14[%dma_start3A_132, %dma_start3A_133, %dma_start3A_139] : memref<157x2x128xi32, #tpu.memory_space<vmem>> -> memref<1x1x128xi32, #tpu.memory_space<vmem>>
    %dma_start3A_141 = tpu.memref_squeeze %dma_start3A_140 : memref<1x1x128xi32, #tpu.memory_space<vmem>> -> memref<128xi32, #tpu.memory_space<vmem>>
    %dma_start3A_142 = arith.constant 0 : i32
    %dma_start3A_143 = tpu.memref_slice %arg12[%dma_start3A_142] : memref<10000xf32, #tpu.memory_space<vmem_shared>> -> memref<10000xf32, #tpu.memory_space<vmem_shared>>
    %dma_start3A_144 = tpu.memref_slice %arg24[%dma_start3A_135] : memref<4x!tpu.dma_semaphore, #tpu.memory_space<semaphore_mem>> -> memref<1x!tpu.dma_semaphore, #tpu.memory_space<semaphore_mem>>
    %dma_start3A_145 = tpu.memref_squeeze %dma_start3A_144 : memref<1x!tpu.dma_semaphore, #tpu.memory_space<semaphore_mem>> -> memref<!tpu.dma_semaphore, #tpu.memory_space<semaphore_mem>>
    tpu.enqueue_indirect_dma source(%dma_start3A_143 : memref<10000xf32, #tpu.memory_space<vmem_shared>>) target(%dma_start3A_138 : memref<128xf32, #tpu.memory_space<vmem>>) offsets(%dma_start3A_141 : memref<128xi32, #tpu.memory_space<vmem>>) semaphore(%dma_start3A_145 : memref<!tpu.dma_semaphore, #tpu.memory_space<semaphore_mem>>)
    %while3A_146 = arith.constant 0 : i32
    %while3A_147 = arith.constant 0 : i32
    %while3A_148 = arith.subi %add3A_4, %while3A_147 : i32
    %while3A_149 = arith.addi %while3A_147, %while3A_148 : i32
    %while3A_150 = arith.constant 1 : i32
    %while3A_151 = arith.divsi %while3A_148, %while3A_150 : i32
    %while3A_152 = arith.muli %while3A_151, %while3A_150 : i32
    %while3A_153 = arith.addi %while3A_147, %while3A_152 : i32
    %while3A_154 = arith.constant 1 : i32
    scf.for %while3A_176 = %while3A_147 to %while3A_153 step %while3A_154  : i32 {
      %rem3A = arith.constant 4 : i32
      %rem3A_177 = arith.remsi %while3A_176, %rem3A : i32
      %add3A_178 = arith.constant 2 : i32
      %add3A_179 = arith.addi %while3A_176, %add3A_178 : i32
      %rem3A_180 = arith.constant 4 : i32
      %rem3A_181 = arith.remsi %add3A_179, %rem3A_180 : i32
      %add3A_182 = arith.constant 2 : i32
      %add3A_183 = arith.addi %while3A_176, %add3A_182 : i32
      %lt3A_184 = arith.cmpi slt, %add3A_183, %add3A_4 : i32
      %convert_element_type3A_185 = arith.extui %lt3A_184 : i1 to i32
      %cond3A_186 = arith.constant 0 : i32
      %cond3A_187 = arith.cmpi ne, %convert_element_type3A_185, %cond3A_186 : i32
      scf.if %cond3A_187 {
        %ge3A = arith.constant 2 : i32
        %ge3A_210 = arith.cmpi sge, %while3A_176, %ge3A : i32
        %convert_element_type3A_211 = arith.extui %ge3A_210 : i1 to i32
        %cond3A_212 = arith.constant 0 : i32
        %cond3A_213 = arith.cmpi ne, %convert_element_type3A_211, %cond3A_212 : i32
        scf.if %cond3A_213 {
          %sub3A_227 = arith.constant 2 : i32
          %sub3A_228 = arith.subi %while3A_176, %sub3A_227 : i32
          %dma_wait3A_229 = arith.constant 1 : i32
          %dma_wait3A_230 = arith.constant 0 : i32
          %dma_wait3A_231 = tpu.memref_slice %arg16[%rem3A_181, %dma_wait3A_230] : memref<4x128xf32, #tpu.memory_space<vmem>> -> memref<1x128xf32, #tpu.memory_space<vmem>>
          %dma_wait3A_232 = tpu.memref_squeeze %dma_wait3A_231 : memref<1x128xf32, #tpu.memory_space<vmem>> -> memref<128xf32, #tpu.memory_space<vmem>>
          %dma_wait3A_233 = arith.constant 0 : i32
          %dma_wait3A_234 = tpu.memref_slice %arg14[%sub3A_228, %dma_wait3A_229, %dma_wait3A_233] : memref<157x2x128xi32, #tpu.memory_space<vmem>> -> memref<1x1x128xi32, #tpu.memory_space<vmem>>
          %dma_wait3A_235 = tpu.memref_squeeze %dma_wait3A_234 : memref<1x1x128xi32, #tpu.memory_space<vmem>> -> memref<128xi32, #tpu.memory_space<vmem>>
          %dma_wait3A_236 = arith.constant 0 : i32
          %dma_wait3A_237 = tpu.memref_slice %arg13[%dma_wait3A_236] : memref<10000xf32, #tpu.memory_space<vmem_shared>> -> memref<10000xf32, #tpu.memory_space<vmem_shared>>
          %dma_wait3A_238 = tpu.memref_slice %arg25[%rem3A_181] : memref<4x!tpu.dma_semaphore, #tpu.memory_space<semaphore_mem>> -> memref<1x!tpu.dma_semaphore, #tpu.memory_space<semaphore_mem>>
          %dma_wait3A_239 = tpu.memref_squeeze %dma_wait3A_238 : memref<1x!tpu.dma_semaphore, #tpu.memory_space<semaphore_mem>> -> memref<!tpu.dma_semaphore, #tpu.memory_space<semaphore_mem>>
          tpu.wait_indirect_dma semaphore(%dma_wait3A_239 : memref<!tpu.dma_semaphore, #tpu.memory_space<semaphore_mem>>) src(%dma_wait3A_232 : memref<128xf32, #tpu.memory_space<vmem>>) dst(%dma_wait3A_237 : memref<10000xf32, #tpu.memory_space<vmem_shared>>)
        } else {
        }
        %add3A_214 = arith.constant 2 : i32
        %add3A_215 = arith.addi %while3A_176, %add3A_214 : i32
        %dma_start3A_216 = arith.constant 0 : i32
        %dma_start3A_217 = arith.constant 0 : i32
        %dma_start3A_218 = tpu.memref_slice %arg16[%rem3A_181, %dma_start3A_217] : memref<4x128xf32, #tpu.memory_space<vmem>> -> memref<1x128xf32, #tpu.memory_space<vmem>>
        %dma_start3A_219 = tpu.memref_squeeze %dma_start3A_218 : memref<1x128xf32, #tpu.memory_space<vmem>> -> memref<128xf32, #tpu.memory_space<vmem>>
        %dma_start3A_220 = arith.constant 0 : i32
        %dma_start3A_221 = tpu.memref_slice %arg14[%add3A_215, %dma_start3A_216, %dma_start3A_220] : memref<157x2x128xi32, #tpu.memory_space<vmem>> -> memref<1x1x128xi32, #tpu.memory_space<vmem>>
        %dma_start3A_222 = tpu.memref_squeeze %dma_start3A_221 : memref<1x1x128xi32, #tpu.memory_space<vmem>> -> memref<128xi32, #tpu.memory_space<vmem>>
        %dma_start3A_223 = arith.constant 0 : i32
        %dma_start3A_224 = tpu.memref_slice %arg12[%dma_start3A_223] : memref<10000xf32, #tpu.memory_space<vmem_shared>> -> memref<10000xf32, #tpu.memory_space<vmem_shared>>
        %dma_start3A_225 = tpu.memref_slice %arg24[%rem3A_181] : memref<4x!tpu.dma_semaphore, #tpu.memory_space<semaphore_mem>> -> memref<1x!tpu.dma_semaphore, #tpu.memory_space<semaphore_mem>>
        %dma_start3A_226 = tpu.memref_squeeze %dma_start3A_225 : memref<1x!tpu.dma_semaphore, #tpu.memory_space<semaphore_mem>> -> memref<!tpu.dma_semaphore, #tpu.memory_space<semaphore_mem>>
        tpu.enqueue_indirect_dma source(%dma_start3A_224 : memref<10000xf32, #tpu.memory_space<vmem_shared>>) target(%dma_start3A_219 : memref<128xf32, #tpu.memory_space<vmem>>) offsets(%dma_start3A_222 : memref<128xi32, #tpu.memory_space<vmem>>) semaphore(%dma_start3A_226 : memref<!tpu.dma_semaphore, #tpu.memory_space<semaphore_mem>>)
      } else {
      }
      %dma_wait3A_188 = arith.constant 0 : i32
      %dma_wait3A_189 = arith.constant 0 : i32
      %dma_wait3A_190 = tpu.memref_slice %arg16[%rem3A_177, %dma_wait3A_189] : memref<4x128xf32, #tpu.memory_space<vmem>> -> memref<1x128xf32, #tpu.memory_space<vmem>>
      %dma_wait3A_191 = tpu.memref_squeeze %dma_wait3A_190 : memref<1x128xf32, #tpu.memory_space<vmem>> -> memref<128xf32, #tpu.memory_space<vmem>>
      %dma_wait3A_192 = arith.constant 0 : i32
      %dma_wait3A_193 = tpu.memref_slice %arg14[%while3A_176, %dma_wait3A_188, %dma_wait3A_192] : memref<157x2x128xi32, #tpu.memory_space<vmem>> -> memref<1x1x128xi32, #tpu.memory_space<vmem>>
      %dma_wait3A_194 = tpu.memref_squeeze %dma_wait3A_193 : memref<1x1x128xi32, #tpu.memory_space<vmem>> -> memref<128xi32, #tpu.memory_space<vmem>>
      %dma_wait3A_195 = arith.constant 0 : i32
      %dma_wait3A_196 = tpu.memref_slice %arg12[%dma_wait3A_195] : memref<10000xf32, #tpu.memory_space<vmem_shared>> -> memref<10000xf32, #tpu.memory_space<vmem_shared>>
      %dma_wait3A_197 = tpu.memref_slice %arg24[%rem3A_177] : memref<4x!tpu.dma_semaphore, #tpu.memory_space<semaphore_mem>> -> memref<1x!tpu.dma_semaphore, #tpu.memory_space<semaphore_mem>>
      %dma_wait3A_198 = tpu.memref_squeeze %dma_wait3A_197 : memref<1x!tpu.dma_semaphore, #tpu.memory_space<semaphore_mem>> -> memref<!tpu.dma_semaphore, #tpu.memory_space<semaphore_mem>>
      tpu.wait_indirect_dma semaphore(%dma_wait3A_198 : memref<!tpu.dma_semaphore, #tpu.memory_space<semaphore_mem>>) src(%dma_wait3A_196 : memref<10000xf32, #tpu.memory_space<vmem_shared>>) dst(%dma_wait3A_191 : memref<128xf32, #tpu.memory_space<vmem>>)
      %dma_start3A_199 = arith.constant 1 : i32
      %dma_start3A_200 = arith.constant 0 : i32
      %dma_start3A_201 = tpu.memref_slice %arg16[%rem3A_177, %dma_start3A_200] : memref<4x128xf32, #tpu.memory_space<vmem>> -> memref<1x128xf32, #tpu.memory_space<vmem>>
      %dma_start3A_202 = tpu.memref_squeeze %dma_start3A_201 : memref<1x128xf32, #tpu.memory_space<vmem>> -> memref<128xf32, #tpu.memory_space<vmem>>
      %dma_start3A_203 = arith.constant 0 : i32
      %dma_start3A_204 = tpu.memref_slice %arg14[%while3A_176, %dma_start3A_199, %dma_start3A_203] : memref<157x2x128xi32, #tpu.memory_space<vmem>> -> memref<1x1x128xi32, #tpu.memory_space<vmem>>
      %dma_start3A_205 = tpu.memref_squeeze %dma_start3A_204 : memref<1x1x128xi32, #tpu.memory_space<vmem>> -> memref<128xi32, #tpu.memory_space<vmem>>
      %dma_start3A_206 = arith.constant 0 : i32
      %dma_start3A_207 = tpu.memref_slice %arg13[%dma_start3A_206] : memref<10000xf32, #tpu.memory_space<vmem_shared>> -> memref<10000xf32, #tpu.memory_space<vmem_shared>>
      %dma_start3A_208 = tpu.memref_slice %arg25[%rem3A_177] : memref<4x!tpu.dma_semaphore, #tpu.memory_space<semaphore_mem>> -> memref<1x!tpu.dma_semaphore, #tpu.memory_space<semaphore_mem>>
      %dma_start3A_209 = tpu.memref_squeeze %dma_start3A_208 : memref<1x!tpu.dma_semaphore, #tpu.memory_space<semaphore_mem>> -> memref<!tpu.dma_semaphore, #tpu.memory_space<semaphore_mem>>
      tpu.enqueue_indirect_dma source(%dma_start3A_202 : memref<128xf32, #tpu.memory_space<vmem>>) target(%dma_start3A_207 : memref<10000xf32, #tpu.memory_space<vmem_shared>>) offsets(%dma_start3A_205 : memref<128xi32, #tpu.memory_space<vmem>>) semaphore(%dma_start3A_209 : memref<!tpu.dma_semaphore, #tpu.memory_space<semaphore_mem>>) {add = true}
    }
    %while3A_155 = arith.constant 1 : i32
    scf.for %while3A_176 = %while3A_153 to %while3A_149 step %while3A_155  : i32 {
      %rem3A = arith.constant 4 : i32
      %rem3A_177 = arith.remsi %while3A_176, %rem3A : i32
      %add3A_178 = arith.constant 2 : i32
      %add3A_179 = arith.addi %while3A_176, %add3A_178 : i32
      %rem3A_180 = arith.constant 4 : i32
      %rem3A_181 = arith.remsi %add3A_179, %rem3A_180 : i32
      %add3A_182 = arith.constant 2 : i32
      %add3A_183 = arith.addi %while3A_176, %add3A_182 : i32
      %lt3A_184 = arith.cmpi slt, %add3A_183, %add3A_4 : i32
      %convert_element_type3A_185 = arith.extui %lt3A_184 : i1 to i32
      %cond3A_186 = arith.constant 0 : i32
      %cond3A_187 = arith.cmpi ne, %convert_element_type3A_185, %cond3A_186 : i32
      scf.if %cond3A_187 {
        %ge3A = arith.constant 2 : i32
        %ge3A_210 = arith.cmpi sge, %while3A_176, %ge3A : i32
        %convert_element_type3A_211 = arith.extui %ge3A_210 : i1 to i32
        %cond3A_212 = arith.constant 0 : i32
        %cond3A_213 = arith.cmpi ne, %convert_element_type3A_211, %cond3A_212 : i32
        scf.if %cond3A_213 {
          %sub3A_227 = arith.constant 2 : i32
          %sub3A_228 = arith.subi %while3A_176, %sub3A_227 : i32
          %dma_wait3A_229 = arith.constant 1 : i32
          %dma_wait3A_230 = arith.constant 0 : i32
          %dma_wait3A_231 = tpu.memref_slice %arg16[%rem3A_181, %dma_wait3A_230] : memref<4x128xf32, #tpu.memory_space<vmem>> -> memref<1x128xf32, #tpu.memory_space<vmem>>
          %dma_wait3A_232 = tpu.memref_squeeze %dma_wait3A_231 : memref<1x128xf32, #tpu.memory_space<vmem>> -> memref<128xf32, #tpu.memory_space<vmem>>
          %dma_wait3A_233 = arith.constant 0 : i32
          %dma_wait3A_234 = tpu.memref_slice %arg14[%sub3A_228, %dma_wait3A_229, %dma_wait3A_233] : memref<157x2x128xi32, #tpu.memory_space<vmem>> -> memref<1x1x128xi32, #tpu.memory_space<vmem>>
          %dma_wait3A_235 = tpu.memref_squeeze %dma_wait3A_234 : memref<1x1x128xi32, #tpu.memory_space<vmem>> -> memref<128xi32, #tpu.memory_space<vmem>>
          %dma_wait3A_236 = arith.constant 0 : i32
          %dma_wait3A_237 = tpu.memref_slice %arg13[%dma_wait3A_236] : memref<10000xf32, #tpu.memory_space<vmem_shared>> -> memref<10000xf32, #tpu.memory_space<vmem_shared>>
          %dma_wait3A_238 = tpu.memref_slice %arg25[%rem3A_181] : memref<4x!tpu.dma_semaphore, #tpu.memory_space<semaphore_mem>> -> memref<1x!tpu.dma_semaphore, #tpu.memory_space<semaphore_mem>>
          %dma_wait3A_239 = tpu.memref_squeeze %dma_wait3A_238 : memref<1x!tpu.dma_semaphore, #tpu.memory_space<semaphore_mem>> -> memref<!tpu.dma_semaphore, #tpu.memory_space<semaphore_mem>>
          tpu.wait_indirect_dma semaphore(%dma_wait3A_239 : memref<!tpu.dma_semaphore, #tpu.memory_space<semaphore_mem>>) src(%dma_wait3A_232 : memref<128xf32, #tpu.memory_space<vmem>>) dst(%dma_wait3A_237 : memref<10000xf32, #tpu.memory_space<vmem_shared>>)
        } else {
        }
        %add3A_214 = arith.constant 2 : i32
        %add3A_215 = arith.addi %while3A_176, %add3A_214 : i32
        %dma_start3A_216 = arith.constant 0 : i32
        %dma_start3A_217 = arith.constant 0 : i32
        %dma_start3A_218 = tpu.memref_slice %arg16[%rem3A_181, %dma_start3A_217] : memref<4x128xf32, #tpu.memory_space<vmem>> -> memref<1x128xf32, #tpu.memory_space<vmem>>
        %dma_start3A_219 = tpu.memref_squeeze %dma_start3A_218 : memref<1x128xf32, #tpu.memory_space<vmem>> -> memref<128xf32, #tpu.memory_space<vmem>>
        %dma_start3A_220 = arith.constant 0 : i32
        %dma_start3A_221 = tpu.memref_slice %arg14[%add3A_215, %dma_start3A_216, %dma_start3A_220] : memref<157x2x128xi32, #tpu.memory_space<vmem>> -> memref<1x1x128xi32, #tpu.memory_space<vmem>>
        %dma_start3A_222 = tpu.memref_squeeze %dma_start3A_221 : memref<1x1x128xi32, #tpu.memory_space<vmem>> -> memref<128xi32, #tpu.memory_space<vmem>>
        %dma_start3A_223 = arith.constant 0 : i32
        %dma_start3A_224 = tpu.memref_slice %arg12[%dma_start3A_223] : memref<10000xf32, #tpu.memory_space<vmem_shared>> -> memref<10000xf32, #tpu.memory_space<vmem_shared>>
        %dma_start3A_225 = tpu.memref_slice %arg24[%rem3A_181] : memref<4x!tpu.dma_semaphore, #tpu.memory_space<semaphore_mem>> -> memref<1x!tpu.dma_semaphore, #tpu.memory_space<semaphore_mem>>
        %dma_start3A_226 = tpu.memref_squeeze %dma_start3A_225 : memref<1x!tpu.dma_semaphore, #tpu.memory_space<semaphore_mem>> -> memref<!tpu.dma_semaphore, #tpu.memory_space<semaphore_mem>>
        tpu.enqueue_indirect_dma source(%dma_start3A_224 : memref<10000xf32, #tpu.memory_space<vmem_shared>>) target(%dma_start3A_219 : memref<128xf32, #tpu.memory_space<vmem>>) offsets(%dma_start3A_222 : memref<128xi32, #tpu.memory_space<vmem>>) semaphore(%dma_start3A_226 : memref<!tpu.dma_semaphore, #tpu.memory_space<semaphore_mem>>)
      } else {
      }
      %dma_wait3A_188 = arith.constant 0 : i32
      %dma_wait3A_189 = arith.constant 0 : i32
      %dma_wait3A_190 = tpu.memref_slice %arg16[%rem3A_177, %dma_wait3A_189] : memref<4x128xf32, #tpu.memory_space<vmem>> -> memref<1x128xf32, #tpu.memory_space<vmem>>
      %dma_wait3A_191 = tpu.memref_squeeze %dma_wait3A_190 : memref<1x128xf32, #tpu.memory_space<vmem>> -> memref<128xf32, #tpu.memory_space<vmem>>
      %dma_wait3A_192 = arith.constant 0 : i32
      %dma_wait3A_193 = tpu.memref_slice %arg14[%while3A_176, %dma_wait3A_188, %dma_wait3A_192] : memref<157x2x128xi32, #tpu.memory_space<vmem>> -> memref<1x1x128xi32, #tpu.memory_space<vmem>>
      %dma_wait3A_194 = tpu.memref_squeeze %dma_wait3A_193 : memref<1x1x128xi32, #tpu.memory_space<vmem>> -> memref<128xi32, #tpu.memory_space<vmem>>
      %dma_wait3A_195 = arith.constant 0 : i32
      %dma_wait3A_196 = tpu.memref_slice %arg12[%dma_wait3A_195] : memref<10000xf32, #tpu.memory_space<vmem_shared>> -> memref<10000xf32, #tpu.memory_space<vmem_shared>>
      %dma_wait3A_197 = tpu.memref_slice %arg24[%rem3A_177] : memref<4x!tpu.dma_semaphore, #tpu.memory_space<semaphore_mem>> -> memref<1x!tpu.dma_semaphore, #tpu.memory_space<semaphore_mem>>
      %dma_wait3A_198 = tpu.memref_squeeze %dma_wait3A_197 : memref<1x!tpu.dma_semaphore, #tpu.memory_space<semaphore_mem>> -> memref<!tpu.dma_semaphore, #tpu.memory_space<semaphore_mem>>
      tpu.wait_indirect_dma semaphore(%dma_wait3A_198 : memref<!tpu.dma_semaphore, #tpu.memory_space<semaphore_mem>>) src(%dma_wait3A_196 : memref<10000xf32, #tpu.memory_space<vmem_shared>>) dst(%dma_wait3A_191 : memref<128xf32, #tpu.memory_space<vmem>>)
      %dma_start3A_199 = arith.constant 1 : i32
      %dma_start3A_200 = arith.constant 0 : i32
      %dma_start3A_201 = tpu.memref_slice %arg16[%rem3A_177, %dma_start3A_200] : memref<4x128xf32, #tpu.memory_space<vmem>> -> memref<1x128xf32, #tpu.memory_space<vmem>>
      %dma_start3A_202 = tpu.memref_squeeze %dma_start3A_201 : memref<1x128xf32, #tpu.memory_space<vmem>> -> memref<128xf32, #tpu.memory_space<vmem>>
      %dma_start3A_203 = arith.constant 0 : i32
      %dma_start3A_204 = tpu.memref_slice %arg14[%while3A_176, %dma_start3A_199, %dma_start3A_203] : memref<157x2x128xi32, #tpu.memory_space<vmem>> -> memref<1x1x128xi32, #tpu.memory_space<vmem>>
      %dma_start3A_205 = tpu.memref_squeeze %dma_start3A_204 : memref<1x1x128xi32, #tpu.memory_space<vmem>> -> memref<128xi32, #tpu.memory_space<vmem>>
      %dma_start3A_206 = arith.constant 0 : i32
      %dma_start3A_207 = tpu.memref_slice %arg13[%dma_start3A_206] : memref<10000xf32, #tpu.memory_space<vmem_shared>> -> memref<10000xf32, #tpu.memory_space<vmem_shared>>
      %dma_start3A_208 = tpu.memref_slice %arg25[%rem3A_177] : memref<4x!tpu.dma_semaphore, #tpu.memory_space<semaphore_mem>> -> memref<1x!tpu.dma_semaphore, #tpu.memory_space<semaphore_mem>>
      %dma_start3A_209 = tpu.memref_squeeze %dma_start3A_208 : memref<1x!tpu.dma_semaphore, #tpu.memory_space<semaphore_mem>> -> memref<!tpu.dma_semaphore, #tpu.memory_space<semaphore_mem>>
      tpu.enqueue_indirect_dma source(%dma_start3A_202 : memref<128xf32, #tpu.memory_space<vmem>>) target(%dma_start3A_207 : memref<10000xf32, #tpu.memory_space<vmem_shared>>) offsets(%dma_start3A_205 : memref<128xi32, #tpu.memory_space<vmem>>) semaphore(%dma_start3A_209 : memref<!tpu.dma_semaphore, #tpu.memory_space<semaphore_mem>>) {add = true}
    }
    %sub3A_156 = arith.constant 4 : i32
    %sub3A_157 = arith.subi %add3A_4, %sub3A_156 : i32
    %while3A_158 = arith.constant 0 : i32
    %while3A_159 = arith.subi %add3A_4, %sub3A_157 : i32
    %while3A_160 = arith.addi %sub3A_157, %while3A_159 : i32
    %while3A_161 = arith.constant 1 : i32
    %while3A_162 = arith.divsi %while3A_159, %while3A_161 : i32
    %while3A_163 = arith.muli %while3A_162, %while3A_161 : i32
    %while3A_164 = arith.addi %sub3A_157, %while3A_163 : i32
    %while3A_165 = arith.constant 1 : i32
    scf.for %while3A_176 = %sub3A_157 to %while3A_164 step %while3A_165  : i32 {
      %rem3A = arith.constant 4 : i32
      %rem3A_177 = arith.remsi %while3A_176, %rem3A : i32
      %dma_wait3A_178 = arith.constant 1 : i32
      %dma_wait3A_179 = arith.constant 0 : i32
      %dma_wait3A_180 = tpu.memref_slice %arg16[%rem3A_177, %dma_wait3A_179] : memref<4x128xf32, #tpu.memory_space<vmem>> -> memref<1x128xf32, #tpu.memory_space<vmem>>
      %dma_wait3A_181 = tpu.memref_squeeze %dma_wait3A_180 : memref<1x128xf32, #tpu.memory_space<vmem>> -> memref<128xf32, #tpu.memory_space<vmem>>
      %dma_wait3A_182 = arith.constant 0 : i32
      %dma_wait3A_183 = tpu.memref_slice %arg14[%while3A_176, %dma_wait3A_178, %dma_wait3A_182] : memref<157x2x128xi32, #tpu.memory_space<vmem>> -> memref<1x1x128xi32, #tpu.memory_space<vmem>>
      %dma_wait3A_184 = tpu.memref_squeeze %dma_wait3A_183 : memref<1x1x128xi32, #tpu.memory_space<vmem>> -> memref<128xi32, #tpu.memory_space<vmem>>
      %dma_wait3A_185 = arith.constant 0 : i32
      %dma_wait3A_186 = tpu.memref_slice %arg13[%dma_wait3A_185] : memref<10000xf32, #tpu.memory_space<vmem_shared>> -> memref<10000xf32, #tpu.memory_space<vmem_shared>>
      %dma_wait3A_187 = tpu.memref_slice %arg25[%rem3A_177] : memref<4x!tpu.dma_semaphore, #tpu.memory_space<semaphore_mem>> -> memref<1x!tpu.dma_semaphore, #tpu.memory_space<semaphore_mem>>
      %dma_wait3A_188 = tpu.memref_squeeze %dma_wait3A_187 : memref<1x!tpu.dma_semaphore, #tpu.memory_space<semaphore_mem>> -> memref<!tpu.dma_semaphore, #tpu.memory_space<semaphore_mem>>
      tpu.wait_indirect_dma semaphore(%dma_wait3A_188 : memref<!tpu.dma_semaphore, #tpu.memory_space<semaphore_mem>>) src(%dma_wait3A_181 : memref<128xf32, #tpu.memory_space<vmem>>) dst(%dma_wait3A_186 : memref<10000xf32, #tpu.memory_space<vmem_shared>>)
    }
    %while3A_166 = arith.constant 1 : i32
    scf.for %while3A_176 = %while3A_164 to %while3A_160 step %while3A_166  : i32 {
      %rem3A = arith.constant 4 : i32
      %rem3A_177 = arith.remsi %while3A_176, %rem3A : i32
      %dma_wait3A_178 = arith.constant 1 : i32
      %dma_wait3A_179 = arith.constant 0 : i32
      %dma_wait3A_180 = tpu.memref_slice %arg16[%rem3A_177, %dma_wait3A_179] : memref<4x128xf32, #tpu.memory_space<vmem>> -> memref<1x128xf32, #tpu.memory_space<vmem>>
      %dma_wait3A_181 = tpu.memref_squeeze %dma_wait3A_180 : memref<1x128xf32, #tpu.memory_space<vmem>> -> memref<128xf32, #tpu.memory_space<vmem>>
      %dma_wait3A_182 = arith.constant 0 : i32
      %dma_wait3A_183 = tpu.memref_slice %arg14[%while3A_176, %dma_wait3A_178, %dma_wait3A_182] : memref<157x2x128xi32, #tpu.memory_space<vmem>> -> memref<1x1x128xi32, #tpu.memory_space<vmem>>
      %dma_wait3A_184 = tpu.memref_squeeze %dma_wait3A_183 : memref<1x1x128xi32, #tpu.memory_space<vmem>> -> memref<128xi32, #tpu.memory_space<vmem>>
      %dma_wait3A_185 = arith.constant 0 : i32
      %dma_wait3A_186 = tpu.memref_slice %arg13[%dma_wait3A_185] : memref<10000xf32, #tpu.memory_space<vmem_shared>> -> memref<10000xf32, #tpu.memory_space<vmem_shared>>
      %dma_wait3A_187 = tpu.memref_slice %arg25[%rem3A_177] : memref<4x!tpu.dma_semaphore, #tpu.memory_space<semaphore_mem>> -> memref<1x!tpu.dma_semaphore, #tpu.memory_space<semaphore_mem>>
      %dma_wait3A_188 = tpu.memref_squeeze %dma_wait3A_187 : memref<1x!tpu.dma_semaphore, #tpu.memory_space<semaphore_mem>> -> memref<!tpu.dma_semaphore, #tpu.memory_space<semaphore_mem>>
      tpu.wait_indirect_dma semaphore(%dma_wait3A_188 : memref<!tpu.dma_semaphore, #tpu.memory_space<semaphore_mem>>) src(%dma_wait3A_181 : memref<128xf32, #tpu.memory_space<vmem>>) dst(%dma_wait3A_186 : memref<10000xf32, #tpu.memory_space<vmem_shared>>)
    }
    %barrier3A_167 = arith.constant 0 : index
    tpu.barrier barrier_id(%barrier3A_167)
    "tpu.region"() ({
      %run_scoped3A_176 = tpu.sem_alloc : memref<!tpu.dma_semaphore, #tpu.memory_space<semaphore_mem>>
      %dma_start3A_177 = tpu.memref_slice %arg13[%min3A_1] : memref<10000xf32, #tpu.memory_space<vmem_shared>> -> memref<640xf32, #tpu.memory_space<vmem_shared>>
      %dma_start3A_178 = tpu.memref_slice %arg13[%min3A_1] : memref<10000xf32, #tpu.memory_space<vmem_shared>> -> memref<640xf32, #tpu.memory_space<vmem_shared>>
      tpu.enqueue_dma source(%dma_start3A_178 : memref<640xf32, #tpu.memory_space<vmem_shared>>) target(%arg19 : memref<640xf32, #tpu.memory_space<vmem>>) target_semaphore(%run_scoped3A_176 : memref<!tpu.dma_semaphore, #tpu.memory_space<semaphore_mem>>)
      %dma_wait3A_179 = tpu.memref_slice %arg13[%min3A_1] : memref<10000xf32, #tpu.memory_space<vmem_shared>> -> memref<640xf32, #tpu.memory_space<vmem_shared>>
      %dma_wait3A_180 = tpu.memref_slice %arg13[%min3A_1] : memref<10000xf32, #tpu.memory_space<vmem_shared>> -> memref<640xf32, #tpu.memory_space<vmem_shared>>
      tpu.wait_dma2 semaphore(%run_scoped3A_176 : memref<!tpu.dma_semaphore, #tpu.memory_space<semaphore_mem>>) src(%dma_wait3A_180 : memref<640xf32, #tpu.memory_space<vmem_shared>>) dst(%arg19 : memref<640xf32, #tpu.memory_space<vmem>>)
      tpu.yield
    }) : () -> ()
    %get3A_168 = arith.constant 0 : index
    %get3A_169 = tpu.vector_load %arg23[%get3A_168] {strides = array<i32>} : memref<16xf32, #tpu.memory_space<vmem>>, vector<16xf32>,
    %scan3A_170 = arith.constant 0 : i32
    %scan3A_171 = arith.constant 0 : i32
    %scan3A_172 = arith.constant 40 : i32
    %scan3A_173 = arith.addi %scan3A_171, %scan3A_172 : i32
    %scan3A_174 = arith.constant 1 : i32
    scf.for %scan3A_176 = %scan3A_171 to %scan3A_173 step %scan3A_174  : i32 {
      %mul3A_177 = arith.constant 16 : i32
      %mul3A_178 = arith.muli %scan3A_176, %mul3A_177 : i32
      %get3A_179 = arith.index_cast %mul3A_178 : i32 to index
      %get3A_180 = tpu.vector_load %arg19[%get3A_179] {strides = array<i32>} : memref<640xf32, #tpu.memory_space<vmem>>, vector<16xf32>,
      %mul3A_181 = arith.constant 16 : i32
      %mul3A_182 = arith.muli %scan3A_176, %mul3A_181 : i32
      %get3A_183 = arith.index_cast %mul3A_182 : i32 to index
      %get3A_184 = tpu.vector_load %arg18[%get3A_183] {strides = array<i32>} : memref<640xf32, #tpu.memory_space<vmem>>, vector<16xf32>,
      %mul3A_185 = arith.mulf %get3A_180, %get3A_184 : vector<16xf32>
      %add3A_186 = arith.addf %mul3A_185, %get3A_169 : vector<16xf32>
      %mul3A_187 = arith.constant 16 : i32
      %mul3A_188 = arith.muli %scan3A_176, %mul3A_187 : i32
      %swap3A = arith.index_cast %mul3A_188 : i32 to index
      %swap3A_189 = tpu.vector_load %arg20[%swap3A] {strides = array<i32>} : memref<640xf32, #tpu.memory_space<vmem>>, vector<16xf32>,
      tpu.vector_store %arg20[%swap3A], %add3A_186 {strides = array<i32>} : memref<640xf32, #tpu.memory_space<vmem>>, vector<16xf32>,
    }
    %scan3A_175 = arith.constant 40 : i32
    "tpu.region"() ({
      %run_scoped3A_176 = tpu.sem_alloc : memref<!tpu.dma_semaphore, #tpu.memory_space<semaphore_mem>>
      %dma_start3A_177 = tpu.memref_slice %arg8[%min3A_1] : memref<10000xf32, #tpu.memory_space<hbm>> -> memref<640xf32, #tpu.memory_space<hbm>>
      %dma_start3A_178 = tpu.memref_slice %arg8[%min3A_1] : memref<10000xf32, #tpu.memory_space<hbm>> -> memref<640xf32, #tpu.memory_space<hbm>>
      tpu.enqueue_dma source(%arg20 : memref<640xf32, #tpu.memory_space<vmem>>) target(%dma_start3A_178 : memref<640xf32, #tpu.memory_space<hbm>>) target_semaphore(%run_scoped3A_176 : memref<!tpu.dma_semaphore, #tpu.memory_space<semaphore_mem>>)
      %dma_wait3A_179 = tpu.memref_slice %arg8[%min3A_1] : memref<10000xf32, #tpu.memory_space<hbm>> -> memref<640xf32, #tpu.memory_space<hbm>>
      %dma_wait3A_180 = tpu.memref_slice %arg8[%min3A_1] : memref<10000xf32, #tpu.memory_space<hbm>> -> memref<640xf32, #tpu.memory_space<hbm>>
      tpu.wait_dma2 semaphore(%run_scoped3A_176 : memref<!tpu.dma_semaphore, #tpu.memory_space<semaphore_mem>>) src(%arg20 : memref<640xf32, #tpu.memory_space<vmem>>) dst(%dma_wait3A_180 : memref<640xf32, #tpu.memory_space<hbm>>)
      tpu.yield
    }) : () -> ()
    return
  }
}

module attributes {stable_mosaic.version = 14 : i64} {
  func.func @_mm_body(%arg0: i32, %arg1: memref<2000x128xf32, #tpu.memory_space<vmem>>, %arg2: memref<128x16xf32, #tpu.memory_space<vmem>>, %arg3: memref<2000x16xf32, #tpu.memory_space<vmem>>) attributes {dimension_semantics = [#tpu.dimension_semantics<arbitrary>], iteration_bounds = array<i64: 5>, scalar_prefetch = 0 : i64, scratch_operands = 0 : i64, tpu.core_type = #tpu.core_type<tc>, window_params = [{transform_indices = @transform_0, window_bounds = array<i64: 2000, 128>}, {pipeline_mode = #tpu.pipeline_mode<synchronous>, transform_indices = @transform_1, window_bounds = array<i64: 128, 16>}, {transform_indices = @transform_2, window_bounds = array<i64: 2000, 16>}]} {
    %get3A = arith.constant 0 : index
    %get3A_0 = arith.constant 0 : index
    %get3A_1 = vector.load %arg1[%get3A, %get3A_0] : memref<2000x128xf32, #tpu.memory_space<vmem>>, vector<2000x128xf32>
    %get3A_2 = arith.constant 0 : index
    %get3A_3 = arith.constant 0 : index
    %get3A_4 = vector.load %arg2[%get3A_2, %get3A_3] : memref<128x16xf32, #tpu.memory_space<vmem>>, vector<128x16xf32>
    %dot_general3A = arith.constant dense<0.000000e+00> : vector<2000x16xf32>
    %dot_general3A_5 = tpu.matmul %get3A_1, %get3A_4, %dot_general3A {dimension_numbers = #tpu.dot_dimension_numbers<[1], [0], [0], [1], [0, 0, 1, 1], [], []>, transpose_lhs_hint = false} : vector<2000x128xf32>, vector<128x16xf32>, vector<2000x16xf32> -> vector<2000x16xf32>
    %swap3A = arith.constant 0 : index
    %swap3A_6 = arith.constant 0 : index
    %swap3A_7 = vector.load %arg3[%swap3A, %swap3A_6] : memref<2000x16xf32, #tpu.memory_space<vmem>>, vector<2000x16xf32>
    tpu.vector_store %arg3[%swap3A, %swap3A_6], %dot_general3A_5 {strides = array<i32>} : memref<2000x16xf32, #tpu.memory_space<vmem>>, vector<2000x16xf32>,
    return
  }
  func.func @transform_0(%arg0: i32) -> (i32, i32) {
    %c0_i32 = arith.constant 0 : i32
    %c0_i32_0 = arith.constant 0 : i32
    return %arg0, %c0_i32 : i32, i32
  }
  func.func @transform_1(%arg0: i32) -> (i32, i32) {
    %c0_i32 = arith.constant 0 : i32
    %c0_i32_0 = arith.constant 0 : i32
    %c0_i32_1 = arith.constant 0 : i32
    return %c0_i32, %c0_i32_0 : i32, i32
  }
  func.func @transform_2(%arg0: i32) -> (i32, i32) {
    %c0_i32 = arith.constant 0 : i32
    %c0_i32_0 = arith.constant 0 : i32
    return %arg0, %c0_i32 : i32, i32
  }
}

</mosaic_0001>

<sc_bundles>
// kernel: kernel.5.cloned.1.call-start
scs
__scs_entry_jumppad:
0x0: {  	(pc) =	sbr.rel $0x88, $3  }
0x1: {  	(tag) =	ssettag $0x0;
	lr =	simm.s32 $0x1  }
0x2: {  	[smem:$0x3F9B] =	sst lr;
	_ =	strace $0xD0000000  }
0x3: {  	_ = 	snop  }
0x4: {  	_ = 	snop  }
0x5: {  	_ = 	snop  }
0x6: {  	_ = 	snop  }
0x7: {  	_ = 	snop  }
__scs_overlays_trampoline_lowered:
0x8: {  	[smem:$0x3FAA] =	sst s0  }
0x9: {  	[smem:$0x3FAB] =	sst s1  }
0xa: {  	[smem:$0x3FAC] =	sst s2  }
0xb: {  	[smem:$0x3FAD] =	sst s3  }
0xc: {  	[smem:$0x3FAE] =	sst s4  }
0xd: {  	[smem:$0x3FAF] =	sst s5  }
0xe: {  	[smem:$0x3FB0] =	sst s6  }
0xf: {  	[smem:$0x3FB1] =	sst s7  }
0x10: {  	[smem:$0x3FB2] =	sst s8  }
0x11: {  	[smem:$0x3FB3] =	sst s9;
	s0 =	simm.s32 @!p0 $0x0  }
0x12: {  	s1 =	sld [smem:$0x3F99];
	s0 =	simm.s32 @p0 $0x1  }
0x13: {  	[smem:$0x3FB4] =	sst s0;
	s0 =	simm.s32 @!p1 $0x0  }
0x14: {  	s2 =	sld [smem:$0x3F98];
	s0 =	simm.s32 @p1 $0x1  }
0x15: {  	[smem:$0x3FB5] =	sst s0;
	s0 =	simm.s32 @!p2 $0x0  }
0x16: {  	s3 =	sld [smem:$0x3FDB];
	s0 =	simm.s32 @p2 $0x1  }
0x17: {  	s4 =	simm.s32 $0x1BF5;
	[smem:$0x3FB7] =	sst s0  }
0x18: {  	s0 =	sld [smem:$0x3F9A];
	_ =	swait.ge [sflag:s4], $0x0  }
0x19: {  	s7 =	sld [smem:$0x3F9B]  }
0x1a: {  	s8 =	sadd.s32 $0xFFFFE003, lr  }
0x1b: {  	s9 =	sadd.s32 $0xFFFFFEF7, lr;
	s5 =	simm.s32 $0xFFFFFFFF;
	p2 =	slt.u32 s8, $0xFFFFF086  }
0x1c: {  	p1 =	slt.u32 s9, $0xF7A;
	s5 =	simm.s32 @!p2 $0x0  }
0x1d: {  	s5 =	simm.s32 @p1 $0x1;
	p0 =	seq.s32 s7, s2  }
0x1e: {  	s7 =	smul.u32 @!p0 $0xF7A, s2;
	p2 =	seq.s32 @!p0 s5, $0x0  }
0x1f: {  	s9 =	smul.u32 $0xF7A, s1;
	s8 =	simm.s32 @!p0 $0x1BF5;
	p2 =	por !p2, p0  }
0x20: {  	[sflag:s8] =	ssyncset.s32 @!p0 $0xFFFFF086;
	s6 =	sadd.s32 @!p0 s3, s7;
	s7 =	simm.s32 @!p0 $0x108  }
0x21: {  	s3 =	sadd.s32 s3, s9;
	s6 =	sadd.s32 @!p0 $0x88, s6;
	s7 =	simm.s32 @p2 $0x1082  }
0x22: {  	[simem:s7], [sflag:s8] =	dma.local @!p0 [hbm:s6], $0xF7A  }
0x23: {  	s9 =	sor.u32 $0xD0000000, s2;
	s6 =	simm.s32 $0x108;
	_ =	swait.ge @!p0 [sflag:s8], $0x0  }
0x24: {  	s3 =	sadd.s32 $0x88, s3;
	s6 =	simm.s32 @!p1 $0x1082;
	[sflag:s4] =	ssyncset.s32 $0xFFFFF086  }
0x25: {  	[simem:s6], [sflag:s4] =	dma.local [hbm:s3], $0xF7A  }
0x26: {  	[smem:$0x3F9B] =	sst s1;
	(tag) =	ssettag s2;
	_ =	strace s9  }
0x27: {  	s1 =	sld [smem:$0x3FAB]  }
0x28: {  	s2 =	sld [smem:$0x3FAC]  }
0x29: {  	s4 =	sld [smem:$0x3FAE]  }
0x2a: {  	p0 =	seq.s32 s5, $0x0;
	s5 =	sld [smem:$0x3FAF]  }
0x2b: {  	s6 =	sld [smem:$0x3FB0]  }
0x2c: {  	s7 =	sld [smem:$0x3FB1]  }
0x2d: {  	s3 =	simm.s32 $0x108;
	s8 =	sld [smem:$0x3FB2]  }
0x2e: {  	s3 =	simm.s32 @!p0 $0x1082;
	s9 =	sld [smem:$0x3FB3]  }
0x2f: {  	lr =	sadd.s32 s0, s3;
	s0 =	sld [smem:$0x3FAA]  }
0x30: {  	s3 =	sld [smem:$0x3FAD]  }
0x31: {  	[smem:$0x3FB6] =	sst s10  }
0x32: {  	s10 =	sld [smem:$0x3FB4];
	_ =	sdelay $0x3  }
0x33: {  	p0 =	seq.s32 s10, $0x1;
	s10 =	sld [smem:$0x3FB6];
	_ =	sdelay $0x3  }
0x34: {  	[smem:$0x3FB6] =	sst s10  }
0x35: {  	s10 =	sld [smem:$0x3FB5];
	_ =	sdelay $0x3  }
0x36: {  	p1 =	seq.s32 s10, $0x1;
	s10 =	sld [smem:$0x3FB6];
	_ =	sdelay $0x3  }
0x37: {  	[smem:$0x3FB6] =	sst s10  }
0x38: {  	s10 =	sld [smem:$0x3FB7]  }
0x39: {  	_ = 	snop;
	(pc) =	sbr.ind lr, $3  }
0x3a: {  	_ = 	snop  }
0x3b: {  	_ = 	snop  }
0x3c: {  	p2 =	seq.s32 s10, $0x1;
	s10 =	sld [smem:$0x3FB6]  }
0x3d: {  	_ =	shalt  }
0x3e: {  	_ =	shalt  }
0x3f: {  	_ =	shalt  }
0x40: {  	_ =	shalt  }
0x41: {  	_ =	shalt  }
0x42: {  	_ =	shalt  }
0x43: {  	_ =	shalt  }
0x44: {  	_ =	shalt  }
0x45: {  	_ =	shalt  }
0x46: {  	_ =	shalt  }
0x47: {  	_ =	shalt  }
0x48: {  	_ =	shalt  }
0x49: {  	_ =	shalt  }
0x4a: {  	_ =	shalt  }
0x4b: {  	_ =	shalt  }
0x4c: {  	_ =	shalt  }
0x4d: {  	_ =	shalt  }
0x4e: {  	_ =	shalt  }
0x4f: {  	_ =	shalt  }
0x50: {  	_ =	shalt  }
0x51: {  	_ =	shalt  }
0x52: {  	_ =	shalt  }
0x53: {  	_ =	shalt  }
0x54: {  	_ =	shalt  }
0x55: {  	_ =	shalt  }
0x56: {  	_ =	shalt  }
0x57: {  	_ =	shalt  }
0x58: {  	_ =	shalt  }
0x59: {  	_ =	shalt  }
0x5a: {  	_ =	shalt  }
0x5b: {  	_ =	shalt  }
0x5c: {  	_ =	shalt  }
0x5d: {  	_ =	shalt  }
0x5e: {  	_ =	shalt  }
0x5f: {  	_ =	shalt  }
0x60: {  	_ =	shalt  }
0x61: {  	_ =	shalt  }
0x62: {  	_ =	shalt  }
0x63: {  	_ =	shalt  }
0x64: {  	_ =	shalt  }
0x65: {  	_ =	shalt  }
0x66: {  	_ =	shalt  }
0x67: {  	_ =	shalt  }
0x68: {  	_ =	shalt  }
0x69: {  	_ =	shalt  }
0x6a: {  	_ =	shalt  }
0x6b: {  	_ =	shalt  }
0x6c: {  	_ =	shalt  }
0x6d: {  	_ =	shalt  }
0x6e: {  	_ =	shalt  }
0x6f: {  	_ =	shalt  }
0x70: {  	_ =	shalt  }
0x71: {  	_ =	shalt  }
0x72: {  	_ =	shalt  }
0x73: {  	_ =	shalt  }
0x74: {  	_ =	shalt  }
0x75: {  	_ =	shalt  }
0x76: {  	_ =	shalt  }
0x77: {  	_ =	shalt  }
0x78: {  	_ =	shalt  }
0x79: {  	_ =	shalt  }
0x7a: {  	_ =	shalt  }
0x7b: {  	_ =	shalt  }
0x7c: {  	_ =	shalt  }
0x7d: {  	_ =	shalt  }
0x7e: {  	_ =	shalt  }
0x7f: {  	_ =	shalt  }
0x80: {  	_ =	shalt  }
0x81: {  	_ =	shalt  }
0x82: {  	_ =	shalt  }
0x83: {  	_ =	shalt  }
0x84: {  	_ =	shalt  }
0x85: {  	_ =	shalt  }
0x86: {  	_ =	shalt  }
0x87: {  	_ =	shalt  }
.Lfunc_end0:
.L_simem_size_0:
called_computation_lowered:
.L_overlay_start_0:
0x88: {  	s2 =	sld [smem:$0x3FD9]  }
0x89: {  	s3 =	sld [smem:$0x3FFE];
	_ =	sdelay $0x1  }
0x8a: {  	s1 =	srdreg.scid  }
0x8b: {  	s0 =	sand.u32 $0x1, s1  }
0x8c: {  	s17 =	sshll.u32 s0, $0xA;
	s2 =	sadd.s32 s3, s2  }
0x8d: {  	s2 =	sadd.s32 s2, s17  }
0x8e: {  	[smem:$0x3FC2] =	sst s2  }
0x8f: {  	_ = 	snop  }
0x90: {  	s2 =	sld [smem:$0x3FC8];
	(tm) =	ssettm $0x1  }
0x91: {  	s18 =	sld [smem:$0x3FFB];
	_ =	sdelay $0x3  }
0x92: {  	_ =	strace s18  }
0x93: {  	s3 =	sld [smem:$0x3FFC];
	_ =	sdelay $0x3  }
0x94: {  	_ =	strace s3  }
0x95: {  	s3 =	sld [smem:$0x3FFD];
	_ =	sdelay $0x3  }
0x96: {  	_ =	strace s3  }
0x97: {  	_ =	strace $0x8FFFFFFF  }
0x98: {  	s19 =	sld [smem:$0x3FDB];
	_ =	sdelay $0x1  }
0x99: {  	s4 =	simm.s32 $_scs_section_size  }
0x9a: {  	s5 =	simm.s32 $_size__tile_overlayer_lowered;
	s6 =	simm.s32 $_tile_overlayer_lowered  }
0x9b: {  	s22 =	simm.s32 $0x1BFF;
	s21 =	sshll.u32 s6, $0x1;
	s3 =	sadd.s32 s4, s19  }
0x9c: {  	s7 =	simm.s32 $0x0;
	s20 =	sshll.u32 s5, $0x1;
	s5 =	sadd.s32 s21, s3  }
0x9d: {  	[timem:s7], [sflag:s22] =	dma.local [hbm:s5], s20  }
0x9e: {  	_ =	swait.ge [sflag:s22], s20  }
0x9f: {  	s4 =	ssub.s32 $0x0, s20;
	[sflag:s22] =	ssyncset.done $0x0  }
0xa0: {  	[sflag:s22] =	ssyncadd.s32 s4;
	_ =	sdelay $0x1  }
0xa1: {  	s23 =	simm.s32 $0x1B8B  }
0xa2: {  	_ =	swait.ge [sflag:s23], $0x1  }
0xa3: {  	[sflag:s23] =	ssyncset.done $0x0  }
0xa4: {  	s25 =	simm.s32 $0x1B8E;
	s24 =	sld [smem:$0x3FFE];
	[sflag:s23] =	ssyncadd.s32 $0xFFFFFFFF  }
0xa5: {  	s26 =	simm.s32 $execute0_lowered;
	[smem:$0x3FD2] =	sst s25  }
0xa6: {  	s5 =	sshll.u32 s26, $0x1;
	_ =	strace $0x80000046;
	[dreg:$0x1] =	wrdreg $0xFFFFFFFF  }
0xa7: {  	s28 =	simm.s32 $_size_execute0_lowered;
	s3 =	sadd.s32 s3, s5;
	[dreg:$0x0] =	wrdreg $0x0  }
0xa8: {  	s5 =	sshll.u32 s28, $0x1;
	[dreg:$0x2] =	wrdreg s3  }
0xa9: {  	[dreg:$0x3] =	wrdreg s5  }
0xaa: {  	[dreg:$0x4] =	wrdreg $0xC0  }
0xab: {  	_ =	task [dreg:s7], $0x5FFFF  }
0xac: {  	[dreg:$0x1] =	wrdreg $0xFFFFFFFF  }
0xad: {  	[dreg:$0x0] =	wrdreg $0x60  }
0xae: {  	[dreg:$0x2] =	wrdreg s2  }
0xaf: {  	[dreg:$0x3] =	wrdreg s24  }
0xb0: {  	[dreg:$0x4] =	wrdreg $0x0  }
0xb1: {  	[dreg:$0x5] =	wrdreg $0x9  }
0xb2: {  	_ =	task.clear_ibuf [dreg:s7], $0x6FFFF;
	_ =	strace $0x90000046  }
0xb3: {  	s29 =	simm.s32 $0x9;
	_ =	strace $0x80000048  }
0xb4: {  	_ =	swait.ge [sflag:s29], $0x1  }
0xb5: {  	[sflag:s29] =	ssyncadd.s32 $0xFFFFFFFF  }
0xb6: {  	_ =	strace $0x90000048  }
0xb7: {  	_ =	sfence  }
0xb8: {  	s30 =	sld [smem:$0x0];
	_ =	sdelay $0x2  }
0xb9: {  	s31 =	sshll.u32 s1, $0xD;
	s1 =	sshrl.u32 s1, $0x2  }
0xba: {  	s3 =	sand.u32 $0x4000, s31;
	s1 =	sadd.s32 s1, s30  }
0xbb: {  	s0 =	sor.u32 s3, s0;
	s1 =	sshll.u32 s1, $0x11  }
0xbc: {  	s0 =	sor.u32 s1, s0  }
0xbd: {  	s0 =	sadd.s32 $0x8F2B, s0  }
0xbe: {  	[sflag:s0] =	ssyncadd.remote.s32 $0x1  }
0xbf: {  	_ =	sfence.sel $0xFFFF  }
0xc0: {  	[dreg:$0x0] =	wrdreg $0xFFFFFFFF;
	(pc) =	sbr.abs _section_cstart, $3  }
0xc1: {  	[dreg:$0x1] =	wrdreg $0xFFFFFFFF  }
0xc2: {  	_ =	task.clear_ibuf [dreg:s7], $0x2FFFF;
	_ =	strace $0x9FFFFFFF  }
0xc3: {  	(tm) =	ssettm $0x7FFFFFFF  }
tec
execute0_lowered:
.L_overlay_start_1:
0x0: {  	(tag) =	ssettag $0x1  }
0x1: {  	s5 =	rddreg [dreg:$0x0]  }
0x2: {  	s4 =	rddreg [dreg:$0x1]  }
0x3: {  	s2 =	rddreg [dreg:$0x2];
	s3 =	srdreg.scid  }
0x4: {  	s0 =	rddreg [dreg:$0x3];
	s1 =	stileid.u32;
	s13 =	simm.s32 $0x51F8  }
0x5: {  	s14 =	simm.s32 $0x80;
	s15 =	simm.s32 $0x2F8;
	s16 =	simm.s32 $0x5178  }
0x6: {  	s17 =	simm.s32 $0x3F8;
	s18 =	simm.s32 $0x4F8;
	s19 =	simm.s32 $0x5F8  }
0x7: {  	s20 =	simm.s32 $0x0;
	s6 =	sand.u32 $0x1, s3;
	s3 =	simm.s32 $0x0  }
0x8: {  	s7 =	smul.u32 $0x280, s1;
	s8 =	sshll.u32 s6, $0x4;
	[smem:$0x7FF] =	sst s3  }
0x9: {  	s9 =	smul.u32 $0x2710, s6;
	s6 =	ssub.s32 $0x2, s6;
	s11 =	sor.u32 s1, s8  }
0xa: {  	_ =	strace $0x80000047;
	s28 =	smin.u32 s7, $0x2490;
	s12 =	sshrl.u32 s6, $0x1  }
0xb: {  	s29 =	smul.u32 $0x4E, s11;
	s9 =	sadd.s32 s9, s28;
	s10 =	smin.u32 s11, $0x4  }
0xc: {  	s30 =	ssub.s32 s6, s12;
	p0 =	slt.u32 s11, $0x4;
	s8 =	sadd.s32 s28, s2  }
0xd: {  	s12 =	simm.s32 $0x5;
	s9 =	sshrl.u32 s9, $0x3;
	s7 =	sadd.s32 s10, s29  }
0xe: {  	s9 =	sadd.s32 s9, s4;
	s4 =	simm.s32 $0x4F;
	s10 =	smax.u32 s30, $0x1  }
0xf: {  	s31 =	sshll.u32 s7, $0x5;
	s4 =	simm.s32 @!p0 $0x4E;
	s7 =	simm.s32 $0x4B  }
0x10: {  	s9 =	sadd.s32 $0xC00, s9;
	s5 =	sadd.s32 s5, s31;
	s7 =	simm.s32 @!p0 $0x4A  }
0x11: {  	v0 =	vimm.f32 $1.000000000e+00;
	v1 =	vimm.f32 $0.0e+00;
	p0 =	sgt.u32 s11, $0x3;
	s11 =	simm.s32 $0x278;
	s6 =	sadd.s32 $0x9C0, s5  }
.LBB2_1:
0x12: {  	[tilespmem:s11], [sflag:$0x5] =	stream.linear.gather [hbm4b:s5+s3], $0x4E00, $0x38;
	[tilespmem:$0x5478] =	vst v63  }
0x13: {  	_ =	swait.ge [sflag:s12], $0x4E00  }
0x14: {  	[sflag:s12] =	ssyncset.done $0x0  }
0x15: {  	s21 =	simm.s32 @!p0 $0x0;
	s22 =	simm.s32 @!p0 $0x5078;
	[sflag:s12] =	ssyncadd.s32 $0xFFFFB200  }
0x16: {  	[tilespmem:s22], [sflag:$0x5] =	stream.linear.gather @!p0 [hbm4b:s6+s21], $0x100, $0x38;
	[tilespmem:$0x5478] =	vst v63  }
0x17: {  	s21 =	simm.s32 @!p0 $0x5  }
0x18: {  	_ =	swait.ge @!p0 [sflag:s21], $0x100  }
0x19: {  	[sflag:s21] =	ssyncset.done @!p0 $0x0  }
0x1a: {  	[sflag:s21] =	ssyncadd.s32 @!p0 $0xFFFFFF00  }
0x1b: {  	[tilespmem:$0x5178] =	vst v0  }
0x1c: {  	[tilespmem:$0x5188] =	vst v0  }
0x1d: {  	[tilespmem:$0x5198] =	vst v0  }
0x1e: {  	[tilespmem:$0x51A8] =	vst v0  }
0x1f: {  	[tilespmem:$0x51B8] =	vst v0  }
0x20: {  	[tilespmem:$0x51C8] =	vst v0  }
0x21: {  	[tilespmem:$0x51D8] =	vst v0  }
0x22: {  	[tilespmem:$0x51E8] =	vst v0  }
0x23: {  	[tilespmem:$0x51F8] =	vst v1  }
0x24: {  	[tilespmem:$0x5208] =	vst v1  }
0x25: {  	[tilespmem:$0x5218] =	vst v1  }
0x26: {  	[tilespmem:$0x5228] =	vst v1  }
0x27: {  	[tilespmem:$0x5238] =	vst v1  }
0x28: {  	[tilespmem:$0x5248] =	vst v1  }
0x29: {  	[tilespmem:$0x5258] =	vst v1  }
0x2a: {  	[tilespmem:$0x5268] =	vst v1  }
0x2b: {  	[tilespmem:$0x5278] =	vst v1  }
0x2c: {  	[tilespmem:$0x5288] =	vst v1  }
0x2d: {  	[tilespmem:$0x5298] =	vst v1  }
0x2e: {  	[tilespmem:$0x52A8] =	vst v1  }
0x2f: {  	[tilespmem:$0x52B8] =	vst v1  }
0x30: {  	[tilespmem:$0x52C8] =	vst v1  }
0x31: {  	[tilespmem:$0x52D8] =	vst v1  }
0x32: {  	[tilespmem:$0x52E8] =	vst v1  }
0x33: {  	[tilespmem:$0x52F8] =	vst v1  }
0x34: {  	[tilespmem:$0x5308] =	vst v1  }
0x35: {  	[tilespmem:$0x5318] =	vst v1  }
0x36: {  	[tilespmem:$0x5328] =	vst v1  }
0x37: {  	[tilespmem:$0x5338] =	vst v1  }
0x38: {  	[tilespmem:$0x5348] =	vst v1  }
0x39: {  	[tilespmem:$0x5358] =	vst v1  }
0x3a: {  	[tilespmem:$0x5368] =	vst v1  }
0x3b: {  	[tilespmem:$0x5378] =	vst v1  }
0x3c: {  	[tilespmem:$0x5388] =	vst v1  }
0x3d: {  	[tilespmem:$0x5398] =	vst v1  }
0x3e: {  	[tilespmem:$0x53A8] =	vst v1  }
0x3f: {  	[tilespmem:$0x53B8] =	vst v1  }
0x40: {  	[tilespmem:$0x53C8] =	vst v1  }
0x41: {  	[tilespmem:$0x53D8] =	vst v1  }
0x42: {  	[tilespmem:$0x53E8] =	vst v1  }
0x43: {  	[tilespmem:$0x53F8] =	vst v1  }
0x44: {  	[tilespmem:$0x5408] =	vst v1  }
0x45: {  	[tilespmem:$0x5418] =	vst v1  }
0x46: {  	[tilespmem:$0x5428] =	vst v1  }
0x47: {  	[tilespmem:$0x5438] =	vst v1  }
0x48: {  	[tilespmem:$0x5448] =	vst v1  }
0x49: {  	[tilespmem:$0x5458] =	vst v1  }
0x4a: {  	[tilespmem:$0x5468] =	vst v1  }
0x4b: {  	[spmem:s8] =	stream.linear.scatter [tilespmem:s13], [sflag:$0x5], $0x280, $0x38;
	[tilespmem:$0x5478] =	vst v63  }
0x4c: {  	_ =	swait.ge [sflag:s12], $0x280  }
0x4d: {  	[sflag:s12] =	ssyncset.done $0x0  }
0x4e: {  	[sflag:s12] =	ssyncadd.s32 $0xFFFFFD80  }
0x4f: {  	[bflag:$0x0] =	sbarrier.arrive $0xFFFF  }
0x50: {  	[spmem:s2] =	stream.indirect.scatter.add.f32 [tilespmem:s16], [sflag:$0x1], $0x1, s15, s14, $0xb8;
	[tilespmem:$0x5478] =	vst v63  }
0x51: {  	s31 =	simm.s32 $0x4  }
0x52: {  	[spmem:s2] =	stream.indirect.scatter.add.f32 [tilespmem:s16], [sflag:$0x2], $0x1, s17, s14, $0xb8;
	[tilespmem:$0x5478] =	vst v63  }
0x53: {  	p1 =	sne.s32 s4, $0x5;
	s21 =	sand.u32 $0x3, s31  }
0x54: {  	[spmem:s2] =	stream.indirect.scatter.add.f32 [tilespmem:s16], [sflag:$0x3], $0x1, s18, s14, $0xb8;
	[tilespmem:$0x5478] =	vst v63  }
.Ltmp0:
0x55: {  	s21 =	sadd.s32 $0x1, s21;
	(pc) =	sbr.rel @!p1 .LBB2_3-.Ltmp0, $4  }
0x56: {  	[spmem:s2] =	stream.indirect.scatter.add.f32 [tilespmem:s16], [sflag:$0x4], $0x1, s19, s14, $0xb8;
	[tilespmem:$0x5478] =	vst v63  }
0x57: {  	_ =	swait.ge [sflag:s21], $0x80  }
0x58: {  	s24 =	simm.s32 $0x6F8;
	[sflag:s21] =	ssyncset.done $0x0  }
0x59: {  	s23 =	simm.s32 $0x7F8;
	s22 =	simm.s32 $0x5;
	[sflag:s21] =	ssyncadd.s32 $0xFFFFFF80  }
.LBB2_2:
0x5a: {  	[spmem:s2] =	stream.indirect.scatter.add.f32 [tilespmem:s16], [sflag:s21], $0x1, s24, s14, $0xb8;
	[tilespmem:$0x5478] =	vst v63  }
0x5b: {  	s21 =	sand.u32 $0x3, s22;
	s22 =	sadd.s32 $0x1, s22  }
0x5c: {  	p1 =	sne.s32 s4, s22  }
.Ltmp1:
0x5d: {  	(pc) =	sbr.rel @p1 .LBB2_2-.Ltmp1, $4  }
0x5e: {  	s24 =	smov.u32 s23;
	s21 =	sadd.s32 $0x1, s21  }
0x5f: {  	_ =	swait.ge [sflag:s21], $0x80  }
0x60: {  	[sflag:s21] =	ssyncset.done $0x0  }
0x61: {  	s23 =	sadd.s32 $0x100, s23;
	[sflag:s21] =	ssyncadd.s32 $0xFFFFFF80  }
.LBB2_3:
0x62: {  	[spmem:s2] =	stream.indirect.scatter.add.f32 [tilespmem:s16], [sflag:s21], $0x1, s24, s14, $0xb8;
	[tilespmem:$0x5478] =	vst v63  }
0x63: {  	s21 =	sadd.s32 $0x1, s7  }
0x64: {  	p1 =	sne.s32 s4, s21  }
.Ltmp2:
0x65: {  	_ = 	snop;
	(pc) =	sbr.rel @!p1 .LBB2_5-.Ltmp2, $4  }
0x66: {  	s22 =	sand.u32 $0x3, s7  }
0x67: {  	s22 =	sadd.s32 $0x1, s22  }
0x68: {  	_ =	swait.ge [sflag:s22], $0x80  }
0x69: {  	[sflag:s22] =	ssyncset.done $0x0  }
.LBB2_4:
0x6a: {  	[sflag:s22] =	ssyncadd.s32 $0xFFFFFF80;
	s22 =	smov.u32 s21;
	s21 =	sadd.s32 $0x1, s21  }
0x6b: {  	p1 =	sne.s32 s4, s21  }
.Ltmp3:
0x6c: {  	(pc) =	sbr.rel @p1 .LBB2_4-.Ltmp3, $4  }
0x6d: {  	s22 =	sand.u32 $0x3, s22  }
0x6e: {  	s22 =	sadd.s32 $0x1, s22  }
0x6f: {  	_ =	swait.ge [sflag:s22], $0x80  }
0x70: {  	[sflag:s22] =	ssyncset.done $0x0  }
.LBB2_5:
0x71: {  	[sflag:s22] =	ssyncadd.s32 $0xFFFFFF80  }
0x72: {  	[bflag:$0x0] =	sbarrier.arrive $0xFFFF  }
0x73: {  	[tilespmem:s13], [sflag:$0x5] =	stream.linear.gather [spmem:s8], $0x280, $0x38;
	[tilespmem:$0x5478] =	vst v63  }
0x74: {  	s20 =	sadd.s32 $0x1, s20;
	_ =	swait.ge [sflag:s12], $0x280  }
0x75: {  	p1 =	sne.s32 s20, s10;
	[sflag:s12] =	ssyncset.done $0x0  }
.Ltmp4:
0x76: {  	[sflag:s12] =	ssyncadd.s32 $0xFFFFFD80;
	(pc) =	sbr.rel @p1 .LBB2_1-.Ltmp4, $4  }
0x77: {  	[hbm4b:s9+s3] =	stream.linear.scatter [tilespmem:s13], [sflag:$0x5], $0x280, $0x38;
	[tilespmem:$0x5478] =	vst v63  }
0x78: {  	_ =	swait.ge [sflag:s12], $0x280  }
0x79: {  	[sflag:s12] =	ssyncset.done $0x0  }
0x7a: {  	[sflag:s12] =	ssyncadd.s32 $0xFFFFFD80  }
0x7b: {  	_ =	sfence.sel $0x180000  }
0x7c: {  	[bflag:$0x0] =	sbarrier.arrive $0xFFFF  }
0x7d: {  	p0 =	sne.s32 s1, $0x0;
	_ =	strace $0x90000047  }
0x7e: {  	s0 =	sadd.s32 @!p0 $0x100000, s0;
	[bflag:$0x2] =	sbarrier.arrive $0xFFFF  }
0x7f: {  	[sflag:s0] =	ssyncadd.tile.s32 @!p0 $0x1;
	_ =	shalt  }
.Lfunc_end2:
_tile_overlayer_lowered:
.L_overlay_start_2:
0x80: {  	(tag) =	ssettag $0x2  }
0x81: {  	s0 =	rddreg [dreg:$0x0];
	s2 =	stileid.u32  }
0x82: {  	s1 =	rddreg [dreg:$0x1];
	p0 =	sne.s32 s2, $0x0  }
0x83: {  	s3 =	rddreg [dreg:$0x2];
	[bflag:$0x3] =	sbarrier.arrive $0xFFFF;
	s2 =	simm.s32 @!p0 $0x1C05  }
0x84: {  	[timem:s3], [sflag:s2] =	dma.local @!p0 [hbm:s0], s1  }
0x85: {  	s0 =	simm.s32 @!p0 $0x5  }
0x86: {  	_ =	swait.ge @!p0 [sflag:s0], s1  }
0x87: {  	s1 =	ssub.s32 @!p0 $0x0, s1;
	[sflag:s0] =	ssyncset.done @!p0 $0x0  }
0x88: {  	[sflag:s0] =	ssyncadd.s32 @!p0 s1  }
0x89: {  	[bflag:$0x3] =	sbarrier.arrive $0xFFFF  }
0x8a: {  	_ =	shalt  }

// kernel: kernel.8.cloned.1.call-start
scs
__scs_entry_jumppad:
0x0: {  	(pc) =	sbr.rel $0x88, $3  }
0x1: {  	(tag) =	ssettag $0x0;
	lr =	simm.s32 $0x1  }
0x2: {  	[smem:$0x3F9B] =	sst lr;
	_ =	strace $0xD0000000  }
0x3: {  	_ = 	snop  }
0x4: {  	_ = 	snop  }
0x5: {  	_ = 	snop  }
0x6: {  	_ = 	snop  }
0x7: {  	_ = 	snop  }
__scs_overlays_trampoline_lowered:
0x8: {  	[smem:$0x3FAA] =	sst s0  }
0x9: {  	[smem:$0x3FAB] =	sst s1  }
0xa: {  	[smem:$0x3FAC] =	sst s2  }
0xb: {  	[smem:$0x3FAD] =	sst s3  }
0xc: {  	[smem:$0x3FAE] =	sst s4  }
0xd: {  	[smem:$0x3FAF] =	sst s5  }
0xe: {  	[smem:$0x3FB0] =	sst s6  }
0xf: {  	[smem:$0x3FB1] =	sst s7  }
0x10: {  	[smem:$0x3FB2] =	sst s8  }
0x11: {  	[smem:$0x3FB3] =	sst s9;
	s0 =	simm.s32 @!p0 $0x0  }
0x12: {  	s1 =	sld [smem:$0x3F99];
	s0 =	simm.s32 @p0 $0x1  }
0x13: {  	[smem:$0x3FB4] =	sst s0;
	s0 =	simm.s32 @!p1 $0x0  }
0x14: {  	s2 =	sld [smem:$0x3F98];
	s0 =	simm.s32 @p1 $0x1  }
0x15: {  	[smem:$0x3FB5] =	sst s0;
	s0 =	simm.s32 @!p2 $0x0  }
0x16: {  	s3 =	sld [smem:$0x3FDB];
	s0 =	simm.s32 @p2 $0x1  }
0x17: {  	s4 =	simm.s32 $0x1BF5;
	[smem:$0x3FB7] =	sst s0  }
0x18: {  	s0 =	sld [smem:$0x3F9A];
	_ =	swait.ge [sflag:s4], $0x0  }
0x19: {  	s7 =	sld [smem:$0x3F9B]  }
0x1a: {  	s8 =	sadd.s32 $0xFFFFE003, lr  }
0x1b: {  	s9 =	sadd.s32 $0xFFFFFEF7, lr;
	s5 =	simm.s32 $0xFFFFFFFF;
	p2 =	slt.u32 s8, $0xFFFFF086  }
0x1c: {  	p1 =	slt.u32 s9, $0xF7A;
	s5 =	simm.s32 @!p2 $0x0  }
0x1d: {  	s5 =	simm.s32 @p1 $0x1;
	p0 =	seq.s32 s7, s2  }
0x1e: {  	s7 =	smul.u32 @!p0 $0xF7A, s2;
	p2 =	seq.s32 @!p0 s5, $0x0  }
0x1f: {  	s9 =	smul.u32 $0xF7A, s1;
	s8 =	simm.s32 @!p0 $0x1BF5;
	p2 =	por !p2, p0  }
0x20: {  	[sflag:s8] =	ssyncset.s32 @!p0 $0xFFFFF086;
	s6 =	sadd.s32 @!p0 s3, s7;
	s7 =	simm.s32 @!p0 $0x108  }
0x21: {  	s3 =	sadd.s32 s3, s9;
	s6 =	sadd.s32 @!p0 $0x88, s6;
	s7 =	simm.s32 @p2 $0x1082  }
0x22: {  	[simem:s7], [sflag:s8] =	dma.local @!p0 [hbm:s6], $0xF7A  }
0x23: {  	s9 =	sor.u32 $0xD0000000, s2;
	s6 =	simm.s32 $0x108;
	_ =	swait.ge @!p0 [sflag:s8], $0x0  }
0x24: {  	s3 =	sadd.s32 $0x88, s3;
	s6 =	simm.s32 @!p1 $0x1082;
	[sflag:s4] =	ssyncset.s32 $0xFFFFF086  }
0x25: {  	[simem:s6], [sflag:s4] =	dma.local [hbm:s3], $0xF7A  }
0x26: {  	[smem:$0x3F9B] =	sst s1;
	(tag) =	ssettag s2;
	_ =	strace s9  }
0x27: {  	s1 =	sld [smem:$0x3FAB]  }
0x28: {  	s2 =	sld [smem:$0x3FAC]  }
0x29: {  	s4 =	sld [smem:$0x3FAE]  }
0x2a: {  	p0 =	seq.s32 s5, $0x0;
	s5 =	sld [smem:$0x3FAF]  }
0x2b: {  	s6 =	sld [smem:$0x3FB0]  }
0x2c: {  	s7 =	sld [smem:$0x3FB1]  }
0x2d: {  	s3 =	simm.s32 $0x108;
	s8 =	sld [smem:$0x3FB2]  }
0x2e: {  	s3 =	simm.s32 @!p0 $0x1082;
	s9 =	sld [smem:$0x3FB3]  }
0x2f: {  	lr =	sadd.s32 s0, s3;
	s0 =	sld [smem:$0x3FAA]  }
0x30: {  	s3 =	sld [smem:$0x3FAD]  }
0x31: {  	[smem:$0x3FB6] =	sst s10  }
0x32: {  	s10 =	sld [smem:$0x3FB4];
	_ =	sdelay $0x3  }
0x33: {  	p0 =	seq.s32 s10, $0x1;
	s10 =	sld [smem:$0x3FB6];
	_ =	sdelay $0x3  }
0x34: {  	[smem:$0x3FB6] =	sst s10  }
0x35: {  	s10 =	sld [smem:$0x3FB5];
	_ =	sdelay $0x3  }
0x36: {  	p1 =	seq.s32 s10, $0x1;
	s10 =	sld [smem:$0x3FB6];
	_ =	sdelay $0x3  }
0x37: {  	[smem:$0x3FB6] =	sst s10  }
0x38: {  	s10 =	sld [smem:$0x3FB7]  }
0x39: {  	_ = 	snop;
	(pc) =	sbr.ind lr, $3  }
0x3a: {  	_ = 	snop  }
0x3b: {  	_ = 	snop  }
0x3c: {  	p2 =	seq.s32 s10, $0x1;
	s10 =	sld [smem:$0x3FB6]  }
0x3d: {  	_ =	shalt  }
0x3e: {  	_ =	shalt  }
0x3f: {  	_ =	shalt  }
0x40: {  	_ =	shalt  }
0x41: {  	_ =	shalt  }
0x42: {  	_ =	shalt  }
0x43: {  	_ =	shalt  }
0x44: {  	_ =	shalt  }
0x45: {  	_ =	shalt  }
0x46: {  	_ =	shalt  }
0x47: {  	_ =	shalt  }
0x48: {  	_ =	shalt  }
0x49: {  	_ =	shalt  }
0x4a: {  	_ =	shalt  }
0x4b: {  	_ =	shalt  }
0x4c: {  	_ =	shalt  }
0x4d: {  	_ =	shalt  }
0x4e: {  	_ =	shalt  }
0x4f: {  	_ =	shalt  }
0x50: {  	_ =	shalt  }
0x51: {  	_ =	shalt  }
0x52: {  	_ =	shalt  }
0x53: {  	_ =	shalt  }
0x54: {  	_ =	shalt  }
0x55: {  	_ =	shalt  }
0x56: {  	_ =	shalt  }
0x57: {  	_ =	shalt  }
0x58: {  	_ =	shalt  }
0x59: {  	_ =	shalt  }
0x5a: {  	_ =	shalt  }
0x5b: {  	_ =	shalt  }
0x5c: {  	_ =	shalt  }
0x5d: {  	_ =	shalt  }
0x5e: {  	_ =	shalt  }
0x5f: {  	_ =	shalt  }
0x60: {  	_ =	shalt  }
0x61: {  	_ =	shalt  }
0x62: {  	_ =	shalt  }
0x63: {  	_ =	shalt  }
0x64: {  	_ =	shalt  }
0x65: {  	_ =	shalt  }
0x66: {  	_ =	shalt  }
0x67: {  	_ =	shalt  }
0x68: {  	_ =	shalt  }
0x69: {  	_ =	shalt  }
0x6a: {  	_ =	shalt  }
0x6b: {  	_ =	shalt  }
0x6c: {  	_ =	shalt  }
0x6d: {  	_ =	shalt  }
0x6e: {  	_ =	shalt  }
0x6f: {  	_ =	shalt  }
0x70: {  	_ =	shalt  }
0x71: {  	_ =	shalt  }
0x72: {  	_ =	shalt  }
0x73: {  	_ =	shalt  }
0x74: {  	_ =	shalt  }
0x75: {  	_ =	shalt  }
0x76: {  	_ =	shalt  }
0x77: {  	_ =	shalt  }
0x78: {  	_ =	shalt  }
0x79: {  	_ =	shalt  }
0x7a: {  	_ =	shalt  }
0x7b: {  	_ =	shalt  }
0x7c: {  	_ =	shalt  }
0x7d: {  	_ =	shalt  }
0x7e: {  	_ =	shalt  }
0x7f: {  	_ =	shalt  }
0x80: {  	_ =	shalt  }
0x81: {  	_ =	shalt  }
0x82: {  	_ =	shalt  }
0x83: {  	_ =	shalt  }
0x84: {  	_ =	shalt  }
0x85: {  	_ =	shalt  }
0x86: {  	_ =	shalt  }
0x87: {  	_ =	shalt  }
.Lfunc_end0:
.L_simem_size_0:
called_computation.1_lowered:
.L_overlay_start_0:
0x88: {  	s0 =	sld [smem:$0x3FD9]  }
0x89: {  	s1 =	sld [smem:$0x3FFE];
	_ =	sdelay $0x3  }
0x8a: {  	s0 =	sadd.s32 s1, s0  }
0x8b: {  	[smem:$0x3FC2] =	sst s0  }
0x8c: {  	_ = 	snop  }
0x8d: {  	s16 =	sld [smem:$0x3FC8]  }
0x8e: {  	s2 =	sld [smem:$0x3FC6]  }
0x8f: {  	s3 =	sld [smem:$0x3FC5]  }
0x90: {  	s4 =	sld [smem:$0x3FD0];
	(tm) =	ssettm $0x1  }
0x91: {  	s5 =	sld [smem:$0x3FFB];
	_ =	sdelay $0x3  }
0x92: {  	_ =	strace s5  }
0x93: {  	s5 =	sld [smem:$0x3FFC];
	_ =	sdelay $0x3  }
0x94: {  	_ =	strace s5  }
0x95: {  	s5 =	sld [smem:$0x3FFD];
	_ =	sdelay $0x3  }
0x96: {  	_ =	strace s5  }
0x97: {  	_ =	strace $0x8FFFFFFF  }
0x98: {  	s17 =	sld [smem:$0x3FDB];
	_ =	sdelay $0x1  }
0x99: {  	s6 =	simm.s32 $_scs_section_size  }
0x9a: {  	s7 =	simm.s32 $_size__tile_overlayer_lowered;
	s8 =	simm.s32 $_tile_overlayer_lowered  }
0x9b: {  	s20 =	simm.s32 $0x1BFF;
	s19 =	sshll.u32 s8, $0x1;
	s5 =	sadd.s32 s6, s17  }
0x9c: {  	s9 =	simm.s32 $0x0;
	s18 =	sshll.u32 s7, $0x1;
	s7 =	sadd.s32 s19, s5  }
0x9d: {  	[timem:s9], [sflag:s20] =	dma.local [hbm:s7], s18  }
0x9e: {  	_ =	swait.ge [sflag:s20], s18  }
0x9f: {  	s6 =	ssub.s32 $0x0, s18;
	[sflag:s20] =	ssyncset.done $0x0  }
0xa0: {  	[sflag:s20] =	ssyncadd.s32 s6;
	_ =	sdelay $0x1  }
0xa1: {  	s21 =	simm.s32 $0x1B8B  }
0xa2: {  	_ =	swait.ge [sflag:s21], $0x1  }
0xa3: {  	[sflag:s21] =	ssyncset.done $0x0  }
0xa4: {  	s23 =	simm.s32 $0x1B8E;
	s22 =	sld [smem:$0x3FFE];
	[sflag:s21] =	ssyncadd.s32 $0xFFFFFFFF  }
0xa5: {  	s24 =	simm.s32 $execute0_lowered;
	[smem:$0x3FD2] =	sst s23  }
0xa6: {  	s7 =	sshll.u32 s24, $0x1;
	_ =	strace $0x80000049;
	[dreg:$0x1] =	wrdreg $0xFFFFFFFF  }
0xa7: {  	s25 =	simm.s32 $_size_execute0_lowered;
	s5 =	sadd.s32 s5, s7;
	[dreg:$0x0] =	wrdreg $0x0  }
0xa8: {  	s7 =	sshll.u32 s25, $0x1;
	[dreg:$0x2] =	wrdreg s5  }
0xa9: {  	[dreg:$0x3] =	wrdreg s7  }
0xaa: {  	[dreg:$0x4] =	wrdreg $0xC0  }
0xab: {  	_ =	task [dreg:s9], $0x5FFFF  }
0xac: {  	[dreg:$0x1] =	wrdreg $0xFFFFFFFF  }
0xad: {  	[dreg:$0x0] =	wrdreg $0x60  }
0xae: {  	[dreg:$0x2] =	wrdreg s22  }
0xaf: {  	[dreg:$0x3] =	wrdreg s16  }
0xb0: {  	[dreg:$0x4] =	wrdreg s2  }
0xb1: {  	[dreg:$0x5] =	wrdreg s3  }
0xb2: {  	[dreg:$0x6] =	wrdreg s4  }
0xb3: {  	s0 =	sadd.s32 $0x400, s0;
	[dreg:$0x7] =	wrdreg $0x0  }
0xb4: {  	[dreg:$0x8] =	wrdreg s0  }
0xb5: {  	[dreg:$0x9] =	wrdreg $0x27100  }
0xb6: {  	[dreg:$0xa] =	wrdreg $0x4E200  }
0xb7: {  	[dreg:$0xb] =	wrdreg $0x50980  }
0xb8: {  	[dreg:$0xc] =	wrdreg $0x9  }
0xb9: {  	_ =	task.clear_ibuf [dreg:s9], $0xDFFFF;
	_ =	strace $0x90000049  }
0xba: {  	s26 =	simm.s32 $0x9;
	_ =	strace $0x8000004B  }
0xbb: {  	_ =	swait.ge [sflag:s26], $0x1  }
0xbc: {  	[sflag:s26] =	ssyncadd.s32 $0xFFFFFFFF  }
0xbd: {  	_ =	strace $0x9000004B  }
0xbe: {  	_ =	sfence  }
0xbf: {  	s28 =	sld [smem:$0x0];
	_ =	sdelay $0x1  }
0xc0: {  	s29 =	srdreg.scid  }
0xc1: {  	s30 =	sshll.u32 s29, $0xD;
	s31 =	sshrl.u32 s29, $0x2  }
0xc2: {  	s1 =	sand.u32 $0x1, s29;
	s2 =	sand.u32 $0x4000, s30;
	s0 =	sadd.s32 s31, s28  }
0xc3: {  	s1 =	sor.u32 s2, s1;
	s0 =	sshll.u32 s0, $0x11  }
0xc4: {  	s0 =	sor.u32 s0, s1  }
0xc5: {  	s0 =	sadd.s32 $0x8F2B, s0  }
0xc6: {  	[sflag:s0] =	ssyncadd.remote.s32 $0x1  }
0xc7: {  	_ =	sfence.sel $0xFFFF  }
0xc8: {  	[dreg:$0x0] =	wrdreg $0xFFFFFFFF;
	(pc) =	sbr.abs _section_cstart, $3  }
0xc9: {  	[dreg:$0x1] =	wrdreg $0xFFFFFFFF  }
0xca: {  	_ =	task.clear_ibuf [dreg:s9], $0x2FFFF;
	_ =	strace $0x9FFFFFFF  }
0xcb: {  	(tm) =	ssettm $0x7FFFFFFF  }
tec
execute0_lowered:
.L_overlay_start_1:
0x0: {  	(tag) =	ssettag $0x1  }
0x1: {  	s6 =	rddreg [dreg:$0x0]  }
0x2: {  	s5 =	rddreg [dreg:$0x1]  }
0x3: {  	s7 =	rddreg [dreg:$0x2]  }
0x4: {  	s8 =	rddreg [dreg:$0x3]  }
0x5: {  	s4 =	rddreg [dreg:$0x4]  }
0x6: {  	s11 =	rddreg [dreg:$0x5]  }
0x7: {  	s10 =	rddreg [dreg:$0x6]  }
0x8: {  	s9 =	rddreg [dreg:$0x7]  }
0x9: {  	s2 =	rddreg [dreg:$0x8];
	s0 =	stileid.u32  }
0xa: {  	s3 =	rddreg [dreg:$0x9];
	s12 =	smul.u32 $0x9C, s0  }
0xb: {  	s1 =	rddreg [dreg:$0xa];
	s13 =	smin.u32 s0, $0x4  }
0xc: {  	s14 =	simm.s32 $0x0;
	s15 =	simm.s32 $0x5310;
	s12 =	sadd.s32 s13, s12  }
0xd: {  	[smem:$0x7FF] =	sst s14;
	p0 =	sgt.u32 s0, $0x3;
	s12 =	sshll.u32 s12, $0x5  }
0xe: {  	_ =	strace $0x8000004A;
	s19 =	sadd.s32 s5, s12;
	s5 =	sadd.s32 @!p0 s12, s5  }
0xf: {  	[tilespmem:s15], [sflag:$0x9] =	stream.linear.gather [hbm4b:s19+s14], $0x9C00, $0x38;
	[tilespmem:$0x141C0] =	vst v63  }
0x10: {  	s13 =	simm.s32 @!p0 $0xEF10;
	s12 =	simm.s32 @!p0 $0x0;
	s5 =	sadd.s32 @!p0 $0x1380, s5  }
0x11: {  	[tilespmem:s13], [sflag:$0x9] =	stream.linear.gather @!p0 [hbm4b:s5+s12], $0x100, $0x38;
	[tilespmem:$0x141C0] =	vst v63  }
0x12: {  	s20 =	simm.s32 $0x14190;
	s21 =	simm.s32 $0xA  }
0x13: {  	[tilespmem:s20], [sflag:$0xA] =	stream.linear.gather [hbm4b:s7+s14], $0x10, $0x38;
	[tilespmem:$0x141C0] =	vst v63  }
0x14: {  	_ =	swait.ge [sflag:s21], $0x10  }
0x15: {  	[sflag:s21] =	ssyncset.done $0x0  }
0x16: {  	s23 =	simm.s32 $0x141A0;
	[sflag:s21] =	ssyncadd.s32 $0xFFFFFFF0  }
0x17: {  	[tilespmem:s23], [sflag:$0xA] =	stream.linear.gather [hbm4b:s8+s14], $0x10, $0x38;
	[tilespmem:$0x141C0] =	vst v63  }
0x18: {  	s22 =	smul.u32 $0x280, s0;
	_ =	swait.ge [sflag:s21], $0x10  }
0x19: {  	s25 =	simm.s32 $0x141B0;
	s29 =	simm.s32 $0x13C90;
	[sflag:s21] =	ssyncset.done $0x0  }
0x1a: {  	s24 =	sadd.s32 $0x6600, s6;
	s17 =	smin.u32 s22, $0x2490;
	[sflag:s21] =	ssyncadd.s32 $0xFFFFFFF0  }
0x1b: {  	[tilespmem:s25], [sflag:$0xA] =	stream.linear.gather [hbm4b:s24+s14], $0x10, $0x38;
	[tilespmem:$0x141C0] =	vst v63  }
0x1c: {  	s31 =	simm.s32 $0x13A10;
	s18 =	sshrl.u32 s17, $0x3;
	_ =	swait.ge [sflag:s21], $0x10  }
0x1d: {  	p1 =	slt.u32 s0, $0x4;
	s26 =	sadd.s32 s18, s6;
	[sflag:s21] =	ssyncset.done $0x0  }
0x1e: {  	s30 =	sshll.u32 s17, $0x4;
	s28 =	sadd.s32 $0xC00, s26;
	[sflag:s21] =	ssyncadd.s32 $0xFFFFFFF0  }
0x1f: {  	[tilespmem:s29], [sflag:$0xA] =	stream.linear.gather [hbm4b:s28+s14], $0x280, $0x38;
	[tilespmem:$0x141C0] =	vst v63  }
0x20: {  	s4 =	sadd.s32 s4, s18;
	s15 =	simm.s32 $0x0;
	_ =	swait.ge [sflag:s21], $0x280  }
0x21: {  	s13 =	sshll.u32 s17, $0x1;
	s5 =	simm.s32 $0x9D;
	[sflag:s21] =	ssyncset.done $0x0  }
0x22: {  	s12 =	sadd.s32 s30, s9;
	s7 =	sadd.s32 $0x10E2, s26;
	[sflag:s21] =	ssyncadd.s32 $0xFFFFFD80  }
0x23: {  	[tilespmem:s31], [sflag:$0xA] =	stream.linear.gather [hbm4b:s7+s14], $0x280, $0x38;
	[tilespmem:$0x141C0] =	vst v63  }
0x24: {  	s6 =	sadd.s32 s13, s6;
	s5 =	simm.s32 @!p1 $0x9C;
	_ =	swait.ge [sflag:s21], $0x280  }
0x25: {  	s16 =	sadd.s32 $0x1600, s6;
	s6 =	sadd.s32 s17, s3;
	[sflag:s21] =	ssyncset.done $0x0  }
0x26: {  	s8 =	sadd.s32 s17, s2;
	s7 =	simm.s32 $0x99;
	[sflag:s21] =	ssyncadd.s32 $0xFFFFFD80  }
0x27: {  	s17 =	simm.s32 $0x40;
	s14 =	sadd.s32 s30, s11;
	s7 =	simm.s32 @!p1 $0x98;
	v0 =	vld [tilespmem:s15+$0x13C90]  }
.LBB2_1:
0x28: {  	p1 =	sne.s32 s17, $0x9C0;
	v1 =	vld [tilespmem:s15+$0x13A10];
	_ =	sdelay $0x4  }
0x29: {  	v0 =	vadd.f32 v1, v0;
	_ =	sdelay $0x1  }
0x2a: {  	v0 =	vadd.f32 $1.000000000e+00, v0;
	_ =	sdelay $0x1  }
0x2b: {  	v1 =	vshra.s32 v0, $0x1;
	v0 =	vmul.f32 $5.000000000e-01, v0  }
0x2c: {  	v1 =	vsub.s32 $0x5F3759DF, v1  }
0x2d: {  	v2 =	vmul.f32 v1, v0;
	_ =	sdelay $0x1  }
0x2e: {  	v2 =	vmul.f32 v1, v2;
	_ =	sdelay $0x1  }
0x2f: {  	v2 =	vsub.f32 $1.500000000e+00, v2;
	_ =	sdelay $0x1  }
0x30: {  	v1 =	vmul.f32 v1, v2;
	_ =	sdelay $0x1  }
0x31: {  	v2 =	vmul.f32 v1, v0;
	_ =	sdelay $0x1  }
0x32: {  	v2 =	vmul.f32 v2, v1;
	_ =	sdelay $0x1  }
0x33: {  	v2 =	vsub.f32 $1.500000000e+00, v2;
	_ =	sdelay $0x1  }
0x34: {  	v1 =	vmul.f32 v2, v1;
	_ =	sdelay $0x1  }
0x35: {  	v0 =	vmul.f32 v1, v0;
	_ =	sdelay $0x1  }
0x36: {  	v0 =	vmul.f32 v0, v1;
	_ =	sdelay $0x1  }
.Ltmp0:
0x37: {  	v0 =	vsub.f32 $1.500000000e+00, v0;
	(pc) =	sbr.rel @p1 .LBB2_1-.Ltmp0, $4  }
0x38: {  	_ = 	snop  }
0x39: {  	v1 =	vmul.f32 v0, v1  }
0x3a: {  	s18 =	sshra.s32 s17, $0x2  }
0x3b: {  	s17 =	sadd.s32 $0x40, s17;
	v0 =	vld [tilespmem:s18+$0x13C90];
	[tilespmem:s15+$0x13A10] =	vst v1;
	s15 =	smov.u32 s18  }
0x3c: {  	v1 =	vld [tilespmem:s15+$0x13A10];
	_ =	sdelay $0x4  }
0x3d: {  	v0 =	vadd.f32 v1, v0;
	_ =	sdelay $0x1  }
0x3e: {  	v0 =	vadd.f32 $1.000000000e+00, v0;
	_ =	sdelay $0x1  }
0x3f: {  	v1 =	vshra.s32 v0, $0x1;
	v0 =	vmul.f32 $5.000000000e-01, v0  }
0x40: {  	v1 =	vsub.s32 $0x5F3759DF, v1  }
0x41: {  	v2 =	vmul.f32 v1, v0;
	_ =	sdelay $0x1  }
0x42: {  	v2 =	vmul.f32 v1, v2;
	_ =	sdelay $0x1  }
0x43: {  	v2 =	vsub.f32 $1.500000000e+00, v2;
	_ =	sdelay $0x1  }
0x44: {  	v1 =	vmul.f32 v1, v2;
	_ =	sdelay $0x1  }
0x45: {  	v2 =	vmul.f32 v1, v0;
	_ =	sdelay $0x1  }
0x46: {  	v2 =	vmul.f32 v2, v1;
	_ =	sdelay $0x1  }
0x47: {  	v2 =	vsub.f32 $1.500000000e+00, v2;
	_ =	sdelay $0x1  }
0x48: {  	v1 =	vmul.f32 v2, v1;
	_ =	sdelay $0x1  }
0x49: {  	v0 =	vmul.f32 v1, v0;
	_ =	sdelay $0x1  }
0x4a: {  	v0 =	vmul.f32 v0, v1;
	_ =	sdelay $0x1  }
0x4b: {  	v0 =	vsub.f32 $1.500000000e+00, v0;
	_ =	sdelay $0x1  }
0x4c: {  	s17 =	simm.s32 $0x0;
	v1 =	vmul.f32 v0, v1;
	v0 =	vlaneseq.u32  }
0x4d: {  	v2 =	vmov s17;
	v0 =	vmul.u32 $0x10, v0  }
0x4e: {  	s30 =	simm.s32 $0xA;
	[tilespmem:s15+$0x13A10] =	vst v1;
	s15 =	simm.s32 $0x11210;
	v1 =	vshll.u32 v2, $0x4  }
0x4f: {  	[tilespmem:s15], [sflag:$0xA] =	stream.linear.gather [hbm4b:s16+s17], $0x2800, $0x38;
	v1 =	vor.u32 v0, v1;
	[tilespmem:$0x141C0] =	vst v63  }
0x50: {  	_ =	swait.ge [sflag:s30], $0x2800  }
0x51: {  	[sflag:s30] =	ssyncset.done $0x0  }
0x52: {  	s16 =	simm.s32 $0x13A10;
	[sflag:s30] =	ssyncadd.s32 $0xFFFFD800  }
0x53: {  	v4 =	vld [tilespmem:s16+$0x0]  }
0x54: {  	v2 =	vld.idx.msk [tilespmem:v1+s15+$0x0], $0xffff;
	_ =	sdelay $0x2  }
0x55: {  	v3 =	vor.u32 $0x1, v1;
	_ =	sdelay $0x1  }
0x56: {  	v2 =	vmul.f32 v2, v4;
	_ =	sdelay $0x1  }
0x57: {  	[tilespmem:v1+s15+$0x0] =	vst.idx.msk $0xffff, v2  }
0x58: {  	v2 =	vld.idx.msk [tilespmem:v3+s15+$0x0], $0xffff;
	_ =	sdelay $0x2  }
0x59: {  	v5 =	vor.u32 $0x2, v1;
	_ =	sdelay $0x1  }
0x5a: {  	v2 =	vmul.f32 v2, v4;
	_ =	sdelay $0x1  }
0x5b: {  	[tilespmem:v3+s15+$0x0] =	vst.idx.msk $0xffff, v2  }
0x5c: {  	v2 =	vld.idx.msk [tilespmem:v5+s15+$0x0], $0xffff;
	_ =	sdelay $0x2  }
0x5d: {  	v3 =	vor.u32 $0x3, v1;
	_ =	sdelay $0x1  }
0x5e: {  	v2 =	vmul.f32 v2, v4;
	_ =	sdelay $0x1  }
0x5f: {  	[tilespmem:v5+s15+$0x0] =	vst.idx.msk $0xffff, v2  }
0x60: {  	v2 =	vld.idx.msk [tilespmem:v3+s15+$0x0], $0xffff;
	_ =	sdelay $0x2  }
0x61: {  	v5 =	vor.u32 $0x4, v1;
	_ =	sdelay $0x1  }
0x62: {  	v2 =	vmul.f32 v2, v4;
	_ =	sdelay $0x1  }
0x63: {  	[tilespmem:v3+s15+$0x0] =	vst.idx.msk $0xffff, v2  }
0x64: {  	v2 =	vld.idx.msk [tilespmem:v5+s15+$0x0], $0xffff;
	_ =	sdelay $0x2  }
0x65: {  	v3 =	vor.u32 $0x5, v1;
	_ =	sdelay $0x1  }
0x66: {  	v2 =	vmul.f32 v2, v4;
	_ =	sdelay $0x1  }
0x67: {  	[tilespmem:v5+s15+$0x0] =	vst.idx.msk $0xffff, v2  }
0x68: {  	v2 =	vld.idx.msk [tilespmem:v3+s15+$0x0], $0xffff;
	_ =	sdelay $0x2  }
0x69: {  	v5 =	vor.u32 $0x6, v1;
	_ =	sdelay $0x1  }
0x6a: {  	v2 =	vmul.f32 v2, v4;
	_ =	sdelay $0x1  }
0x6b: {  	[tilespmem:v3+s15+$0x0] =	vst.idx.msk $0xffff, v2  }
0x6c: {  	v2 =	vld.idx.msk [tilespmem:v5+s15+$0x0], $0xffff;
	_ =	sdelay $0x2  }
0x6d: {  	v3 =	vor.u32 $0x7, v1;
	_ =	sdelay $0x1  }
0x6e: {  	v2 =	vmul.f32 v2, v4;
	_ =	sdelay $0x1  }
0x6f: {  	[tilespmem:v5+s15+$0x0] =	vst.idx.msk $0xffff, v2  }
0x70: {  	v2 =	vld.idx.msk [tilespmem:v3+s15+$0x0], $0xffff;
	_ =	sdelay $0x2  }
0x71: {  	v5 =	vor.u32 $0x8, v1;
	_ =	sdelay $0x1  }
0x72: {  	v2 =	vmul.f32 v2, v4;
	_ =	sdelay $0x1  }
0x73: {  	[tilespmem:v3+s15+$0x0] =	vst.idx.msk $0xffff, v2  }
0x74: {  	v2 =	vld.idx.msk [tilespmem:v5+s15+$0x0], $0xffff;
	_ =	sdelay $0x2  }
0x75: {  	v3 =	vor.u32 $0x9, v1;
	_ =	sdelay $0x1  }
0x76: {  	v2 =	vmul.f32 v2, v4;
	_ =	sdelay $0x1  }
0x77: {  	[tilespmem:v5+s15+$0x0] =	vst.idx.msk $0xffff, v2  }
0x78: {  	v2 =	vld.idx.msk [tilespmem:v3+s15+$0x0], $0xffff;
	_ =	sdelay $0x2  }
0x79: {  	v5 =	vor.u32 $0xA, v1;
	_ =	sdelay $0x1  }
0x7a: {  	v2 =	vmul.f32 v2, v4;
	_ =	sdelay $0x1  }
0x7b: {  	[tilespmem:v3+s15+$0x0] =	vst.idx.msk $0xffff, v2  }
0x7c: {  	v2 =	vld.idx.msk [tilespmem:v5+s15+$0x0], $0xffff;
	_ =	sdelay $0x2  }
0x7d: {  	v3 =	vor.u32 $0xB, v1;
	_ =	sdelay $0x1  }
0x7e: {  	v2 =	vmul.f32 v2, v4;
	_ =	sdelay $0x1  }
0x7f: {  	[tilespmem:v5+s15+$0x0] =	vst.idx.msk $0xffff, v2  }
0x80: {  	v2 =	vld.idx.msk [tilespmem:v3+s15+$0x0], $0xffff;
	_ =	sdelay $0x2  }
0x81: {  	v5 =	vor.u32 $0xC, v1;
	_ =	sdelay $0x1  }
0x82: {  	v2 =	vmul.f32 v2, v4;
	_ =	sdelay $0x1  }
0x83: {  	[tilespmem:v3+s15+$0x0] =	vst.idx.msk $0xffff, v2  }
0x84: {  	v2 =	vld.idx.msk [tilespmem:v5+s15+$0x0], $0xffff;
	_ =	sdelay $0x2  }
0x85: {  	v3 =	vor.u32 $0xD, v1;
	_ =	sdelay $0x1  }
0x86: {  	v2 =	vmul.f32 v2, v4;
	_ =	sdelay $0x1  }
0x87: {  	[tilespmem:v5+s15+$0x0] =	vst.idx.msk $0xffff, v2  }
0x88: {  	v2 =	vld.idx.msk [tilespmem:v3+s15+$0x0], $0xffff;
	_ =	sdelay $0x2  }
0x89: {  	v5 =	vor.u32 $0xE, v1;
	_ =	sdelay $0x1  }
0x8a: {  	v2 =	vmul.f32 v2, v4;
	_ =	sdelay $0x1  }
0x8b: {  	[tilespmem:v3+s15+$0x0] =	vst.idx.msk $0xffff, v2  }
0x8c: {  	v2 =	vld.idx.msk [tilespmem:v5+s15+$0x0], $0xffff;
	_ =	sdelay $0x2  }
0x8d: {  	v3 =	vor.u32 $0xF, v1;
	_ =	sdelay $0x1  }
0x8e: {  	v1 =	vmul.f32 v2, v4;
	_ =	sdelay $0x1  }
0x8f: {  	[tilespmem:v5+s15+$0x0] =	vst.idx.msk $0xffff, v1  }
0x90: {  	s31 =	simm.s32 $0x10;
	v2 =	vld.idx.msk [tilespmem:v3+s15+$0x0], $0xffff  }
0x91: {  	v1 =	vmov s31  }
0x92: {  	v1 =	vshll.u32 v1, $0x4  }
0x93: {  	v1 =	vor.u32 v0, v1;
	_ =	sdelay $0x1  }
0x94: {  	s17 =	simm.s32 $0x20;
	v2 =	vmul.f32 v2, v4  }
.LBB2_3:
0x95: {  	p1 =	sne.s32 s17, $0x270  }
0x96: {  	s16 =	sadd.s32 $0x10, s16;
	s18 =	smov.u32 s17;
	s17 =	sadd.s32 $0x10, s17;
	[tilespmem:v3+s15+$0x0] =	vst.idx.msk $0xffff, v2  }
0x97: {  	v3 =	vld.idx.msk [tilespmem:v1+s15+$0x0], $0xffff  }
0x98: {  	v2 =	vld [tilespmem:s16+$0x0];
	_ =	sdelay $0x2  }
0x99: {  	v4 =	vor.u32 $0x1, v1;
	_ =	sdelay $0x1  }
0x9a: {  	v3 =	vmul.f32 v3, v2;
	_ =	sdelay $0x1  }
0x9b: {  	[tilespmem:v1+s15+$0x0] =	vst.idx.msk $0xffff, v3  }
0x9c: {  	v3 =	vld.idx.msk [tilespmem:v4+s15+$0x0], $0xffff;
	_ =	sdelay $0x3  }
0x9d: {  	v5 =	vor.u32 $0x2, v1;
	_ =	sdelay $0x1  }
0x9e: {  	v3 =	vmul.f32 v3, v2;
	_ =	sdelay $0x1  }
0x9f: {  	[tilespmem:v4+s15+$0x0] =	vst.idx.msk $0xffff, v3  }
0xa0: {  	v3 =	vld.idx.msk [tilespmem:v5+s15+$0x0], $0xffff;
	_ =	sdelay $0x3  }
0xa1: {  	v4 =	vor.u32 $0x3, v1;
	_ =	sdelay $0x1  }
0xa2: {  	v3 =	vmul.f32 v3, v2;
	_ =	sdelay $0x1  }
0xa3: {  	[tilespmem:v5+s15+$0x0] =	vst.idx.msk $0xffff, v3  }
0xa4: {  	v3 =	vld.idx.msk [tilespmem:v4+s15+$0x0], $0xffff;
	_ =	sdelay $0x3  }
0xa5: {  	v5 =	vor.u32 $0x4, v1;
	_ =	sdelay $0x1  }
0xa6: {  	v3 =	vmul.f32 v3, v2;
	_ =	sdelay $0x1  }
0xa7: {  	[tilespmem:v4+s15+$0x0] =	vst.idx.msk $0xffff, v3  }
0xa8: {  	v3 =	vld.idx.msk [tilespmem:v5+s15+$0x0], $0xffff;
	_ =	sdelay $0x3  }
0xa9: {  	v4 =	vor.u32 $0x5, v1;
	_ =	sdelay $0x1  }
0xaa: {  	v3 =	vmul.f32 v3, v2;
	_ =	sdelay $0x1  }
0xab: {  	[tilespmem:v5+s15+$0x0] =	vst.idx.msk $0xffff, v3  }
0xac: {  	v3 =	vld.idx.msk [tilespmem:v4+s15+$0x0], $0xffff;
	_ =	sdelay $0x3  }
0xad: {  	v5 =	vor.u32 $0x6, v1;
	_ =	sdelay $0x1  }
0xae: {  	v3 =	vmul.f32 v3, v2;
	_ =	sdelay $0x1  }
0xaf: {  	[tilespmem:v4+s15+$0x0] =	vst.idx.msk $0xffff, v3  }
0xb0: {  	v3 =	vld.idx.msk [tilespmem:v5+s15+$0x0], $0xffff;
	_ =	sdelay $0x3  }
0xb1: {  	v4 =	vor.u32 $0x7, v1;
	_ =	sdelay $0x1  }
0xb2: {  	v3 =	vmul.f32 v3, v2;
	_ =	sdelay $0x1  }
0xb3: {  	[tilespmem:v5+s15+$0x0] =	vst.idx.msk $0xffff, v3  }
0xb4: {  	v3 =	vld.idx.msk [tilespmem:v4+s15+$0x0], $0xffff;
	_ =	sdelay $0x3  }
0xb5: {  	v5 =	vor.u32 $0x8, v1;
	_ =	sdelay $0x1  }
0xb6: {  	v3 =	vmul.f32 v3, v2;
	_ =	sdelay $0x1  }
0xb7: {  	[tilespmem:v4+s15+$0x0] =	vst.idx.msk $0xffff, v3  }
0xb8: {  	v3 =	vld.idx.msk [tilespmem:v5+s15+$0x0], $0xffff;
	_ =	sdelay $0x3  }
0xb9: {  	v4 =	vor.u32 $0x9, v1;
	_ =	sdelay $0x1  }
0xba: {  	v3 =	vmul.f32 v3, v2;
	_ =	sdelay $0x1  }
0xbb: {  	[tilespmem:v5+s15+$0x0] =	vst.idx.msk $0xffff, v3  }
0xbc: {  	v3 =	vld.idx.msk [tilespmem:v4+s15+$0x0], $0xffff;
	_ =	sdelay $0x3  }
0xbd: {  	v5 =	vor.u32 $0xA, v1;
	_ =	sdelay $0x1  }
0xbe: {  	v3 =	vmul.f32 v3, v2;
	_ =	sdelay $0x1  }
0xbf: {  	[tilespmem:v4+s15+$0x0] =	vst.idx.msk $0xffff, v3  }
0xc0: {  	v3 =	vld.idx.msk [tilespmem:v5+s15+$0x0], $0xffff;
	_ =	sdelay $0x3  }
0xc1: {  	v4 =	vor.u32 $0xB, v1;
	_ =	sdelay $0x1  }
0xc2: {  	v3 =	vmul.f32 v3, v2;
	_ =	sdelay $0x1  }
0xc3: {  	[tilespmem:v5+s15+$0x0] =	vst.idx.msk $0xffff, v3  }
0xc4: {  	v3 =	vld.idx.msk [tilespmem:v4+s15+$0x0], $0xffff;
	_ =	sdelay $0x3  }
0xc5: {  	v5 =	vor.u32 $0xC, v1;
	_ =	sdelay $0x1  }
0xc6: {  	v3 =	vmul.f32 v3, v2;
	_ =	sdelay $0x1  }
0xc7: {  	[tilespmem:v4+s15+$0x0] =	vst.idx.msk $0xffff, v3  }
0xc8: {  	v3 =	vld.idx.msk [tilespmem:v5+s15+$0x0], $0xffff;
	_ =	sdelay $0x3  }
0xc9: {  	v4 =	vor.u32 $0xD, v1;
	_ =	sdelay $0x1  }
0xca: {  	v3 =	vmul.f32 v3, v2;
	_ =	sdelay $0x1  }
0xcb: {  	[tilespmem:v5+s15+$0x0] =	vst.idx.msk $0xffff, v3  }
0xcc: {  	v3 =	vld.idx.msk [tilespmem:v4+s15+$0x0], $0xffff;
	_ =	sdelay $0x3  }
0xcd: {  	v5 =	vor.u32 $0xE, v1;
	_ =	sdelay $0x1  }
0xce: {  	v3 =	vmul.f32 v3, v2;
	_ =	sdelay $0x1  }
0xcf: {  	[tilespmem:v4+s15+$0x0] =	vst.idx.msk $0xffff, v3  }
0xd0: {  	v4 =	vld.idx.msk [tilespmem:v5+s15+$0x0], $0xffff;
	_ =	sdelay $0x3  }
0xd1: {  	v3 =	vor.u32 $0xF, v1;
	_ =	sdelay $0x1  }
0xd2: {  	v1 =	vmul.f32 v4, v2;
	_ =	sdelay $0x1  }
0xd3: {  	[tilespmem:v5+s15+$0x0] =	vst.idx.msk $0xffff, v1  }
0xd4: {  	v4 =	vld.idx.msk [tilespmem:v3+s15+$0x0], $0xffff;
	_ =	sdelay $0x1  }
.Ltmp1:
0xd5: {  	v1 =	vmov s18;
	(pc) =	sbr.rel @p1 .LBB2_3-.Ltmp1, $3  }
0xd6: {  	v1 =	vshll.u32 v1, $0x4  }
0xd7: {  	v1 =	vor.u32 v0, v1;
	_ =	sdelay $0x1  }
0xd8: {  	v2 =	vmul.f32 v4, v2  }
0xd9: {  	_ =	sdelay $0x3  }
0xda: {  	[tilespmem:v3+s15+$0x0] =	vst.idx.msk $0xffff, v2  }
0xdb: {  	s16 =	sadd.s32 $0x10, s16;
	v0 =	vld.idx.msk [tilespmem:v1+s15+$0x0], $0xffff  }
0xdc: {  	v2 =	vld [tilespmem:s16+$0x0];
	_ =	sdelay $0x2  }
0xdd: {  	v50 =	vor.u32 $0x1, v1;
	_ =	sdelay $0x1  }
0xde: {  	v0 =	vmul.f32 v0, v2;
	_ =	sdelay $0x1  }
0xdf: {  	[tilespmem:v1+s15+$0x0] =	vst.idx.msk $0xffff, v0  }
0xe0: {  	v0 =	vld.idx.msk [tilespmem:v50+s15+$0x0], $0xffff;
	_ =	sdelay $0x2  }
0xe1: {  	v4 =	vor.u32 $0x2, v1;
	_ =	sdelay $0x1  }
0xe2: {  	v0 =	vmul.f32 v0, v2;
	_ =	sdelay $0x1  }
0xe3: {  	[tilespmem:v50+s15+$0x0] =	vst.idx.msk $0xffff, v0  }
0xe4: {  	v0 =	vld.idx.msk [tilespmem:v4+s15+$0x0], $0xffff;
	_ =	sdelay $0x2  }
0xe5: {  	v51 =	vor.u32 $0x3, v1;
	_ =	sdelay $0x1  }
0xe6: {  	v0 =	vmul.f32 v0, v2;
	_ =	sdelay $0x1  }
0xe7: {  	[tilespmem:v4+s15+$0x0] =	vst.idx.msk $0xffff, v0  }
0xe8: {  	v0 =	vld.idx.msk [tilespmem:v51+s15+$0x0], $0xffff;
	_ =	sdelay $0x2  }
0xe9: {  	v52 =	vor.u32 $0x4, v1;
	_ =	sdelay $0x1  }
0xea: {  	v0 =	vmul.f32 v0, v2;
	_ =	sdelay $0x1  }
0xeb: {  	[tilespmem:v51+s15+$0x0] =	vst.idx.msk $0xffff, v0  }
0xec: {  	v0 =	vld.idx.msk [tilespmem:v52+s15+$0x0], $0xffff;
	_ =	sdelay $0x2  }
0xed: {  	v53 =	vor.u32 $0x5, v1;
	_ =	sdelay $0x1  }
0xee: {  	v0 =	vmul.f32 v0, v2;
	_ =	sdelay $0x1  }
0xef: {  	[tilespmem:v52+s15+$0x0] =	vst.idx.msk $0xffff, v0  }
0xf0: {  	v0 =	vld.idx.msk [tilespmem:v53+s15+$0x0], $0xffff;
	_ =	sdelay $0x2  }
0xf1: {  	v54 =	vor.u32 $0x6, v1;
	_ =	sdelay $0x1  }
0xf2: {  	v0 =	vmul.f32 v0, v2;
	_ =	sdelay $0x1  }
0xf3: {  	[tilespmem:v53+s15+$0x0] =	vst.idx.msk $0xffff, v0  }
0xf4: {  	v0 =	vld.idx.msk [tilespmem:v54+s15+$0x0], $0xffff;
	_ =	sdelay $0x2  }
0xf5: {  	v55 =	vor.u32 $0x7, v1;
	_ =	sdelay $0x1  }
0xf6: {  	v0 =	vmul.f32 v0, v2;
	_ =	sdelay $0x1  }
0xf7: {  	[tilespmem:v54+s15+$0x0] =	vst.idx.msk $0xffff, v0  }
0xf8: {  	v0 =	vld.idx.msk [tilespmem:v55+s15+$0x0], $0xffff;
	_ =	sdelay $0x2  }
0xf9: {  	v56 =	vor.u32 $0x8, v1;
	_ =	sdelay $0x1  }
0xfa: {  	v0 =	vmul.f32 v0, v2;
	_ =	sdelay $0x1  }
0xfb: {  	[tilespmem:v55+s15+$0x0] =	vst.idx.msk $0xffff, v0  }
0xfc: {  	v0 =	vld.idx.msk [tilespmem:v56+s15+$0x0], $0xffff;
	_ =	sdelay $0x2  }
0xfd: {  	v57 =	vor.u32 $0x9, v1;
	_ =	sdelay $0x1  }
0xfe: {  	v0 =	vmul.f32 v0, v2;
	_ =	sdelay $0x1  }
0xff: {  	[tilespmem:v56+s15+$0x0] =	vst.idx.msk $0xffff, v0  }
0x100: {  	v0 =	vld.idx.msk [tilespmem:v57+s15+$0x0], $0xffff;
	_ =	sdelay $0x2  }
0x101: {  	v58 =	vor.u32 $0xA, v1;
	_ =	sdelay $0x1  }
0x102: {  	v0 =	vmul.f32 v0, v2;
	_ =	sdelay $0x1  }
0x103: {  	[tilespmem:v57+s15+$0x0] =	vst.idx.msk $0xffff, v0  }
0x104: {  	v0 =	vld.idx.msk [tilespmem:v58+s15+$0x0], $0xffff;
	_ =	sdelay $0x2  }
0x105: {  	v59 =	vor.u32 $0xB, v1;
	_ =	sdelay $0x1  }
0x106: {  	v0 =	vmul.f32 v0, v2;
	_ =	sdelay $0x1  }
0x107: {  	[tilespmem:v58+s15+$0x0] =	vst.idx.msk $0xffff, v0  }
0x108: {  	v0 =	vld.idx.msk [tilespmem:v59+s15+$0x0], $0xffff;
	_ =	sdelay $0x2  }
0x109: {  	v60 =	vor.u32 $0xC, v1;
	_ =	sdelay $0x1  }
0x10a: {  	v0 =	vmul.f32 v0, v2;
	_ =	sdelay $0x1  }
0x10b: {  	[tilespmem:v59+s15+$0x0] =	vst.idx.msk $0xffff, v0  }
0x10c: {  	v0 =	vld.idx.msk [tilespmem:v60+s15+$0x0], $0xffff;
	_ =	sdelay $0x2  }
0x10d: {  	v61 =	vor.u32 $0xD, v1;
	_ =	sdelay $0x1  }
0x10e: {  	v0 =	vmul.f32 v0, v2;
	_ =	sdelay $0x1  }
0x10f: {  	[tilespmem:v60+s15+$0x0] =	vst.idx.msk $0xffff, v0  }
0x110: {  	v0 =	vld.idx.msk [tilespmem:v61+s15+$0x0], $0xffff;
	_ =	sdelay $0x2  }
0x111: {  	v62 =	vor.u32 $0xE, v1;
	_ =	sdelay $0x1  }
0x112: {  	v0 =	vmul.f32 v0, v2;
	_ =	sdelay $0x1  }
0x113: {  	[tilespmem:v61+s15+$0x0] =	vst.idx.msk $0xffff, v0  }
0x114: {  	v0 =	vld.idx.msk [tilespmem:v62+s15+$0x0], $0xffff;
	_ =	sdelay $0x2  }
0x115: {  	v63 =	vor.u32 $0xF, v1;
	_ =	sdelay $0x1  }
0x116: {  	v0 =	vmul.f32 v0, v2;
	_ =	sdelay $0x1  }
0x117: {  	[tilespmem:v62+s15+$0x0] =	vst.idx.msk $0xffff, v0  }
0x118: {  	v0 =	vld.idx.msk [tilespmem:v63+s15+$0x0], $0xffff;
	_ =	sdelay $0x4  }
0x119: {  	v0 =	vmul.f32 v0, v2;
	_ =	sdelay $0x1  }
0x11a: {  	s17 =	simm.s32 $0x11210;
	s18 =	simm.s32 $0xA;
	[tilespmem:v63+s15+$0x0] =	vst.idx.msk $0xffff, v0  }
0x11b: {  	[spmem:s14] =	stream.linear.scatter [tilespmem:s17], [sflag:$0xA], $0x2800, $0x38;
	[tilespmem:$0x141C0] =	vst v63  }
0x11c: {  	_ =	swait.ge [sflag:s18], $0x2800  }
0x11d: {  	[sflag:s18] =	ssyncset.done $0x0  }
0x11e: {  	s13 =	sadd.s32 s13, s10;
	s19 =	simm.s32 $0x0;
	[sflag:s18] =	ssyncadd.s32 $0xFFFFD800  }
0x11f: {  	[hbm4b:s13+s19] =	stream.linear.scatter [tilespmem:s17], [sflag:$0xA], $0x2800, $0x38;
	[tilespmem:$0x141C0] =	vst v63  }
0x120: {  	_ =	swait.ge [sflag:s18], $0x2800  }
0x121: {  	[sflag:s18] =	ssyncset.done $0x0  }
0x122: {  	[sflag:s18] =	ssyncadd.s32 $0xFFFFD800  }
0x123: {  	[spmem:s12] =	stream.linear.scatter [tilespmem:s17], [sflag:$0xA], $0x2800, $0x38;
	[tilespmem:$0x141C0] =	vst v63  }
0x124: {  	_ =	swait.ge [sflag:s18], $0x2800  }
0x125: {  	[sflag:s18] =	ssyncset.done $0x0  }
0x126: {  	[sflag:s18] =	ssyncadd.s32 $0xFFFFD800  }
0x127: {  	s20 =	simm.s32 $0x9;
	[bflag:$0x0] =	sbarrier.arrive $0xFFFF  }
0x128: {  	_ =	swait.ge [sflag:s20], $0x9C00  }
0x129: {  	[sflag:s20] =	ssyncset.done $0x0  }
0x12a: {  	s13 =	simm.s32 @!p0 $0x9;
	[sflag:s20] =	ssyncadd.s32 $0xFFFF6400  }
0x12b: {  	_ =	swait.ge @!p0 [sflag:s13], $0x100  }
0x12c: {  	s21 =	simm.s32 $0x5310;
	[sflag:s13] =	ssyncset.done @!p0 $0x0  }
0x12d: {  	s22 =	simm.s32 $0xF010;
	[sflag:s13] =	ssyncadd.s32 @!p0 $0xFFFFFF00;
	s13 =	simm.s32 $0x80  }
0x12e: {  	[tilespmem:s22], [sflag:$0x1] =	stream.indirect.gather [hbm4b:s10+s13], $0x10, s21, s13, $0xb8;
	[tilespmem:$0x141C0] =	vst v63  }
0x12f: {  	s23 =	simm.s32 $0x5410;
	s17 =	simm.s32 $0xF810  }
0x130: {  	[tilespmem:s17], [sflag:$0x2] =	stream.indirect.gather [hbm4b:s10+s13], $0x10, s23, s13, $0xb8;
	[tilespmem:$0x141C0] =	vst v63  }
0x131: {  	s24 =	simm.s32 $0x5510;
	s25 =	simm.s32 $0x10010;
	s26 =	simm.s32 $0x1  }
0x132: {  	[tilespmem:s25], [sflag:$0x3] =	stream.indirect.gather [hbm4b:s10+s13], $0x10, s24, s13, $0xb8;
	[tilespmem:$0x141C0] =	vst v63  }
0x133: {  	_ =	swait.ge [sflag:s26], $0x800  }
0x134: {  	[sflag:s26] =	ssyncset.done $0x0  }
0x135: {  	s28 =	simm.s32 $0x5390;
	[sflag:s26] =	ssyncadd.s32 $0xFFFFF800  }
0x136: {  	[spmem:s9] =	stream.indirect.scatter.add.f32 [tilespmem:s22], [sflag:$0x5], $0x10, s28, s13, $0xb8;
	[tilespmem:$0x141C0] =	vst v63  }
0x137: {  	s29 =	simm.s32 $0x5610;
	s30 =	simm.s32 $0x10810;
	p2 =	sne.s32 s5, $0x3  }
0x138: {  	[tilespmem:s30], [sflag:$0x4] =	stream.indirect.gather [hbm4b:s10+s13], $0x10, s29, s13, $0xb8;
	[tilespmem:$0x141C0] =	vst v63  }
.Ltmp2:
0x139: {  	s16 =	simm.s32 $0x2;
	(pc) =	sbr.rel @!p2 .LBB2_5-.Ltmp2, $4  }
0x13a: {  	s31 =	simm.s32 $0x5490;
	p1 =	por $0x0, $0x0;
	_ =	swait.ge [sflag:s16], $0x800  }
0x13b: {  	s15 =	simm.s32 $0x3;
	s14 =	simm.s32 $0x5590;
	[sflag:s16] =	ssyncset.done $0x0  }
0x13c: {  	s18 =	simm.s32 $0x4;
	p0 =	sle.u32 s5, $0x4;
	[sflag:s16] =	ssyncadd.s32 $0xFFFFF800  }
0x13d: {  	[spmem:s9] =	stream.indirect.scatter.add.f32 [tilespmem:s17], [sflag:$0x6], $0x10, s31, s13, $0xb8;
	[tilespmem:$0x141C0] =	vst v63  }
0x13e: {  	s17 =	sand.u32 @!p0 $0x3, s18  }
0x13f: {  	p1 =	por @!p0 $0x0, $0x0;
	s20 =	simm.s32 @!p0 $0x5710;
	s18 =	sadd.s32 @!p0 $0x5, s17  }
0x140: {  	s30 =	sand.u32 $0x3, s16;
	s19 =	sshll.u32 @!p0 s17, $0xB;
	_ =	swait.ge @!p0 [sflag:s18], $0x800  }
0x141: {  	p2 =	por !p1, p0;
	s17 =	sadd.s32 @!p0 $0x1, s17;
	[sflag:s18] =	ssyncset.done @!p0 $0x0  }
0x142: {  	s21 =	simm.s32 @!p2 $0x80;
	[sflag:s18] =	ssyncadd.s32 @!p0 $0xFFFFF800;
	s18 =	sadd.s32 @!p0 $0xF010, s19  }
0x143: {  	[tilespmem:s18], [sflag:s17] =	stream.indirect.gather @!p2 [spmem:s11], $0x10, s20, s21, $0xb8;
	[tilespmem:$0x141C0] =	vst v63  }
0x144: {  	p1 =	por p1, p0;
	s31 =	sshll.u32 s30, $0xB;
	p2 =	sne.s32 s5, $0x4  }
.Ltmp3:
0x145: {  	s16 =	simm.s32 @!p1 $0x80;
	s19 =	sadd.s32 $0x1, s30;
	(pc) =	sbr.rel @!p2 .LBB2_7-.Ltmp3, $4  }
0x146: {  	[tilespmem:s18], [sflag:s17] =	stream.indirect.gather @!p1 [hbm4b:s10+s16], $0x10, s20, s16, $0xb8;
	[tilespmem:$0x141C0] =	vst v63  }
0x147: {  	p0 =	sle.u32 s5, $0x5;
	s21 =	sadd.s32 $0x5, s30;
	s18 =	simm.s32 $0x5  }
0x148: {  	s16 =	simm.s32 $0x4;
	s17 =	simm.s32 $0x5690;
	_ =	swait.ge [sflag:s19], $0x800  }
0x149: {  	s20 =	sadd.s32 $0xF010, s31;
	p1 =	por $0x1, $0x1;
	[sflag:s19] =	ssyncset.done $0x0  }
.LBB2_8:
0x14a: {  	s22 =	sadd.s32 $0x2, s16;
	[sflag:s19] =	ssyncadd.s32 $0xFFFFF800;
	s23 =	smov.u32 s16  }
0x14b: {  	s16 =	sadd.s32 $0x1, s16;
	s19 =	smov.u32 s14;
	s14 =	smov.u32 s17  }
0x14c: {  	[spmem:s9] =	stream.indirect.scatter.add.f32 [tilespmem:s20], [sflag:s21], $0x10, s19, s13, $0xb8;
	[tilespmem:$0x141C0] =	vst v63  }
0x14d: {  	p3 =	sgt.u32 @!p0 s15, $0x31;
	p2 =	sne.s32 s5, s16;
	s19 =	sand.u32 @!p0 $0x3, s18  }
0x14e: {  	p4 =	por !p3, p0;
	s20 =	sadd.s32 @!p0 $0x5, s19;
	s21 =	sshll.u32 @!p0 s19, $0xB  }
0x14f: {  	p3 =	por p3, p0;
	s18 =	smov.u32 s22;
	_ =	swait.ge @!p0 [sflag:s20], $0x800  }
0x150: {  	s22 =	sadd.s32 @!p0 $0x180, s17;
	s24 =	simm.s32 @!p4 $0x80;
	[sflag:s20] =	ssyncset.done @!p0 $0x0  }
0x151: {  	s19 =	sadd.s32 @!p0 $0x1, s19;
	[sflag:s20] =	ssyncadd.s32 @!p0 $0xFFFFF800;
	s20 =	sadd.s32 @!p0 $0xF010, s21  }
0x152: {  	[tilespmem:s20], [sflag:s19] =	stream.indirect.gather @!p4 [spmem:s11], $0x10, s22, s24, $0xb8;
	[tilespmem:$0x141C0] =	vst v63  }
.Ltmp4:
0x153: {  	s21 =	sand.u32 $0x3, s15;
	s15 =	simm.s32 @!p3 $0x80;
	(pc) =	sbr.rel @p2 .LBB2_8-.Ltmp4, $4  }
0x154: {  	[tilespmem:s20], [sflag:s19] =	stream.indirect.gather @!p3 [hbm4b:s10+s15], $0x10, s22, s15, $0xb8;
	[tilespmem:$0x141C0] =	vst v63  }
0x155: {  	s19 =	sadd.s32 $0x1, s21;
	s20 =	sshll.u32 s21, $0xB;
	s15 =	smov.u32 s23  }
0x156: {  	s17 =	sadd.s32 $0x100, s17;
	p0 =	sge.u32 s18, s5;
	_ =	swait.ge [sflag:s19], $0x800  }
0x157: {  	s21 =	sadd.s32 $0x5, s21;
	s20 =	sadd.s32 $0xF010, s20;
	[sflag:s19] =	ssyncset.done $0x0  }
0x158: {  	s22 =	smov.u32 s14;
	s14 =	smov.u32 s17;
	s16 =	smov.u32 s15  }
.LBB2_10:
0x159: {  	[sflag:s19] =	ssyncadd.s32 @p1 $0xFFFFF800;
	s15 =	smov.u32 @p1 s22  }
0x15a: {  	[spmem:s9] =	stream.indirect.scatter.add.f32 @p1 [tilespmem:s20], [sflag:s21], $0x10, s15, s13, $0xb8;
	[tilespmem:$0x141C0] =	vst v63  }
0x15b: {  	s19 =	sadd.s32 @!p0 $0x180, s14;
	s15 =	sand.u32 @!p0 $0x3, s18  }
0x15c: {  	s29 =	sand.u32 $0x3, s16;
	p1 =	sgt.u32 @!p0 s16, $0x31;
	s17 =	sadd.s32 @!p0 $0x5, s15  }
0x15d: {  	s18 =	sshll.u32 @!p0 s15, $0xB;
	p2 =	por !p1, p0;
	_ =	swait.ge @!p0 [sflag:s17], $0x800  }
0x15e: {  	p1 =	por p1, p0;
	s15 =	sadd.s32 @!p0 $0x1, s15;
	[sflag:s17] =	ssyncset.done @!p0 $0x0  }
0x15f: {  	s20 =	simm.s32 @!p2 $0x80;
	[sflag:s17] =	ssyncadd.s32 @!p0 $0xFFFFF800;
	s17 =	sadd.s32 @!p0 $0xF010, s18  }
0x160: {  	[tilespmem:s17], [sflag:s15] =	stream.indirect.gather @!p2 [spmem:s11], $0x10, s19, s20, $0xb8;
	[tilespmem:$0x141C0] =	vst v63  }
0x161: {  	s30 =	sadd.s32 $0x1, s29;
	s16 =	simm.s32 @!p1 $0x80  }
0x162: {  	[tilespmem:s17], [sflag:s15] =	stream.indirect.gather @!p1 [hbm4b:s10+s16], $0x10, s19, s16, $0xb8;
	[tilespmem:$0x141C0] =	vst v63  }
0x163: {  	s31 =	sshll.u32 s29, $0xB;
	_ =	swait.ge [sflag:s30], $0x800  }
0x164: {  	s11 =	sadd.s32 $0x5, s29;
	s10 =	sadd.s32 $0x1, s7;
	[sflag:s30] =	ssyncset.done $0x0  }
0x165: {  	s15 =	sadd.s32 $0xF010, s31;
	p0 =	sne.s32 s5, s10;
	[sflag:s30] =	ssyncadd.s32 $0xFFFFF800  }
0x166: {  	[spmem:s9] =	stream.indirect.scatter.add.f32 [tilespmem:s15], [sflag:s11], $0x10, s14, s13, $0xb8;
	[tilespmem:$0x141C0] =	vst v63  }
.Ltmp5:
0x167: {  	_ = 	snop;
	(pc) =	sbr.rel @!p0 .LBB2_12-.Ltmp5, $4  }
0x168: {  	s9 =	sand.u32 $0x3, s7  }
0x169: {  	s11 =	sadd.s32 $0x5, s9  }
0x16a: {  	_ =	swait.ge [sflag:s11], $0x800  }
0x16b: {  	[sflag:s11] =	ssyncset.done $0x0  }
.LBB2_11:
0x16c: {  	[sflag:s11] =	ssyncadd.s32 $0xFFFFF800;
	s11 =	smov.u32 s10;
	s10 =	sadd.s32 $0x1, s10  }
0x16d: {  	p0 =	sne.s32 s5, s10  }
.Ltmp6:
0x16e: {  	(pc) =	sbr.rel @p0 .LBB2_11-.Ltmp6, $4  }
0x16f: {  	s11 =	sand.u32 $0x3, s11  }
0x170: {  	s11 =	sadd.s32 $0x5, s11  }
0x171: {  	_ =	swait.ge [sflag:s11], $0x800  }
0x172: {  	[sflag:s11] =	ssyncset.done $0x0  }
.LBB2_12:
0x173: {  	[sflag:s11] =	ssyncadd.s32 $0xFFFFF800  }
0x174: {  	s10 =	simm.s32 $0x11210;
	s28 =	simm.s32 $0xA;
	[bflag:$0x0] =	sbarrier.arrive $0xFFFF  }
0x175: {  	[tilespmem:s10], [sflag:$0xA] =	stream.linear.gather [spmem:s12], $0x2800, $0x38;
	[tilespmem:$0x141C0] =	vst v63  }
0x176: {  	_ =	swait.ge [sflag:s28], $0x2800  }
0x177: {  	[sflag:s28] =	ssyncset.done $0x0  }
0x178: {  	[sflag:s28] =	ssyncadd.s32 $0xFFFFD800  }
0x179: {  	s29 =	simm.s32 $0x0;
	v0 =	vlaneseq.u32;
	v30 =	vld [tilespmem:$0x14190]  }
0x17a: {  	v26 =	vmul.u32 $0x10, v0;
	v0 =	vmov s29;
	v32 =	vld [tilespmem:$0x141A0]  }
0x17b: {  	v0 =	vshll.u32 v0, $0x4  }
0x17c: {  	v25 =	vor.u32 v26, v0;
	_ =	sdelay $0x1  }
0x17d: {  	v0 =	vor.u32 $0x1, v25;
	v1 =	vor.u32 $0x2, v25;
	v24 =	vbroadcast v30, $0x0  }
0x17e: {  	s30 =	simm.s32 $0x13A10;
	v6 =	vor.u32 $0x3, v25;
	v21 =	vbroadcast v32, $0x0;
	v23 =	vbroadcast v30, $0x1  }
0x17f: {  	v27 =	vor.u32 $0x4, v25;
	v33 =	vld [tilespmem:s30+$0x0];
	v19 =	vbroadcast v32, $0x1;
	v22 =	vbroadcast v30, $0x2  }
0x180: {  	v29 =	vor.u32 $0x5, v25;
	v5 =	vld.idx.msk [tilespmem:v25+s10+$0x0], $0xffff;
	v17 =	vbroadcast v32, $0x2;
	v20 =	vbroadcast v30, $0x3  }
0x181: {  	v34 =	vor.u32 $0x6, v25;
	v15 =	vbroadcast v32, $0x3;
	v18 =	vbroadcast v30, $0x4  }
0x182: {  	v36 =	vor.u32 $0x7, v25;
	v8 =	vld.idx.msk [tilespmem:v0+s10+$0x0], $0xffff;
	v13 =	vbroadcast v32, $0x4;
	v16 =	vbroadcast v30, $0x5  }
0x183: {  	v38 =	vor.u32 $0x8, v25;
	v11 =	vbroadcast v32, $0x5;
	v14 =	vbroadcast v30, $0x6  }
0x184: {  	v39 =	vor.u32 $0x9, v25;
	v28 =	vld.idx.msk [tilespmem:v1+s10+$0x0], $0xffff;
	v9 =	vbroadcast v32, $0x6;
	v12 =	vbroadcast v30, $0x7  }
0x185: {  	v61 =	vor.u32 $0xA, v25;
	v4 =	vbroadcast v32, $0x7;
	v1 =	vmul.f32 v5, v33  }
0x186: {  	v62 =	vor.u32 $0xB, v25;
	v31 =	vld.idx.msk [tilespmem:v6+s10+$0x0], $0xffff;
	v10 =	vbroadcast v30, $0x8;
	v3 =	vbroadcast v32, $0x8  }
0x187: {  	v7 =	vbroadcast v30, $0x9;
	v8 =	vmul.f32 v8, v33;
	v35 =	vadd.f32 v1, v24  }
0x188: {  	v63 =	vor.u32 $0xE, v25;
	v27 =	vld.idx.msk [tilespmem:v27+s10+$0x0], $0xffff;
	v2 =	vbroadcast v32, $0x9;
	v0 =	vbroadcast v32, $0xA  }
0x189: {  	v29 =	vld.idx.msk [tilespmem:v29+s10+$0x0], $0xffff;
	v28 =	vmul.f32 v28, v33;
	v37 =	vadd.f32 v8, v23;
	v35 =	vmax.f32 v35, $0.0e+00  }
0x18a: {  	v42 =	vor.u32 $0xF, v25;
	v34 =	vld.idx.msk [tilespmem:v34+s10+$0x0], $0xffff;
	v6 =	vbroadcast v30, $0xB;
	v35 =	vmul.f32 v35, v21  }
0x18b: {  	v36 =	vld.idx.msk [tilespmem:v36+s10+$0x0], $0xffff;
	v31 =	vmul.f32 v31, v33;
	v28 =	vadd.f32 v28, v22;
	v37 =	vmax.f32 v37, $0.0e+00  }
0x18c: {  	v38 =	vld.idx.msk [tilespmem:v38+s10+$0x0], $0xffff;
	v5 =	vbroadcast v30, $0xA;
	v37 =	vmul.f32 v37, v19;
	v35 =	vadd.f32 $0.0e+00, v35  }
0x18d: {  	v39 =	vld.idx.msk [tilespmem:v39+s10+$0x0], $0xffff;
	v27 =	vmul.f32 v27, v33;
	v31 =	vadd.f32 v31, v20;
	v28 =	vmax.f32 v28, $0.0e+00  }
0x18e: {  	v29 =	vmul.f32 v29, v33;
	v28 =	vmul.f32 v28, v17;
	v35 =	vadd.f32 v37, v35  }
0x18f: {  	v34 =	vmul.f32 v34, v33;
	v27 =	vadd.f32 v27, v18;
	v31 =	vmax.f32 v31, $0.0e+00  }
0x190: {  	v36 =	vmul.f32 v36, v33;
	v31 =	vmul.f32 v31, v15;
	v28 =	vadd.f32 v28, v35  }
0x191: {  	v38 =	vmul.f32 v38, v33;
	v29 =	vadd.f32 v29, v16;
	v27 =	vmax.f32 v27, $0.0e+00  }
0x192: {  	v39 =	vmul.f32 v39, v33;
	v27 =	vmul.f32 v27, v13;
	v28 =	vadd.f32 v31, v28  }
0x193: {  	v34 =	vadd.f32 v34, v14;
	v29 =	vmax.f32 v29, $0.0e+00;
	v37 =	vld.idx.msk [tilespmem:v61+s10+$0x0], $0xffff;
	v31 =	vor.u32 $0xC, v25  }
0x194: {  	v36 =	vadd.f32 v36, v12;
	v27 =	vadd.f32 v27, v28;
	v28 =	vmul.f32 v29, v11  }
0x195: {  	v38 =	vadd.f32 v38, v10;
	v34 =	vmax.f32 v34, $0.0e+00;
	v35 =	vld.idx.msk [tilespmem:v62+s10+$0x0], $0xffff;
	v29 =	vor.u32 $0xD, v25  }
0x196: {  	v1 =	vbroadcast v32, $0xB;
	v27 =	vadd.f32 v28, v27;
	v28 =	vmul.f32 v34, v9  }
0x197: {  	v39 =	vadd.f32 v39, v7;
	v36 =	vmax.f32 v36, $0.0e+00;
	v38 =	vmax.f32 v38, $0.0e+00  }
0x198: {  	v37 =	vmul.f32 v37, v33;
	v31 =	vld.idx.msk [tilespmem:v31+s10+$0x0], $0xffff;
	v27 =	vadd.f32 v28, v27;
	v28 =	vmul.f32 v36, v4  }
0x199: {  	v8 =	vbroadcast v30, $0xC;
	v39 =	vmax.f32 v39, $0.0e+00;
	v38 =	vmul.f32 v38, v3  }
0x19a: {  	v37 =	vadd.f32 v37, v5;
	v35 =	vmul.f32 v35, v33;
	v29 =	vld.idx.msk [tilespmem:v29+s10+$0x0], $0xffff;
	v27 =	vadd.f32 v28, v27  }
0x19b: {  	v39 =	vmul.f32 v39, v2;
	v25 =	vbroadcast v32, $0xC;
	v34 =	vld.idx.msk [tilespmem:v63+s10+$0x0], $0xffff  }
0x19c: {  	v37 =	vmax.f32 v37, $0.0e+00;
	v35 =	vadd.f32 v35, v6;
	v38 =	vadd.f32 v38, v27  }
0x19d: {  	v36 =	vld.idx.msk [tilespmem:v42+s10+$0x0], $0xffff;
	v37 =	vmul.f32 v37, v0;
	v31 =	vmul.f32 v31, v33  }
0x19e: {  	v35 =	vmax.f32 v35, $0.0e+00;
	v28 =	vbroadcast v30, $0xD;
	v38 =	vadd.f32 v39, v38  }
0x19f: {  	v35 =	vmul.f32 v35, v1;
	v31 =	vadd.f32 v31, v8;
	v43 =	vmul.f32 v29, v33  }
0x1a0: {  	v34 =	vmul.f32 v34, v33;
	v27 =	vbroadcast v32, $0xD;
	v37 =	vadd.f32 v37, v38  }
0x1a1: {  	v29 =	vbroadcast v30, $0xE;
	v31 =	vmax.f32 v31, $0.0e+00;
	v44 =	vadd.f32 v43, v28  }
0x1a2: {  	v36 =	vmul.f32 v36, v33;
	v45 =	vmul.f32 v31, v25;
	v35 =	vadd.f32 v35, v37  }
0x1a3: {  	v30 =	vbroadcast v30, $0xF;
	v34 =	vadd.f32 v34, v29;
	v38 =	vmax.f32 v44, $0.0e+00  }
0x1a4: {  	v31 =	vbroadcast v32, $0xE;
	v46 =	vmul.f32 v38, v27;
	v35 =	vadd.f32 v45, v35  }
0x1a5: {  	v36 =	vadd.f32 v36, v30;
	v34 =	vmax.f32 v34, $0.0e+00  }
0x1a6: {  	v32 =	vbroadcast v32, $0xF;
	v34 =	vmul.f32 v34, v31;
	v35 =	vadd.f32 v46, v35  }
0x1a7: {  	s31 =	simm.s32 $0x10;
	v36 =	vmax.f32 v36, $0.0e+00  }
0x1a8: {  	v47 =	vmov s31;
	v48 =	vmul.f32 v36, v32;
	v34 =	vadd.f32 v34, v35  }
0x1a9: {  	v49 =	vshll.u32 v47, $0x4  }
0x1aa: {  	v36 =	vor.u32 v26, v49;
	v34 =	vadd.f32 v48, v34;
	_ =	sdelay $0x1  }
0x1ab: {  	v33 =	vmul.f32 v34, v33  }
0x1ac: {  	s11 =	simm.s32 $0x13C90;
	v50 =	vor.u32 $0x1, v36  }
0x1ad: {  	[tilespmem:s11+$0x0] =	vst v33  }
0x1ae: {  	s12 =	simm.s32 $0x13A20;
	v51 =	vor.u32 $0x2, v36;
	v52 =	vld.idx.msk [tilespmem:v36+s10+$0x0], $0xffff  }
0x1af: {  	v33 =	vld [tilespmem:s12+$0x0]  }
0x1b0: {  	v53 =	vor.u32 $0x3, v36  }
0x1b1: {  	v34 =	vld.idx.msk [tilespmem:v50+s10+$0x0], $0xffff  }
0x1b2: {  	v54 =	vor.u32 $0x4, v36  }
0x1b3: {  	v35 =	vld.idx.msk [tilespmem:v51+s10+$0x0], $0xffff  }
0x1b4: {  	v40 =	vor.u32 $0x5, v36;
	v37 =	vmul.f32 v52, v33  }
0x1b5: {  	v38 =	vld.idx.msk [tilespmem:v53+s10+$0x0], $0xffff  }
0x1b6: {  	v41 =	vor.u32 $0x6, v36;
	v34 =	vmul.f32 v34, v33;
	v37 =	vadd.f32 v37, v24  }
0x1b7: {  	v42 =	vor.u32 $0x7, v36;
	v39 =	vld.idx.msk [tilespmem:v54+s10+$0x0], $0xffff  }
0x1b8: {  	v35 =	vmul.f32 v35, v33;
	v34 =	vadd.f32 v34, v23;
	v37 =	vmax.f32 v37, $0.0e+00  }
0x1b9: {  	v43 =	vor.u32 $0x8, v36;
	v40 =	vld.idx.msk [tilespmem:v40+s10+$0x0], $0xffff;
	v37 =	vmul.f32 v37, v21  }
0x1ba: {  	v38 =	vmul.f32 v38, v33;
	v35 =	vadd.f32 v35, v22;
	v34 =	vmax.f32 v34, $0.0e+00  }
0x1bb: {  	v44 =	vor.u32 $0x9, v36;
	v41 =	vld.idx.msk [tilespmem:v41+s10+$0x0], $0xffff;
	v34 =	vmul.f32 v34, v19;
	v37 =	vadd.f32 $0.0e+00, v37  }
0x1bc: {  	v39 =	vmul.f32 v39, v33;
	v38 =	vadd.f32 v38, v20;
	v35 =	vmax.f32 v35, $0.0e+00  }
0x1bd: {  	v55 =	vor.u32 $0xA, v36;
	v42 =	vld.idx.msk [tilespmem:v42+s10+$0x0], $0xffff;
	v35 =	vmul.f32 v35, v17;
	v34 =	vadd.f32 v34, v37  }
0x1be: {  	v40 =	vmul.f32 v40, v33;
	v39 =	vadd.f32 v39, v18;
	v38 =	vmax.f32 v38, $0.0e+00  }
0x1bf: {  	v57 =	vor.u32 $0xB, v36;
	v43 =	vld.idx.msk [tilespmem:v43+s10+$0x0], $0xffff;
	v56 =	vmul.f32 v38, v15;
	v34 =	vadd.f32 v35, v34  }
0x1c0: {  	v41 =	vmul.f32 v41, v33;
	v40 =	vadd.f32 v40, v16;
	v39 =	vmax.f32 v39, $0.0e+00  }
0x1c1: {  	v59 =	vor.u32 $0xC, v36;
	v44 =	vld.idx.msk [tilespmem:v44+s10+$0x0], $0xffff;
	v58 =	vmul.f32 v39, v13;
	v34 =	vadd.f32 v56, v34  }
0x1c2: {  	v42 =	vmul.f32 v42, v33;
	v41 =	vadd.f32 v41, v14;
	v40 =	vmax.f32 v40, $0.0e+00  }
0x1c3: {  	v61 =	vor.u32 $0xD, v36;
	v60 =	vmul.f32 v40, v11;
	v37 =	vld.idx.msk [tilespmem:v55+s10+$0x0], $0xffff;
	v34 =	vadd.f32 v58, v34  }
0x1c4: {  	v43 =	vmul.f32 v43, v33;
	v42 =	vadd.f32 v42, v12;
	v41 =	vmax.f32 v41, $0.0e+00  }
0x1c5: {  	v63 =	vor.u32 $0xE, v36;
	v38 =	vld.idx.msk [tilespmem:v57+s10+$0x0], $0xffff;
	v62 =	vmul.f32 v41, v9;
	v34 =	vadd.f32 v60, v34  }
0x1c6: {  	v44 =	vmul.f32 v44, v33;
	v43 =	vadd.f32 v43, v10;
	v42 =	vmax.f32 v42, $0.0e+00  }
0x1c7: {  	v36 =	vor.u32 $0xF, v36;
	v39 =	vld.idx.msk [tilespmem:v59+s10+$0x0], $0xffff;
	v45 =	vmul.f32 v42, v4;
	v34 =	vadd.f32 v62, v34  }
0x1c8: {  	v47 =	vadd.f32 v44, v7;
	v46 =	vmax.f32 v43, $0.0e+00;
	v37 =	vmul.f32 v37, v33  }
0x1c9: {  	v40 =	vld.idx.msk [tilespmem:v61+s10+$0x0], $0xffff;
	v48 =	vmul.f32 v46, v3;
	v34 =	vadd.f32 v45, v34  }
0x1ca: {  	v49 =	vmax.f32 v47, $0.0e+00;
	v38 =	vmul.f32 v38, v33;
	v37 =	vadd.f32 v37, v5  }
0x1cb: {  	v41 =	vld.idx.msk [tilespmem:v63+s10+$0x0], $0xffff;
	v50 =	vmul.f32 v49, v2;
	v34 =	vadd.f32 v48, v34  }
0x1cc: {  	v39 =	vmul.f32 v39, v33;
	v38 =	vadd.f32 v38, v6;
	v37 =	vmax.f32 v37, $0.0e+00  }
0x1cd: {  	v36 =	vld.idx.msk [tilespmem:v36+s10+$0x0], $0xffff;
	v51 =	vmul.f32 v37, v0;
	v34 =	vadd.f32 v50, v34  }
0x1ce: {  	v54 =	vmul.f32 v40, v33;
	v53 =	vadd.f32 v39, v8;
	v52 =	vmax.f32 v38, $0.0e+00  }
0x1cf: {  	v55 =	vmul.f32 v52, v1;
	v34 =	vadd.f32 v51, v34  }
0x1d0: {  	v57 =	vadd.f32 v54, v28;
	v56 =	vmax.f32 v53, $0.0e+00;
	v58 =	vmul.f32 v41, v33  }
0x1d1: {  	v59 =	vmul.f32 v56, v25;
	v34 =	vadd.f32 v55, v34  }
0x1d2: {  	v36 =	vmul.f32 v36, v33;
	v60 =	vmax.f32 v57, $0.0e+00;
	v61 =	vadd.f32 v58, v29  }
0x1d3: {  	v62 =	vmul.f32 v60, v27;
	v34 =	vadd.f32 v59, v34  }
0x1d4: {  	v36 =	vadd.f32 v36, v30;
	v63 =	vmax.f32 v61, $0.0e+00  }
0x1d5: {  	v37 =	vmul.f32 v63, v31;
	v34 =	vadd.f32 v62, v34  }
0x1d6: {  	s13 =	simm.s32 $0x20;
	v36 =	vmax.f32 v36, $0.0e+00  }
0x1d7: {  	v36 =	vmul.f32 v36, v32;
	v35 =	vmov s13;
	s13 =	simm.s32 $0x30;
	v34 =	vadd.f32 v37, v34  }
.LBB2_13:
0x1d8: {  	p0 =	sne.s32 s13, $0x270;
	v35 =	vshll.u32 v35, $0x4  }
0x1d9: {  	v35 =	vor.u32 v26, v35;
	v34 =	vadd.f32 v36, v34;
	_ =	sdelay $0x1  }
0x1da: {  	v36 =	vor.u32 $0x1, v35;
	v33 =	vmul.f32 v34, v33  }
0x1db: {  	s11 =	sadd.s32 $0x10, s11  }
0x1dc: {  	v34 =	vor.u32 $0x2, v35;
	[tilespmem:s11+$0x0] =	vst v33  }
0x1dd: {  	s12 =	sadd.s32 $0x10, s12;
	v37 =	vld.idx.msk [tilespmem:v35+s10+$0x0], $0xffff  }
0x1de: {  	v38 =	vor.u32 $0x3, v35;
	v33 =	vld [tilespmem:s12+$0x0]  }
0x1df: {  	v36 =	vld.idx.msk [tilespmem:v36+s10+$0x0], $0xffff  }
0x1e0: {  	v39 =	vor.u32 $0x4, v35  }
0x1e1: {  	v34 =	vld.idx.msk [tilespmem:v34+s10+$0x0], $0xffff  }
0x1e2: {  	v40 =	vor.u32 $0x5, v35  }
0x1e3: {  	v37 =	vmul.f32 v37, v33;
	v38 =	vld.idx.msk [tilespmem:v38+s10+$0x0], $0xffff  }
0x1e4: {  	v41 =	vor.u32 $0x6, v35  }
0x1e5: {  	v36 =	vmul.f32 v36, v33;
	v37 =	vadd.f32 v37, v24;
	v39 =	vld.idx.msk [tilespmem:v39+s10+$0x0], $0xffff  }
0x1e6: {  	v42 =	vor.u32 $0x7, v35  }
0x1e7: {  	v36 =	vadd.f32 v36, v23;
	v34 =	vmul.f32 v34, v33;
	v37 =	vmax.f32 v37, $0.0e+00;
	v40 =	vld.idx.msk [tilespmem:v40+s10+$0x0], $0xffff  }
0x1e8: {  	v43 =	vor.u32 $0x8, v35;
	v37 =	vmul.f32 v37, v21  }
0x1e9: {  	v36 =	vmax.f32 v36, $0.0e+00;
	v34 =	vadd.f32 v34, v22;
	v38 =	vmul.f32 v38, v33;
	v41 =	vld.idx.msk [tilespmem:v41+s10+$0x0], $0xffff  }
0x1ea: {  	v44 =	vor.u32 $0x9, v35;
	v36 =	vmul.f32 v36, v19;
	v37 =	vadd.f32 $0.0e+00, v37  }
0x1eb: {  	v34 =	vmax.f32 v34, $0.0e+00;
	v38 =	vadd.f32 v38, v20;
	v39 =	vmul.f32 v39, v33;
	v42 =	vld.idx.msk [tilespmem:v42+s10+$0x0], $0xffff  }
0x1ec: {  	v34 =	vmul.f32 v34, v17;
	v36 =	vadd.f32 v36, v37;
	v37 =	vor.u32 $0xA, v35  }
0x1ed: {  	v38 =	vmax.f32 v38, $0.0e+00;
	v39 =	vadd.f32 v39, v18;
	v40 =	vmul.f32 v40, v33;
	v43 =	vld.idx.msk [tilespmem:v43+s10+$0x0], $0xffff  }
0x1ee: {  	v34 =	vadd.f32 v34, v36;
	v36 =	vmul.f32 v38, v15;
	v38 =	vor.u32 $0xB, v35  }
0x1ef: {  	v39 =	vmax.f32 v39, $0.0e+00;
	v40 =	vadd.f32 v40, v16;
	v41 =	vmul.f32 v41, v33;
	v44 =	vld.idx.msk [tilespmem:v44+s10+$0x0], $0xffff  }
0x1f0: {  	v34 =	vadd.f32 v36, v34;
	v36 =	vmul.f32 v39, v13;
	v39 =	vor.u32 $0xC, v35  }
0x1f1: {  	v40 =	vmax.f32 v40, $0.0e+00;
	v41 =	vadd.f32 v41, v14;
	v42 =	vmul.f32 v42, v33;
	v37 =	vld.idx.msk [tilespmem:v37+s10+$0x0], $0xffff  }
0x1f2: {  	v34 =	vadd.f32 v36, v34;
	v36 =	vmul.f32 v40, v11;
	v40 =	vor.u32 $0xD, v35  }
0x1f3: {  	v41 =	vmax.f32 v41, $0.0e+00;
	v42 =	vadd.f32 v42, v12;
	v43 =	vmul.f32 v43, v33;
	v38 =	vld.idx.msk [tilespmem:v38+s10+$0x0], $0xffff  }
0x1f4: {  	v34 =	vadd.f32 v36, v34;
	v36 =	vmul.f32 v41, v9;
	v41 =	vor.u32 $0xE, v35  }
0x1f5: {  	v42 =	vmax.f32 v42, $0.0e+00;
	v43 =	vadd.f32 v43, v10;
	v44 =	vmul.f32 v44, v33;
	v39 =	vld.idx.msk [tilespmem:v39+s10+$0x0], $0xffff  }
0x1f6: {  	v35 =	vor.u32 $0xF, v35;
	v34 =	vadd.f32 v36, v34;
	v36 =	vmul.f32 v42, v4  }
0x1f7: {  	v42 =	vmax.f32 v43, $0.0e+00;
	v43 =	vadd.f32 v44, v7;
	v37 =	vmul.f32 v37, v33;
	v40 =	vld.idx.msk [tilespmem:v40+s10+$0x0], $0xffff  }
0x1f8: {  	v34 =	vadd.f32 v36, v34;
	v36 =	vmul.f32 v42, v3  }
0x1f9: {  	v42 =	vmax.f32 v43, $0.0e+00;
	v37 =	vadd.f32 v37, v5;
	v38 =	vmul.f32 v38, v33;
	v41 =	vld.idx.msk [tilespmem:v41+s10+$0x0], $0xffff  }
0x1fa: {  	v34 =	vadd.f32 v36, v34;
	v36 =	vmul.f32 v42, v2  }
0x1fb: {  	v37 =	vmax.f32 v37, $0.0e+00;
	v38 =	vadd.f32 v38, v6;
	v39 =	vmul.f32 v39, v33;
	v35 =	vld.idx.msk [tilespmem:v35+s10+$0x0], $0xffff  }
0x1fc: {  	v34 =	vadd.f32 v36, v34;
	v36 =	vmul.f32 v37, v0  }
0x1fd: {  	v37 =	vmax.f32 v38, $0.0e+00;
	v38 =	vadd.f32 v39, v8;
	v39 =	vmul.f32 v40, v33  }
0x1fe: {  	v34 =	vadd.f32 v36, v34;
	v36 =	vmul.f32 v37, v1  }
0x1ff: {  	v37 =	vmax.f32 v38, $0.0e+00;
	v38 =	vadd.f32 v39, v28;
	v39 =	vmul.f32 v41, v33  }
0x200: {  	v34 =	vadd.f32 v36, v34;
	v36 =	vmul.f32 v37, v25  }
0x201: {  	v37 =	vmax.f32 v38, $0.0e+00;
	v38 =	vadd.f32 v39, v29;
	v35 =	vmul.f32 v35, v33  }
.Ltmp7:
0x202: {  	v34 =	vadd.f32 v36, v34;
	v36 =	vmul.f32 v37, v27;
	(pc) =	sbr.rel @p0 .LBB2_13-.Ltmp7, $4  }
0x203: {  	v37 =	vmax.f32 v38, $0.0e+00;
	v35 =	vadd.f32 v35, v30  }
0x204: {  	v34 =	vadd.f32 v36, v34;
	v36 =	vmul.f32 v37, v31  }
0x205: {  	v37 =	vmax.f32 v35, $0.0e+00  }
0x206: {  	v35 =	vmov s13;
	s13 =	sadd.s32 $0x10, s13;
	v34 =	vadd.f32 v36, v34;
	v36 =	vmul.f32 v37, v32  }
0x207: {  	v35 =	vshll.u32 v35, $0x4  }
0x208: {  	v26 =	vor.u32 v26, v35;
	v34 =	vadd.f32 v36, v34;
	_ =	sdelay $0x1  }
0x209: {  	v33 =	vmul.f32 v34, v33  }
0x20a: {  	s11 =	sadd.s32 $0x10, s11;
	v45 =	vor.u32 $0x1, v26  }
0x20b: {  	[tilespmem:s11+$0x0] =	vst v33  }
0x20c: {  	s12 =	sadd.s32 $0x10, s12;
	v46 =	vor.u32 $0x2, v26;
	v35 =	vld.idx.msk [tilespmem:v26+s10+$0x0], $0xffff  }
0x20d: {  	v36 =	vld [tilespmem:s12+$0x0]  }
0x20e: {  	v37 =	vor.u32 $0x3, v26  }
0x20f: {  	v34 =	vld.idx.msk [tilespmem:v45+s10+$0x0], $0xffff  }
0x210: {  	v38 =	vor.u32 $0x4, v26  }
0x211: {  	v33 =	vld.idx.msk [tilespmem:v46+s10+$0x0], $0xffff  }
0x212: {  	v39 =	vor.u32 $0x5, v26;
	v35 =	vmul.f32 v35, v36  }
0x213: {  	v37 =	vld.idx.msk [tilespmem:v37+s10+$0x0], $0xffff  }
0x214: {  	v40 =	vor.u32 $0x6, v26;
	v34 =	vmul.f32 v34, v36;
	v24 =	vadd.f32 v35, v24  }
0x215: {  	v48 =	vor.u32 $0x7, v26;
	v47 =	vld.idx.msk [tilespmem:v38+s10+$0x0], $0xffff  }
0x216: {  	v33 =	vmul.f32 v33, v36;
	v23 =	vadd.f32 v34, v23;
	v24 =	vmax.f32 v24, $0.0e+00  }
0x217: {  	v50 =	vor.u32 $0x8, v26;
	v49 =	vld.idx.msk [tilespmem:v39+s10+$0x0], $0xffff;
	v21 =	vmul.f32 v24, v21  }
0x218: {  	v51 =	vmul.f32 v37, v36;
	v22 =	vadd.f32 v33, v22;
	v23 =	vmax.f32 v23, $0.0e+00  }
0x219: {  	v53 =	vor.u32 $0x9, v26;
	v52 =	vld.idx.msk [tilespmem:v40+s10+$0x0], $0xffff;
	v19 =	vmul.f32 v23, v19;
	v21 =	vadd.f32 $0.0e+00, v21  }
0x21a: {  	v55 =	vld.idx.msk [tilespmem:v48+s10+$0x0], $0xffff;
	v54 =	vmul.f32 v47, v36;
	v20 =	vadd.f32 v51, v20;
	v22 =	vmax.f32 v22, $0.0e+00  }
0x21b: {  	v56 =	vor.u32 $0xA, v26;
	v17 =	vmul.f32 v22, v17;
	v19 =	vadd.f32 v19, v21  }
0x21c: {  	v57 =	vmul.f32 v49, v36;
	v18 =	vadd.f32 v54, v18;
	v20 =	vmax.f32 v20, $0.0e+00  }
0x21d: {  	v58 =	vor.u32 $0xB, v26;
	v24 =	vld.idx.msk [tilespmem:v50+s10+$0x0], $0xffff;
	v15 =	vmul.f32 v20, v15;
	v17 =	vadd.f32 v17, v19  }
0x21e: {  	v60 =	vld.idx.msk [tilespmem:v53+s10+$0x0], $0xffff;
	v59 =	vmul.f32 v52, v36;
	v16 =	vadd.f32 v57, v16;
	v18 =	vmax.f32 v18, $0.0e+00  }
0x21f: {  	v62 =	vmul.f32 v55, v36;
	v13 =	vmul.f32 v18, v13;
	v15 =	vadd.f32 v15, v17  }
0x220: {  	v61 =	vor.u32 $0xC, v26;
	v14 =	vadd.f32 v59, v14;
	v16 =	vmax.f32 v16, $0.0e+00  }
0x221: {  	v63 =	vld.idx.msk [tilespmem:v56+s10+$0x0], $0xffff;
	v12 =	vadd.f32 v62, v12;
	v11 =	vmul.f32 v16, v11;
	v13 =	vadd.f32 v13, v15  }
0x222: {  	v14 =	vmax.f32 v14, $0.0e+00;
	v23 =	vor.u32 $0xD, v26;
	v33 =	vmul.f32 v24, v36  }
0x223: {  	v37 =	vmul.f32 v60, v36;
	v34 =	vld.idx.msk [tilespmem:v58+s10+$0x0], $0xffff;
	v9 =	vmul.f32 v14, v9;
	v11 =	vadd.f32 v11, v13  }
0x224: {  	v35 =	vor.u32 $0xE, v26;
	v12 =	vmax.f32 v12, $0.0e+00;
	v10 =	vadd.f32 v33, v10  }
0x225: {  	v38 =	vld.idx.msk [tilespmem:v61+s10+$0x0], $0xffff;
	v39 =	vor.u32 $0xF, v26;
	v4 =	vmul.f32 v12, v4;
	v9 =	vadd.f32 v9, v11  }
0x226: {  	v40 =	vmul.f32 v63, v36;
	v7 =	vadd.f32 v37, v7;
	v10 =	vmax.f32 v10, $0.0e+00  }
0x227: {  	v41 =	vld.idx.msk [tilespmem:v23+s10+$0x0], $0xffff;
	v3 =	vmul.f32 v10, v3;
	v4 =	vadd.f32 v4, v9  }
0x228: {  	v5 =	vadd.f32 v40, v5;
	v7 =	vmax.f32 v7, $0.0e+00;
	v42 =	vmul.f32 v34, v36  }
0x229: {  	v2 =	vmul.f32 v7, v2;
	v43 =	vld.idx.msk [tilespmem:v35+s10+$0x0], $0xffff;
	v3 =	vadd.f32 v3, v4  }
0x22a: {  	v46 =	vmul.f32 v38, v36;
	v44 =	vmax.f32 v5, $0.0e+00;
	v45 =	vadd.f32 v42, v6  }
0x22b: {  	v47 =	vld.idx.msk [tilespmem:v39+s10+$0x0], $0xffff;
	v0 =	vmul.f32 v44, v0;
	v2 =	vadd.f32 v2, v3  }
0x22c: {  	v49 =	vadd.f32 v46, v8;
	v48 =	vmax.f32 v45, $0.0e+00;
	v50 =	vmul.f32 v41, v36  }
0x22d: {  	v1 =	vmul.f32 v48, v1;
	v0 =	vadd.f32 v0, v2  }
0x22e: {  	v51 =	vmax.f32 v49, $0.0e+00;
	v53 =	vmul.f32 v43, v36;
	v52 =	vadd.f32 v50, v28  }
0x22f: {  	v54 =	vmul.f32 v51, v25;
	v0 =	vadd.f32 v1, v0  }
0x230: {  	v57 =	vmul.f32 v47, v36;
	v56 =	vadd.f32 v53, v29;
	v55 =	vmax.f32 v52, $0.0e+00  }
0x231: {  	v58 =	vmul.f32 v55, v27;
	v0 =	vadd.f32 v54, v0  }
0x232: {  	v60 =	vadd.f32 v57, v30;
	v59 =	vmax.f32 v56, $0.0e+00  }
0x233: {  	v61 =	vmul.f32 v59, v31;
	v0 =	vadd.f32 v58, v0  }
0x234: {  	v62 =	vmax.f32 v60, $0.0e+00  }
0x235: {  	v63 =	vmul.f32 v62, v32;
	v0 =	vadd.f32 v61, v0;
	_ =	sdelay $0x1  }
0x236: {  	v0 =	vadd.f32 v63, v0;
	_ =	sdelay $0x1  }
0x237: {  	v0 =	vmul.f32 v0, v36  }
0x238: {  	s16 =	sadd.s32 $0x10, s11  }
0x239: {  	s17 =	simm.s32 $0x13C90;
	s18 =	simm.s32 $0xA;
	[tilespmem:s16+$0x0] =	vst v0  }
0x23a: {  	[spmem:s8] =	stream.linear.scatter [tilespmem:s17], [sflag:$0xA], $0x280, $0x38;
	[tilespmem:$0x141C0] =	vst v63  }
0x23b: {  	_ =	swait.ge [sflag:s18], $0x280  }
0x23c: {  	[sflag:s18] =	ssyncset.done $0x0  }
0x23d: {  	[sflag:s18] =	ssyncadd.s32 $0xFFFFFD80  }
0x23e: {  	[spmem:s6] =	stream.linear.scatter [tilespmem:s17], [sflag:$0xA], $0x280, $0x38;
	[tilespmem:$0x141C0] =	vst v63  }
0x23f: {  	_ =	swait.ge [sflag:s18], $0x280  }
0x240: {  	[sflag:s18] =	ssyncset.done $0x0  }
0x241: {  	s19 =	simm.s32 $0x5310;
	[sflag:s18] =	ssyncadd.s32 $0xFFFFFD80  }
0x242: {  	s20 =	simm.s32 $0x11010;
	s8 =	simm.s32 $0x80;
	[bflag:$0x0] =	sbarrier.arrive $0xFFFF  }
0x243: {  	[tilespmem:s20], [sflag:$0x1] =	stream.indirect.gather [spmem:s2], $0x1, s19, s8, $0xb8;
	[tilespmem:$0x141C0] =	vst v63  }
0x244: {  	s21 =	simm.s32 $0x5410;
	s22 =	simm.s32 $0x11090  }
0x245: {  	[tilespmem:s22], [sflag:$0x2] =	stream.indirect.gather [spmem:s2], $0x1, s21, s8, $0xb8;
	[tilespmem:$0x141C0] =	vst v63  }
0x246: {  	s23 =	simm.s32 $0x5510;
	s13 =	simm.s32 $0x11110;
	s24 =	simm.s32 $0x1  }
0x247: {  	[tilespmem:s13], [sflag:$0x3] =	stream.indirect.gather [spmem:s2], $0x1, s23, s8, $0xb8;
	[tilespmem:$0x141C0] =	vst v63  }
0x248: {  	_ =	swait.ge [sflag:s24], $0x80  }
0x249: {  	[sflag:s24] =	ssyncset.done $0x0  }
0x24a: {  	s25 =	simm.s32 $0x5390;
	[sflag:s24] =	ssyncadd.s32 $0xFFFFFF80  }
0x24b: {  	[spmem:s3] =	stream.indirect.scatter.add.f32 [tilespmem:s20], [sflag:$0x5], $0x1, s25, s8, $0xb8;
	[tilespmem:$0x141C0] =	vst v63  }
0x24c: {  	s26 =	simm.s32 $0x5610;
	s28 =	simm.s32 $0x11190;
	s29 =	simm.s32 $0x2  }
0x24d: {  	[tilespmem:s28], [sflag:$0x4] =	stream.indirect.gather [spmem:s2], $0x1, s26, s8, $0xb8;
	[tilespmem:$0x141C0] =	vst v63  }
0x24e: {  	p0 =	sle.u32 s5, $0x4;
	s10 =	simm.s32 $0x4;
	_ =	swait.ge [sflag:s29], $0x80  }
0x24f: {  	s12 =	sand.u32 @!p0 $0x3, s10;
	[sflag:s29] =	ssyncset.done $0x0  }
0x250: {  	s30 =	simm.s32 $0x5490;
	s13 =	sadd.s32 @!p0 $0x5, s12;
	[sflag:s29] =	ssyncadd.s32 $0xFFFFFF80  }
0x251: {  	[spmem:s3] =	stream.indirect.scatter.add.f32 [tilespmem:s22], [sflag:$0x6], $0x1, s30, s8, $0xb8;
	[tilespmem:$0x141C0] =	vst v63  }
0x252: {  	s14 =	sshll.u32 @!p0 s12, $0x7;
	_ =	swait.ge @!p0 [sflag:s13], $0x80  }
0x253: {  	s11 =	simm.s32 @!p0 $0x80;
	s14 =	sor.u32 @!p0 $0x11010, s14;
	[sflag:s13] =	ssyncset.done @!p0 $0x0  }
0x254: {  	s12 =	sadd.s32 @!p0 $0x1, s12;
	[sflag:s13] =	ssyncadd.s32 @!p0 $0xFFFFFF80;
	s13 =	simm.s32 @!p0 $0x5710  }
0x255: {  	[tilespmem:s14], [sflag:s12] =	stream.indirect.gather @!p0 [spmem:s2], $0x1, s13, s11, $0xb8;
	[tilespmem:$0x141C0] =	vst v63  }
0x256: {  	p0 =	sne.s32 s5, $0x3  }
.Ltmp8:
0x257: {  	s15 =	sand.u32 $0x3, s29;
	(pc) =	sbr.rel @!p0 .LBB2_16-.Ltmp8, $4  }
0x258: {  	s16 =	sadd.s32 $0x1, s15  }
0x259: {  	s31 =	sshll.u32 s15, $0x7;
	s10 =	simm.s32 $0x5590;
	_ =	swait.ge [sflag:s16], $0x80  }
0x25a: {  	s11 =	simm.s32 $0x3;
	s12 =	simm.s32 $0x5690;
	[sflag:s16] =	ssyncset.done $0x0  }
0x25b: {  	s13 =	sor.u32 $0x11010, s31;
	s14 =	sadd.s32 $0x5, s15;
	[sflag:s16] =	ssyncadd.s32 $0xFFFFFF80  }
.LBB2_15:
0x25c: {  	[spmem:s3] =	stream.indirect.scatter.add.f32 [tilespmem:s13], [sflag:s14], $0x1, s10, s8, $0xb8;
	[tilespmem:$0x141C0] =	vst v63  }
0x25d: {  	s13 =	sadd.s32 $0x2, s11;
	s14 =	smov.u32 s11;
	s11 =	sadd.s32 $0x1, s11  }
0x25e: {  	s10 =	smov.u32 s12;
	p1 =	sge.u32 s13, s5;
	p0 =	sne.s32 s5, s11  }
0x25f: {  	s13 =	sand.u32 @!p1 $0x3, s13  }
0x260: {  	s15 =	sadd.s32 @!p1 $0x5, s13;
	s16 =	sshll.u32 @!p1 s13, $0x7;
	s13 =	sadd.s32 @!p1 $0x1, s13  }
0x261: {  	s14 =	sand.u32 $0x3, s14;
	s16 =	sor.u32 @!p1 $0x11010, s16;
	_ =	swait.ge @!p1 [sflag:s15], $0x80  }
0x262: {  	s17 =	simm.s32 @!p1 $0x80;
	s18 =	sadd.s32 $0x1, s14;
	[sflag:s15] =	ssyncset.done @!p1 $0x0  }
.Ltmp9:
0x263: {  	[sflag:s15] =	ssyncadd.s32 @!p1 $0xFFFFFF80;
	s15 =	sadd.s32 @!p1 $0x180, s12;
	(pc) =	sbr.rel @p0 .LBB2_15-.Ltmp9, $4  }
0x264: {  	[tilespmem:s16], [sflag:s13] =	stream.indirect.gather @!p1 [spmem:s2], $0x1, s15, s17, $0xb8;
	[tilespmem:$0x141C0] =	vst v63  }
0x265: {  	s13 =	sshll.u32 s14, $0x7;
	_ =	swait.ge [sflag:s18], $0x80  }
0x266: {  	s12 =	sadd.s32 $0x100, s12;
	[sflag:s18] =	ssyncset.done $0x0  }
0x267: {  	s14 =	sadd.s32 $0x5, s14;
	s13 =	sor.u32 $0x11010, s13;
	[sflag:s18] =	ssyncadd.s32 $0xFFFFFF80  }
.LBB2_16:
0x268: {  	s2 =	sadd.s32 $0x1, s7  }
0x269: {  	p0 =	sne.s32 s5, s2  }
.Ltmp10:
0x26a: {  	_ = 	snop;
	(pc) =	sbr.rel @!p0 .LBB2_18-.Ltmp10, $4  }
0x26b: {  	[spmem:s3] =	stream.indirect.scatter.add.f32 [tilespmem:s13], [sflag:s14], $0x1, s10, s8, $0xb8;
	[tilespmem:$0x141C0] =	vst v63  }
0x26c: {  	s3 =	sadd.s32 $0x5, s9  }
0x26d: {  	_ =	swait.ge [sflag:s3], $0x80  }
0x26e: {  	[sflag:s3] =	ssyncset.done $0x0  }
.LBB2_17:
0x26f: {  	[sflag:s3] =	ssyncadd.s32 $0xFFFFFF80;
	s3 =	smov.u32 s2;
	s2 =	sadd.s32 $0x1, s2  }
0x270: {  	p0 =	sne.s32 s5, s2  }
.Ltmp11:
0x271: {  	(pc) =	sbr.rel @p0 .LBB2_17-.Ltmp11, $4  }
0x272: {  	s3 =	sand.u32 $0x3, s3  }
0x273: {  	s3 =	sadd.s32 $0x5, s3  }
0x274: {  	_ =	swait.ge [sflag:s3], $0x80  }
0x275: {  	[sflag:s3] =	ssyncset.done $0x0  }
.LBB2_18:
0x276: {  	[sflag:s3] =	ssyncadd.s32 $0xFFFFFF80  }
0x277: {  	s2 =	simm.s32 $0x13C90;
	s31 =	simm.s32 $0xA;
	[bflag:$0x0] =	sbarrier.arrive $0xFFFF  }
0x278: {  	[tilespmem:s2], [sflag:$0xA] =	stream.linear.gather [spmem:s6], $0x280, $0x38;
	[tilespmem:$0x141C0] =	vst v63  }
0x279: {  	_ =	swait.ge [sflag:s31], $0x280  }
0x27a: {  	[sflag:s31] =	ssyncset.done $0x0  }
0x27b: {  	s2 =	simm.s32 $0x0;
	[sflag:s31] =	ssyncadd.s32 $0xFFFFFD80  }
0x27c: {  	v1 =	vld [tilespmem:s2+$0x13C90]  }
0x27d: {  	v2 =	vld [tilespmem:s2+$0x13A10];
	_ =	sdelay $0x1  }
0x27e: {  	v0 =	vld [tilespmem:$0x141B0]  }
0x27f: {  	s3 =	simm.s32 $0x40  }
.LBB2_19:
0x280: {  	s5 =	sshra.s32 s3, $0x2;
	p0 =	sne.s32 s3, $0x9C0  }
.Ltmp12:
0x281: {  	s3 =	sadd.s32 $0x40, s3;
	v3 =	vmul.f32 v2, v1;
	v1 =	vld [tilespmem:s5+$0x13C90];
	(pc) =	sbr.rel @p0 .LBB2_19-.Ltmp12, $3  }
0x282: {  	v2 =	vld [tilespmem:s5+$0x13A10]  }
0x283: {  	v3 =	vadd.f32 v3, v0;
	_ =	sdelay $0x1  }
0x284: {  	[tilespmem:s2+$0x13F10] =	vst v3;
	s2 =	smov.u32 s5  }
0x285: {  	_ = 	snop  }
0x286: {  	v1 =	vmul.f32 v2, v1;
	_ =	sdelay $0x1  }
0x287: {  	v0 =	vadd.f32 v1, v0;
	_ =	sdelay $0x1  }
0x288: {  	s30 =	simm.s32 $0x0;
	s3 =	simm.s32 $0x13F10;
	s31 =	simm.s32 $0xA;
	[tilespmem:s2+$0x13F10] =	vst v0  }
0x289: {  	[hbm4b:s4+s30] =	stream.linear.scatter [tilespmem:s3], [sflag:$0xA], $0x280, $0x38;
	[tilespmem:$0x141C0] =	vst v63  }
0x28a: {  	_ =	swait.ge [sflag:s31], $0x280  }
0x28b: {  	[sflag:s31] =	ssyncset.done $0x0  }
0x28c: {  	[sflag:s31] =	ssyncadd.s32 $0xFFFFFD80  }
0x28d: {  	_ =	sfence.sel $0x180000  }
0x28e: {  	[bflag:$0x0] =	sbarrier.arrive $0xFFFF  }
0x28f: {  	p0 =	sne.s32 s0, $0x0;
	_ =	strace $0x9000004A  }
0x290: {  	s0 =	sadd.s32 @!p0 $0x100000, s1;
	[bflag:$0x2] =	sbarrier.arrive $0xFFFF  }
0x291: {  	[sflag:s0] =	ssyncadd.tile.s32 @!p0 $0x1;
	_ =	shalt  }
.LBB2_5:
.Ltmp13:
0x292: {  	(pc) =	sbr.rel .LBB2_10-.Ltmp13, $2  }
0x293: {  	_ =	sdelay $0x2  }
0x294: {  	_ = 	snop  }
.LBB2_7:
.Ltmp14:
0x295: {  	(pc) =	sbr.rel .LBB2_10-.Ltmp14, $3  }
0x296: {  	_ =	sdelay $0x1  }
0x297: {  	s22 =	simm.s32 $0x5590  }
0x298: {  	s14 =	simm.s32 $0x5690;
	s18 =	simm.s32 $0x5;
	s16 =	simm.s32 $0x3  }
.Lfunc_end2:
_tile_overlayer_lowered:
.L_overlay_start_2:
0x299: {  	(tag) =	ssettag $0x2  }
0x29a: {  	s0 =	rddreg [dreg:$0x0];
	s2 =	stileid.u32  }
0x29b: {  	s1 =	rddreg [dreg:$0x1];
	p0 =	sne.s32 s2, $0x0  }
0x29c: {  	s3 =	rddreg [dreg:$0x2];
	[bflag:$0x3] =	sbarrier.arrive $0xFFFF;
	s2 =	simm.s32 @!p0 $0x1C0A  }
0x29d: {  	[timem:s3], [sflag:s2] =	dma.local @!p0 [hbm:s0], s1  }
0x29e: {  	s0 =	simm.s32 @!p0 $0xA  }
0x29f: {  	_ =	swait.ge @!p0 [sflag:s0], s1  }
0x2a0: {  	s1 =	ssub.s32 @!p0 $0x0, s1;
	[sflag:s0] =	ssyncset.done @!p0 $0x0  }
0x2a1: {  	[sflag:s0] =	ssyncadd.s32 @!p0 s1  }
0x2a2: {  	[bflag:$0x3] =	sbarrier.arrive $0xFFFF  }
0x2a3: {  	_ =	shalt  }

</sc_bundles>
